<compile_context>
chip_gen: v7x
topology: tpu7x:2x2x1
jax: 0.10.2.dev20260603
libtpu: 0.0.44.dev20260713+nightly
codegen_flags: <defaults>
</compile_context>

<pallas_src>
import functools

import jax
import jax.numpy as jnp
from jax import lax
from jax.experimental import pallas as pl
from jax.experimental.pallas import tpu as pltpu
from jax.experimental.pallas import tpu_sc as plsc

N_PW = 8
EMBED = 128
L = 16
NC, NS = 2, 16
NW = NC * NS
C = 128
NINT = 3 + 2 * N_PW
WTM_ROWS = 560
PAIR_ROWS = 2401
PAIR_PAD = 2432
TBL_ROWS = WTM_ROWS + 4 * PAIR_PAD


def _build_table(W, b):
    WT = W.T
    w_ = jnp.arange(8)
    tl_ = jnp.arange(10)
    mtl_ = jnp.arange(7)
    t_wtm = (WT[w_ + 1][:, None, None, :]
             + WT[9 + tl_][None, :, None, :]
             + WT[19 + mtl_][None, None, :, :]
             + b).reshape(WTM_ROWS, EMBED)
    v = jnp.arange(7)
    parts = [t_wtm]
    for j in range(4):
        p0, p1 = 2 * j, 2 * j + 1
        mn0 = WT[106 + 8 * p0 + v + 1]
        mx0 = WT[26 + 10 * p0 + v + 1]
        mn1 = WT[106 + 8 * p1 + v + 1]
        mx1 = WT[26 + 10 * p1 + v + 1]
        tj = (mn0[:, None, None, None, :] + mx0[None, :, None, None, :]
              + mn1[None, None, :, None, :] + mx1[None, None, None, :, :]
              ).reshape(PAIR_ROWS, EMBED)
        parts.append(jnp.pad(tj, ((0, PAIR_PAD - PAIR_ROWS), (0, 0))))
    return jnp.concatenate(parts, axis=0)


def _sc_body(tbl, ints_h, out_h, iv, idx_v, rows_v, out_v, sem):
    sid = lax.axis_index("s")
    wid = sid * NC + lax.axis_index("c")
    n_t = out_h.shape[0]
    b0 = wid * C

    def step(t, carry):
        pltpu.sync_copy(ints_h.at[t, :, pl.ds(b0, C)], iv)
        for g in range(C // L):
            sl = pl.ds(g * L, L)
            idx_v[0, sl] = (iv[0, sl] * 10 + iv[1, sl]) * 7 + iv[2, sl]
            for j in range(4):
                m0 = iv[3 + 4 * j, sl]
                x0 = iv[4 + 4 * j, sl]
                m1 = iv[5 + 4 * j, sl]
                x1 = iv[6 + 4 * j, sl]
                idx_v[1 + j, sl] = (((m0 * 7 + x0) * 7 + m1) * 7 + x1
                                    + (WTM_ROWS + PAIR_PAD * j))
        cps = [pltpu.async_copy(tbl.at[idx_v.at[s]], rows_v.at[s], sem)
               for s in range(5)]
        for cp in cps:
            cp.wait()

        @plsc.parallel_loop(0, C, 1, unroll=4)
        def acc_row(c):
            for vv in range(EMBED // L):
                slv = pl.ds(vv * L, L)
                a = rows_v[0, c, slv] + rows_v[1, c, slv]
                a = a + rows_v[2, c, slv]
                a = a + rows_v[3, c, slv]
                a = a + rows_v[4, c, slv]
                out_v[c, slv] = a
        pltpu.sync_copy(out_v, out_h.at[t, pl.ds(b0, C)])
        return carry

    lax.fori_loop(0, n_t, step, 0)


def kernel(weather, time_left, min_time_left, pseudo_weather, W, b):
    B, T = weather.shape
    tbl = _build_table(W, b)
    ints_t = jnp.concatenate(
        [weather.T.astype(jnp.int32)[:, None, :],
         time_left.T.astype(jnp.int32)[:, None, :],
         min_time_left.T.astype(jnp.int32)[:, None, :],
         jnp.transpose(pseudo_weather.astype(jnp.int32),
                       (1, 2, 3, 0)).reshape(T, 2 * N_PW, B)],
        axis=1)

    mesh = plsc.VectorSubcoreMesh(core_axis_name="c", subcore_axis_name="s")
    run = pl.kernel(
        _sc_body,
        out_type=jax.ShapeDtypeStruct((T, B, EMBED), jnp.float32),
        mesh=mesh,
        compiler_params=pltpu.CompilerParams(needs_layout_passes=False),
        scratch_types=[
            pltpu.VMEM((NINT, C), jnp.int32),
            pltpu.VMEM((5, C), jnp.int32),
            pltpu.VMEM((5, C, EMBED), jnp.float32),
            pltpu.VMEM((C, EMBED), jnp.float32),
            pltpu.SemaphoreType.DMA,
        ],
    )
    out = run(tbl, ints_t)
    return jnp.transpose(out, (1, 0, 2))

# --- scband reference (transcript-rebuilt; emitter-appended) ---
"""Pipeline reference for scband-weather-encoder-42906723287268 (READ-ONLY COPY).

The authoritative reference and input builder live on the scoring server;
editing this copy changes nothing except your own understanding.
"""

import jax, jax.numpy as jnp
import numpy as np

N_WEATHERS = 8   # len(WEATHERS), so weather table is eye(9)
N_PW = 8         # len(PSEUDOWEATHERS)
EMBED_DIM = 128
LIN_IN = (N_WEATHERS + 1) + 10 + 7 + 8 * N_PW + 10 * N_PW  # 9+10+7+64+80 = 170


def setup_inputs(seed: int = 0) -> dict:
    key = jax.random.key(seed)
    ks = jax.random.split(key, 6)
    B, T = 4096, 50
    weather = jax.random.randint(ks[0], (B, T), 0, N_WEATHERS)
    time_left = jax.random.randint(ks[1], (B, T), 0, 10)
    min_time_left = jax.random.randint(ks[2], (B, T), 0, 7)
    # values +1 must index both eye(8) (min) and eye(10) (max) -> keep in [0, 7)
    pseudo_weather = jax.random.randint(ks[3], (B, T, N_PW, 2), 0, 7)
    W = jax.random.normal(ks[4], (EMBED_DIM, LIN_IN), dtype=jnp.float32) * (1.0 / np.sqrt(LIN_IN))
    b = jax.random.normal(ks[5], (EMBED_DIM,), dtype=jnp.float32) * 0.01
    return {
        "weather": weather,
        "time_left": time_left,
        "min_time_left": min_time_left,
        "pseudo_weather": pseudo_weather,
        "W": W,
        "b": b,
    }


def reference(weather, time_left, min_time_left, pseudo_weather, W, b):
    eye_weather = jnp.eye(N_WEATHERS + 1, dtype=jnp.float32)
    eye_tl = jnp.eye(10, dtype=jnp.float32)
    eye_mtl = jnp.eye(7, dtype=jnp.float32)
    eye_pw_min = jnp.eye(8, dtype=jnp.float32)
    eye_pw_max = jnp.eye(10, dtype=jnp.float32)

    weather_onehot = jnp.take(eye_weather, weather + 1, axis=0)          # [B,T,9]
    time_left_onehot = jnp.take(eye_tl, time_left, axis=0)               # [B,T,10]
    min_time_left_onehot = jnp.take(eye_mtl, min_time_left, axis=0)      # [B,T,7]

    pseudo_weather_x = pseudo_weather + 1
    pw_min_time_left = pseudo_weather_x[..., 0]                          # [B,T,P]
    pw_max_time_left = pseudo_weather_x[..., 1]                          # [B,T,P]

    pw_min_oh = jnp.take(eye_pw_min, pw_min_time_left, axis=0)           # [B,T,P,8]
    pw_min_oh = pw_min_oh.reshape(pw_min_oh.shape[0], pw_min_oh.shape[1], -1)  # Flatten(2)
    pw_max_oh = jnp.take(eye_pw_max, pw_max_time_left, axis=0)           # [B,T,P,10]
    pw_max_oh = pw_max_oh.reshape(pw_max_oh.shape[0], pw_max_oh.shape[1], -1)

    weather_emb = jnp.concatenate(
        (weather_onehot, time_left_onehot, min_time_left_onehot, pw_max_oh, pw_min_oh),
        axis=-1,
    )  # [B,T,170]
    return weather_emb @ W.T + b

if __name__ == "__main__":
    import jax
    _d = setup_inputs()
    print(jax.jit(kernel)(*tuple(_d.values())))

</pallas_src>

<mosaic_0001>
#map = affine_map<(d0, d1) -> (0, 0)>
#map1 = affine_map<(d0, d1) -> (0, 0, 0)>
module attributes {stable_mosaic.version = 14 : i64} {
  func.func @_sc_body(%arg0: i32, %arg1: i32, %arg2: memref<10288x128xf32, #tpu.memory_space<hbm>>, %arg3: memref<50x19x4096xi32, #tpu.memory_space<hbm>>, %arg4: memref<50x4096x128xf32, #tpu.memory_space<hbm>>, %arg5: memref<19x128xi32, #tpu.memory_space<vmem>>, %arg6: memref<5x128xi32, #tpu.memory_space<vmem>>, %arg7: memref<5x128x128xf32, #tpu.memory_space<vmem>>, %arg8: memref<128x128xf32, #tpu.memory_space<vmem>>, %arg9: memref<!tpu.dma_semaphore, #tpu.memory_space<semaphore_mem>>) attributes {dimension_semantics = [#tpu.dimension_semantics<core_parallel>, #tpu.dimension_semantics<subcore_parallel>], iteration_bounds = array<i64: 2, 16>, scalar_prefetch = 0 : i64, scratch_operands = 5 : i64, tpu.core_type = #tpu.core_type<sc_vector_subcore>, window_params = [{transform_indices = #map}, {transform_indices = #map1}, {transform_indices = #map1}]} {
    %mul3A = arith.constant 2 : i32
    %mul3A_0 = arith.muli %arg1, %mul3A : i32
    %add3A = arith.addi %mul3A_0, %arg0 : i32
    %mul3A_1 = arith.constant 128 : i32
    %mul3A_2 = arith.muli %add3A, %mul3A_1 : i32
    %scan3A = arith.constant 0 : i32
    %scan3A_3 = arith.constant 0 : i32
    %scan3A_4 = arith.constant 50 : i32
    %scan3A_5 = arith.addi %scan3A_3, %scan3A_4 : i32
    %scan3A_6 = arith.constant 1 : i32
    scf.for %scan3A_8 = %scan3A_3 to %scan3A_5 step %scan3A_6  : i32 {
      "tpu.region"() ({
        %run_scoped3A = tpu.sem_alloc : memref<!tpu.dma_semaphore, #tpu.memory_space<semaphore_mem>>
        %dma_start3A_1439 = arith.constant 0 : i32
        %dma_start3A_1440 = tpu.memref_slice %arg3[%scan3A_8, %dma_start3A_1439, %mul3A_2] : memref<50x19x4096xi32, #tpu.memory_space<hbm>> -> memref<1x19x128xi32, #tpu.memory_space<hbm>>
        %dma_start3A_1441 = tpu.memref_squeeze %dma_start3A_1440 : memref<1x19x128xi32, #tpu.memory_space<hbm>> -> memref<19x128xi32, #tpu.memory_space<hbm>>
        %dma_start3A_1442 = arith.constant 0 : i32
        %dma_start3A_1443 = tpu.memref_slice %arg3[%scan3A_8, %dma_start3A_1442, %mul3A_2] : memref<50x19x4096xi32, #tpu.memory_space<hbm>> -> memref<1x19x128xi32, #tpu.memory_space<hbm>>
        %dma_start3A_1444 = tpu.memref_squeeze %dma_start3A_1443 : memref<1x19x128xi32, #tpu.memory_space<hbm>> -> memref<19x128xi32, #tpu.memory_space<hbm>>
        tpu.enqueue_dma source(%dma_start3A_1444 : memref<19x128xi32, #tpu.memory_space<hbm>>) target(%arg5 : memref<19x128xi32, #tpu.memory_space<vmem>>) target_semaphore(%run_scoped3A : memref<!tpu.dma_semaphore, #tpu.memory_space<semaphore_mem>>)
        %dma_wait3A_1445 = arith.constant 0 : i32
        %dma_wait3A_1446 = tpu.memref_slice %arg3[%scan3A_8, %dma_wait3A_1445, %mul3A_2] : memref<50x19x4096xi32, #tpu.memory_space<hbm>> -> memref<1x19x128xi32, #tpu.memory_space<hbm>>
        %dma_wait3A_1447 = tpu.memref_squeeze %dma_wait3A_1446 : memref<1x19x128xi32, #tpu.memory_space<hbm>> -> memref<19x128xi32, #tpu.memory_space<hbm>>
        %dma_wait3A_1448 = arith.constant 0 : i32
        %dma_wait3A_1449 = tpu.memref_slice %arg3[%scan3A_8, %dma_wait3A_1448, %mul3A_2] : memref<50x19x4096xi32, #tpu.memory_space<hbm>> -> memref<1x19x128xi32, #tpu.memory_space<hbm>>
        %dma_wait3A_1450 = tpu.memref_squeeze %dma_wait3A_1449 : memref<1x19x128xi32, #tpu.memory_space<hbm>> -> memref<19x128xi32, #tpu.memory_space<hbm>>
        tpu.wait_dma2 semaphore(%run_scoped3A : memref<!tpu.dma_semaphore, #tpu.memory_space<semaphore_mem>>) src(%dma_wait3A_1450 : memref<19x128xi32, #tpu.memory_space<hbm>>) dst(%arg5 : memref<19x128xi32, #tpu.memory_space<vmem>>)
        tpu.yield
      }) : () -> ()
      %get3A = arith.constant 0 : i32
      %get3A_9 = arith.index_cast %get3A : i32 to index
      %get3A_10 = arith.constant 0 : index
      %get3A_11 = tpu.vector_load %arg5[%get3A_9, %get3A_10] {strides = array<i32>} : memref<19x128xi32, #tpu.memory_space<vmem>>, vector<16xi32>,
      %mul3A_12 = arith.constant 10 : i32
      %mul3A_13 = vector.broadcast %mul3A_12 : i32 to vector<16xi32>
      %mul3A_14 = arith.muli %get3A_11, %mul3A_13 : vector<16xi32>
      %get3A_15 = arith.constant 1 : i32
      %get3A_16 = arith.index_cast %get3A_15 : i32 to index
      %get3A_17 = arith.constant 0 : index
      %get3A_18 = tpu.vector_load %arg5[%get3A_16, %get3A_17] {strides = array<i32>} : memref<19x128xi32, #tpu.memory_space<vmem>>, vector<16xi32>,
      %add3A_19 = arith.addi %mul3A_14, %get3A_18 : vector<16xi32>
      %mul3A_20 = arith.constant 7 : i32
      %mul3A_21 = vector.broadcast %mul3A_20 : i32 to vector<16xi32>
      %mul3A_22 = arith.muli %add3A_19, %mul3A_21 : vector<16xi32>
      %get3A_23 = arith.constant 2 : i32
      %get3A_24 = arith.index_cast %get3A_23 : i32 to index
      %get3A_25 = arith.constant 0 : index
      %get3A_26 = tpu.vector_load %arg5[%get3A_24, %get3A_25] {strides = array<i32>} : memref<19x128xi32, #tpu.memory_space<vmem>>, vector<16xi32>,
      %add3A_27 = arith.addi %mul3A_22, %get3A_26 : vector<16xi32>
      %swap3A = arith.constant 0 : i32
      %swap3A_28 = arith.index_cast %swap3A : i32 to index
      %swap3A_29 = arith.constant 0 : index
      %swap3A_30 = tpu.vector_load %arg6[%swap3A_28, %swap3A_29] {strides = array<i32>} : memref<5x128xi32, #tpu.memory_space<vmem>>, vector<16xi32>,
      tpu.vector_store %arg6[%swap3A_28, %swap3A_29], %add3A_27 {strides = array<i32>} : memref<5x128xi32, #tpu.memory_space<vmem>>, vector<16xi32>,
      %get3A_31 = arith.constant 3 : i32
      %get3A_32 = arith.index_cast %get3A_31 : i32 to index
      %get3A_33 = arith.constant 0 : index
      %get3A_34 = tpu.vector_load %arg5[%get3A_32, %get3A_33] {strides = array<i32>} : memref<19x128xi32, #tpu.memory_space<vmem>>, vector<16xi32>,
      %get3A_35 = arith.constant 4 : i32
      %get3A_36 = arith.index_cast %get3A_35 : i32 to index
      %get3A_37 = arith.constant 0 : index
      %get3A_38 = tpu.vector_load %arg5[%get3A_36, %get3A_37] {strides = array<i32>} : memref<19x128xi32, #tpu.memory_space<vmem>>, vector<16xi32>,
      %get3A_39 = arith.constant 5 : i32
      %get3A_40 = arith.index_cast %get3A_39 : i32 to index
      %get3A_41 = arith.constant 0 : index
      %get3A_42 = tpu.vector_load %arg5[%get3A_40, %get3A_41] {strides = array<i32>} : memref<19x128xi32, #tpu.memory_space<vmem>>, vector<16xi32>,
      %get3A_43 = arith.constant 6 : i32
      %get3A_44 = arith.index_cast %get3A_43 : i32 to index
      %get3A_45 = arith.constant 0 : index
      %get3A_46 = tpu.vector_load %arg5[%get3A_44, %get3A_45] {strides = array<i32>} : memref<19x128xi32, #tpu.memory_space<vmem>>, vector<16xi32>,
      %mul3A_47 = arith.constant 7 : i32
      %mul3A_48 = vector.broadcast %mul3A_47 : i32 to vector<16xi32>
      %mul3A_49 = arith.muli %get3A_34, %mul3A_48 : vector<16xi32>
      %add3A_50 = arith.addi %mul3A_49, %get3A_38 : vector<16xi32>
      %mul3A_51 = arith.constant 7 : i32
      %mul3A_52 = vector.broadcast %mul3A_51 : i32 to vector<16xi32>
      %mul3A_53 = arith.muli %add3A_50, %mul3A_52 : vector<16xi32>
      %add3A_54 = arith.addi %mul3A_53, %get3A_42 : vector<16xi32>
      %mul3A_55 = arith.constant 7 : i32
      %mul3A_56 = vector.broadcast %mul3A_55 : i32 to vector<16xi32>
      %mul3A_57 = arith.muli %add3A_54, %mul3A_56 : vector<16xi32>
      %add3A_58 = arith.addi %mul3A_57, %get3A_46 : vector<16xi32>
      %add3A_59 = arith.constant 560 : i32
      %add3A_60 = vector.broadcast %add3A_59 : i32 to vector<16xi32>
      %add3A_61 = arith.addi %add3A_58, %add3A_60 : vector<16xi32>
      %swap3A_62 = arith.constant 1 : i32
      %swap3A_63 = arith.index_cast %swap3A_62 : i32 to index
      %swap3A_64 = arith.constant 0 : index
      %swap3A_65 = tpu.vector_load %arg6[%swap3A_63, %swap3A_64] {strides = array<i32>} : memref<5x128xi32, #tpu.memory_space<vmem>>, vector<16xi32>,
      tpu.vector_store %arg6[%swap3A_63, %swap3A_64], %add3A_61 {strides = array<i32>} : memref<5x128xi32, #tpu.memory_space<vmem>>, vector<16xi32>,
      %get3A_66 = arith.constant 7 : i32
      %get3A_67 = arith.index_cast %get3A_66 : i32 to index
      %get3A_68 = arith.constant 0 : index
      %get3A_69 = tpu.vector_load %arg5[%get3A_67, %get3A_68] {strides = array<i32>} : memref<19x128xi32, #tpu.memory_space<vmem>>, vector<16xi32>,
      %get3A_70 = arith.constant 8 : i32
      %get3A_71 = arith.index_cast %get3A_70 : i32 to index
      %get3A_72 = arith.constant 0 : index
      %get3A_73 = tpu.vector_load %arg5[%get3A_71, %get3A_72] {strides = array<i32>} : memref<19x128xi32, #tpu.memory_space<vmem>>, vector<16xi32>,
      %get3A_74 = arith.constant 9 : i32
      %get3A_75 = arith.index_cast %get3A_74 : i32 to index
      %get3A_76 = arith.constant 0 : index
      %get3A_77 = tpu.vector_load %arg5[%get3A_75, %get3A_76] {strides = array<i32>} : memref<19x128xi32, #tpu.memory_space<vmem>>, vector<16xi32>,
      %get3A_78 = arith.constant 10 : i32
      %get3A_79 = arith.index_cast %get3A_78 : i32 to index
      %get3A_80 = arith.constant 0 : index
      %get3A_81 = tpu.vector_load %arg5[%get3A_79, %get3A_80] {strides = array<i32>} : memref<19x128xi32, #tpu.memory_space<vmem>>, vector<16xi32>,
      %mul3A_82 = arith.constant 7 : i32
      %mul3A_83 = vector.broadcast %mul3A_82 : i32 to vector<16xi32>
      %mul3A_84 = arith.muli %get3A_69, %mul3A_83 : vector<16xi32>
      %add3A_85 = arith.addi %mul3A_84, %get3A_73 : vector<16xi32>
      %mul3A_86 = arith.constant 7 : i32
      %mul3A_87 = vector.broadcast %mul3A_86 : i32 to vector<16xi32>
      %mul3A_88 = arith.muli %add3A_85, %mul3A_87 : vector<16xi32>
      %add3A_89 = arith.addi %mul3A_88, %get3A_77 : vector<16xi32>
      %mul3A_90 = arith.constant 7 : i32
      %mul3A_91 = vector.broadcast %mul3A_90 : i32 to vector<16xi32>
      %mul3A_92 = arith.muli %add3A_89, %mul3A_91 : vector<16xi32>
      %add3A_93 = arith.addi %mul3A_92, %get3A_81 : vector<16xi32>
      %add3A_94 = arith.constant 2992 : i32
      %add3A_95 = vector.broadcast %add3A_94 : i32 to vector<16xi32>
      %add3A_96 = arith.addi %add3A_93, %add3A_95 : vector<16xi32>
      %swap3A_97 = arith.constant 2 : i32
      %swap3A_98 = arith.index_cast %swap3A_97 : i32 to index
      %swap3A_99 = arith.constant 0 : index
      %swap3A_100 = tpu.vector_load %arg6[%swap3A_98, %swap3A_99] {strides = array<i32>} : memref<5x128xi32, #tpu.memory_space<vmem>>, vector<16xi32>,
      tpu.vector_store %arg6[%swap3A_98, %swap3A_99], %add3A_96 {strides = array<i32>} : memref<5x128xi32, #tpu.memory_space<vmem>>, vector<16xi32>,
      %get3A_101 = arith.constant 11 : i32
      %get3A_102 = arith.index_cast %get3A_101 : i32 to index
      %get3A_103 = arith.constant 0 : index
      %get3A_104 = tpu.vector_load %arg5[%get3A_102, %get3A_103] {strides = array<i32>} : memref<19x128xi32, #tpu.memory_space<vmem>>, vector<16xi32>,
      %get3A_105 = arith.constant 12 : i32
      %get3A_106 = arith.index_cast %get3A_105 : i32 to index
      %get3A_107 = arith.constant 0 : index
      %get3A_108 = tpu.vector_load %arg5[%get3A_106, %get3A_107] {strides = array<i32>} : memref<19x128xi32, #tpu.memory_space<vmem>>, vector<16xi32>,
      %get3A_109 = arith.constant 13 : i32
      %get3A_110 = arith.index_cast %get3A_109 : i32 to index
      %get3A_111 = arith.constant 0 : index
      %get3A_112 = tpu.vector_load %arg5[%get3A_110, %get3A_111] {strides = array<i32>} : memref<19x128xi32, #tpu.memory_space<vmem>>, vector<16xi32>,
      %get3A_113 = arith.constant 14 : i32
      %get3A_114 = arith.index_cast %get3A_113 : i32 to index
      %get3A_115 = arith.constant 0 : index
      %get3A_116 = tpu.vector_load %arg5[%get3A_114, %get3A_115] {strides = array<i32>} : memref<19x128xi32, #tpu.memory_space<vmem>>, vector<16xi32>,
      %mul3A_117 = arith.constant 7 : i32
      %mul3A_118 = vector.broadcast %mul3A_117 : i32 to vector<16xi32>
      %mul3A_119 = arith.muli %get3A_104, %mul3A_118 : vector<16xi32>
      %add3A_120 = arith.addi %mul3A_119, %get3A_108 : vector<16xi32>
      %mul3A_121 = arith.constant 7 : i32
      %mul3A_122 = vector.broadcast %mul3A_121 : i32 to vector<16xi32>
      %mul3A_123 = arith.muli %add3A_120, %mul3A_122 : vector<16xi32>
      %add3A_124 = arith.addi %mul3A_123, %get3A_112 : vector<16xi32>
      %mul3A_125 = arith.constant 7 : i32
      %mul3A_126 = vector.broadcast %mul3A_125 : i32 to vector<16xi32>
      %mul3A_127 = arith.muli %add3A_124, %mul3A_126 : vector<16xi32>
      %add3A_128 = arith.addi %mul3A_127, %get3A_116 : vector<16xi32>
      %add3A_129 = arith.constant 5424 : i32
      %add3A_130 = vector.broadcast %add3A_129 : i32 to vector<16xi32>
      %add3A_131 = arith.addi %add3A_128, %add3A_130 : vector<16xi32>
      %swap3A_132 = arith.constant 3 : i32
      %swap3A_133 = arith.index_cast %swap3A_132 : i32 to index
      %swap3A_134 = arith.constant 0 : index
      %swap3A_135 = tpu.vector_load %arg6[%swap3A_133, %swap3A_134] {strides = array<i32>} : memref<5x128xi32, #tpu.memory_space<vmem>>, vector<16xi32>,
      tpu.vector_store %arg6[%swap3A_133, %swap3A_134], %add3A_131 {strides = array<i32>} : memref<5x128xi32, #tpu.memory_space<vmem>>, vector<16xi32>,
      %get3A_136 = arith.constant 15 : i32
      %get3A_137 = arith.index_cast %get3A_136 : i32 to index
      %get3A_138 = arith.constant 0 : index
      %get3A_139 = tpu.vector_load %arg5[%get3A_137, %get3A_138] {strides = array<i32>} : memref<19x128xi32, #tpu.memory_space<vmem>>, vector<16xi32>,
      %get3A_140 = arith.constant 16 : i32
      %get3A_141 = arith.index_cast %get3A_140 : i32 to index
      %get3A_142 = arith.constant 0 : index
      %get3A_143 = tpu.vector_load %arg5[%get3A_141, %get3A_142] {strides = array<i32>} : memref<19x128xi32, #tpu.memory_space<vmem>>, vector<16xi32>,
      %get3A_144 = arith.constant 17 : i32
      %get3A_145 = arith.index_cast %get3A_144 : i32 to index
      %get3A_146 = arith.constant 0 : index
      %get3A_147 = tpu.vector_load %arg5[%get3A_145, %get3A_146] {strides = array<i32>} : memref<19x128xi32, #tpu.memory_space<vmem>>, vector<16xi32>,
      %get3A_148 = arith.constant 18 : i32
      %get3A_149 = arith.index_cast %get3A_148 : i32 to index
      %get3A_150 = arith.constant 0 : index
      %get3A_151 = tpu.vector_load %arg5[%get3A_149, %get3A_150] {strides = array<i32>} : memref<19x128xi32, #tpu.memory_space<vmem>>, vector<16xi32>,
      %mul3A_152 = arith.constant 7 : i32
      %mul3A_153 = vector.broadcast %mul3A_152 : i32 to vector<16xi32>
      %mul3A_154 = arith.muli %get3A_139, %mul3A_153 : vector<16xi32>
      %add3A_155 = arith.addi %mul3A_154, %get3A_143 : vector<16xi32>
      %mul3A_156 = arith.constant 7 : i32
      %mul3A_157 = vector.broadcast %mul3A_156 : i32 to vector<16xi32>
      %mul3A_158 = arith.muli %add3A_155, %mul3A_157 : vector<16xi32>
      %add3A_159 = arith.addi %mul3A_158, %get3A_147 : vector<16xi32>
      %mul3A_160 = arith.constant 7 : i32
      %mul3A_161 = vector.broadcast %mul3A_160 : i32 to vector<16xi32>
      %mul3A_162 = arith.muli %add3A_159, %mul3A_161 : vector<16xi32>
      %add3A_163 = arith.addi %mul3A_162, %get3A_151 : vector<16xi32>
      %add3A_164 = arith.constant 7856 : i32
      %add3A_165 = vector.broadcast %add3A_164 : i32 to vector<16xi32>
      %add3A_166 = arith.addi %add3A_163, %add3A_165 : vector<16xi32>
      %swap3A_167 = arith.constant 4 : i32
      %swap3A_168 = arith.index_cast %swap3A_167 : i32 to index
      %swap3A_169 = arith.constant 0 : index
      %swap3A_170 = tpu.vector_load %arg6[%swap3A_168, %swap3A_169] {strides = array<i32>} : memref<5x128xi32, #tpu.memory_space<vmem>>, vector<16xi32>,
      tpu.vector_store %arg6[%swap3A_168, %swap3A_169], %add3A_166 {strides = array<i32>} : memref<5x128xi32, #tpu.memory_space<vmem>>, vector<16xi32>,
      %get3A_171 = arith.constant 0 : i32
      %get3A_172 = arith.index_cast %get3A_171 : i32 to index
      %get3A_173 = arith.constant 16 : index
      %get3A_174 = tpu.vector_load %arg5[%get3A_172, %get3A_173] {strides = array<i32>} : memref<19x128xi32, #tpu.memory_space<vmem>>, vector<16xi32>,
      %mul3A_175 = arith.constant 10 : i32
      %mul3A_176 = vector.broadcast %mul3A_175 : i32 to vector<16xi32>
      %mul3A_177 = arith.muli %get3A_174, %mul3A_176 : vector<16xi32>
      %get3A_178 = arith.constant 1 : i32
      %get3A_179 = arith.index_cast %get3A_178 : i32 to index
      %get3A_180 = arith.constant 16 : index
      %get3A_181 = tpu.vector_load %arg5[%get3A_179, %get3A_180] {strides = array<i32>} : memref<19x128xi32, #tpu.memory_space<vmem>>, vector<16xi32>,
      %add3A_182 = arith.addi %mul3A_177, %get3A_181 : vector<16xi32>
      %mul3A_183 = arith.constant 7 : i32
      %mul3A_184 = vector.broadcast %mul3A_183 : i32 to vector<16xi32>
      %mul3A_185 = arith.muli %add3A_182, %mul3A_184 : vector<16xi32>
      %get3A_186 = arith.constant 2 : i32
      %get3A_187 = arith.index_cast %get3A_186 : i32 to index
      %get3A_188 = arith.constant 16 : index
      %get3A_189 = tpu.vector_load %arg5[%get3A_187, %get3A_188] {strides = array<i32>} : memref<19x128xi32, #tpu.memory_space<vmem>>, vector<16xi32>,
      %add3A_190 = arith.addi %mul3A_185, %get3A_189 : vector<16xi32>
      %swap3A_191 = arith.constant 0 : i32
      %swap3A_192 = arith.index_cast %swap3A_191 : i32 to index
      %swap3A_193 = arith.constant 16 : index
      %swap3A_194 = tpu.vector_load %arg6[%swap3A_192, %swap3A_193] {strides = array<i32>} : memref<5x128xi32, #tpu.memory_space<vmem>>, vector<16xi32>,
      tpu.vector_store %arg6[%swap3A_192, %swap3A_193], %add3A_190 {strides = array<i32>} : memref<5x128xi32, #tpu.memory_space<vmem>>, vector<16xi32>,
      %get3A_195 = arith.constant 3 : i32
      %get3A_196 = arith.index_cast %get3A_195 : i32 to index
      %get3A_197 = arith.constant 16 : index
      %get3A_198 = tpu.vector_load %arg5[%get3A_196, %get3A_197] {strides = array<i32>} : memref<19x128xi32, #tpu.memory_space<vmem>>, vector<16xi32>,
      %get3A_199 = arith.constant 4 : i32
      %get3A_200 = arith.index_cast %get3A_199 : i32 to index
      %get3A_201 = arith.constant 16 : index
      %get3A_202 = tpu.vector_load %arg5[%get3A_200, %get3A_201] {strides = array<i32>} : memref<19x128xi32, #tpu.memory_space<vmem>>, vector<16xi32>,
      %get3A_203 = arith.constant 5 : i32
      %get3A_204 = arith.index_cast %get3A_203 : i32 to index
      %get3A_205 = arith.constant 16 : index
      %get3A_206 = tpu.vector_load %arg5[%get3A_204, %get3A_205] {strides = array<i32>} : memref<19x128xi32, #tpu.memory_space<vmem>>, vector<16xi32>,
      %get3A_207 = arith.constant 6 : i32
      %get3A_208 = arith.index_cast %get3A_207 : i32 to index
      %get3A_209 = arith.constant 16 : index
      %get3A_210 = tpu.vector_load %arg5[%get3A_208, %get3A_209] {strides = array<i32>} : memref<19x128xi32, #tpu.memory_space<vmem>>, vector<16xi32>,
      %mul3A_211 = arith.constant 7 : i32
      %mul3A_212 = vector.broadcast %mul3A_211 : i32 to vector<16xi32>
      %mul3A_213 = arith.muli %get3A_198, %mul3A_212 : vector<16xi32>
      %add3A_214 = arith.addi %mul3A_213, %get3A_202 : vector<16xi32>
      %mul3A_215 = arith.constant 7 : i32
      %mul3A_216 = vector.broadcast %mul3A_215 : i32 to vector<16xi32>
      %mul3A_217 = arith.muli %add3A_214, %mul3A_216 : vector<16xi32>
      %add3A_218 = arith.addi %mul3A_217, %get3A_206 : vector<16xi32>
      %mul3A_219 = arith.constant 7 : i32
      %mul3A_220 = vector.broadcast %mul3A_219 : i32 to vector<16xi32>
      %mul3A_221 = arith.muli %add3A_218, %mul3A_220 : vector<16xi32>
      %add3A_222 = arith.addi %mul3A_221, %get3A_210 : vector<16xi32>
      %add3A_223 = arith.constant 560 : i32
      %add3A_224 = vector.broadcast %add3A_223 : i32 to vector<16xi32>
      %add3A_225 = arith.addi %add3A_222, %add3A_224 : vector<16xi32>
      %swap3A_226 = arith.constant 1 : i32
      %swap3A_227 = arith.index_cast %swap3A_226 : i32 to index
      %swap3A_228 = arith.constant 16 : index
      %swap3A_229 = tpu.vector_load %arg6[%swap3A_227, %swap3A_228] {strides = array<i32>} : memref<5x128xi32, #tpu.memory_space<vmem>>, vector<16xi32>,
      tpu.vector_store %arg6[%swap3A_227, %swap3A_228], %add3A_225 {strides = array<i32>} : memref<5x128xi32, #tpu.memory_space<vmem>>, vector<16xi32>,
      %get3A_230 = arith.constant 7 : i32
      %get3A_231 = arith.index_cast %get3A_230 : i32 to index
      %get3A_232 = arith.constant 16 : index
      %get3A_233 = tpu.vector_load %arg5[%get3A_231, %get3A_232] {strides = array<i32>} : memref<19x128xi32, #tpu.memory_space<vmem>>, vector<16xi32>,
      %get3A_234 = arith.constant 8 : i32
      %get3A_235 = arith.index_cast %get3A_234 : i32 to index
      %get3A_236 = arith.constant 16 : index
      %get3A_237 = tpu.vector_load %arg5[%get3A_235, %get3A_236] {strides = array<i32>} : memref<19x128xi32, #tpu.memory_space<vmem>>, vector<16xi32>,
      %get3A_238 = arith.constant 9 : i32
      %get3A_239 = arith.index_cast %get3A_238 : i32 to index
      %get3A_240 = arith.constant 16 : index
      %get3A_241 = tpu.vector_load %arg5[%get3A_239, %get3A_240] {strides = array<i32>} : memref<19x128xi32, #tpu.memory_space<vmem>>, vector<16xi32>,
      %get3A_242 = arith.constant 10 : i32
      %get3A_243 = arith.index_cast %get3A_242 : i32 to index
      %get3A_244 = arith.constant 16 : index
      %get3A_245 = tpu.vector_load %arg5[%get3A_243, %get3A_244] {strides = array<i32>} : memref<19x128xi32, #tpu.memory_space<vmem>>, vector<16xi32>,
      %mul3A_246 = arith.constant 7 : i32
      %mul3A_247 = vector.broadcast %mul3A_246 : i32 to vector<16xi32>
      %mul3A_248 = arith.muli %get3A_233, %mul3A_247 : vector<16xi32>
      %add3A_249 = arith.addi %mul3A_248, %get3A_237 : vector<16xi32>
      %mul3A_250 = arith.constant 7 : i32
      %mul3A_251 = vector.broadcast %mul3A_250 : i32 to vector<16xi32>
      %mul3A_252 = arith.muli %add3A_249, %mul3A_251 : vector<16xi32>
      %add3A_253 = arith.addi %mul3A_252, %get3A_241 : vector<16xi32>
      %mul3A_254 = arith.constant 7 : i32
      %mul3A_255 = vector.broadcast %mul3A_254 : i32 to vector<16xi32>
      %mul3A_256 = arith.muli %add3A_253, %mul3A_255 : vector<16xi32>
      %add3A_257 = arith.addi %mul3A_256, %get3A_245 : vector<16xi32>
      %add3A_258 = arith.constant 2992 : i32
      %add3A_259 = vector.broadcast %add3A_258 : i32 to vector<16xi32>
      %add3A_260 = arith.addi %add3A_257, %add3A_259 : vector<16xi32>
      %swap3A_261 = arith.constant 2 : i32
      %swap3A_262 = arith.index_cast %swap3A_261 : i32 to index
      %swap3A_263 = arith.constant 16 : index
      %swap3A_264 = tpu.vector_load %arg6[%swap3A_262, %swap3A_263] {strides = array<i32>} : memref<5x128xi32, #tpu.memory_space<vmem>>, vector<16xi32>,
      tpu.vector_store %arg6[%swap3A_262, %swap3A_263], %add3A_260 {strides = array<i32>} : memref<5x128xi32, #tpu.memory_space<vmem>>, vector<16xi32>,
      %get3A_265 = arith.constant 11 : i32
      %get3A_266 = arith.index_cast %get3A_265 : i32 to index
      %get3A_267 = arith.constant 16 : index
      %get3A_268 = tpu.vector_load %arg5[%get3A_266, %get3A_267] {strides = array<i32>} : memref<19x128xi32, #tpu.memory_space<vmem>>, vector<16xi32>,
      %get3A_269 = arith.constant 12 : i32
      %get3A_270 = arith.index_cast %get3A_269 : i32 to index
      %get3A_271 = arith.constant 16 : index
      %get3A_272 = tpu.vector_load %arg5[%get3A_270, %get3A_271] {strides = array<i32>} : memref<19x128xi32, #tpu.memory_space<vmem>>, vector<16xi32>,
      %get3A_273 = arith.constant 13 : i32
      %get3A_274 = arith.index_cast %get3A_273 : i32 to index
      %get3A_275 = arith.constant 16 : index
      %get3A_276 = tpu.vector_load %arg5[%get3A_274, %get3A_275] {strides = array<i32>} : memref<19x128xi32, #tpu.memory_space<vmem>>, vector<16xi32>,
      %get3A_277 = arith.constant 14 : i32
      %get3A_278 = arith.index_cast %get3A_277 : i32 to index
      %get3A_279 = arith.constant 16 : index
      %get3A_280 = tpu.vector_load %arg5[%get3A_278, %get3A_279] {strides = array<i32>} : memref<19x128xi32, #tpu.memory_space<vmem>>, vector<16xi32>,
      %mul3A_281 = arith.constant 7 : i32
      %mul3A_282 = vector.broadcast %mul3A_281 : i32 to vector<16xi32>
      %mul3A_283 = arith.muli %get3A_268, %mul3A_282 : vector<16xi32>
      %add3A_284 = arith.addi %mul3A_283, %get3A_272 : vector<16xi32>
      %mul3A_285 = arith.constant 7 : i32
      %mul3A_286 = vector.broadcast %mul3A_285 : i32 to vector<16xi32>
      %mul3A_287 = arith.muli %add3A_284, %mul3A_286 : vector<16xi32>
      %add3A_288 = arith.addi %mul3A_287, %get3A_276 : vector<16xi32>
      %mul3A_289 = arith.constant 7 : i32
      %mul3A_290 = vector.broadcast %mul3A_289 : i32 to vector<16xi32>
      %mul3A_291 = arith.muli %add3A_288, %mul3A_290 : vector<16xi32>
      %add3A_292 = arith.addi %mul3A_291, %get3A_280 : vector<16xi32>
      %add3A_293 = arith.constant 5424 : i32
      %add3A_294 = vector.broadcast %add3A_293 : i32 to vector<16xi32>
      %add3A_295 = arith.addi %add3A_292, %add3A_294 : vector<16xi32>
      %swap3A_296 = arith.constant 3 : i32
      %swap3A_297 = arith.index_cast %swap3A_296 : i32 to index
      %swap3A_298 = arith.constant 16 : index
      %swap3A_299 = tpu.vector_load %arg6[%swap3A_297, %swap3A_298] {strides = array<i32>} : memref<5x128xi32, #tpu.memory_space<vmem>>, vector<16xi32>,
      tpu.vector_store %arg6[%swap3A_297, %swap3A_298], %add3A_295 {strides = array<i32>} : memref<5x128xi32, #tpu.memory_space<vmem>>, vector<16xi32>,
      %get3A_300 = arith.constant 15 : i32
      %get3A_301 = arith.index_cast %get3A_300 : i32 to index
      %get3A_302 = arith.constant 16 : index
      %get3A_303 = tpu.vector_load %arg5[%get3A_301, %get3A_302] {strides = array<i32>} : memref<19x128xi32, #tpu.memory_space<vmem>>, vector<16xi32>,
      %get3A_304 = arith.constant 16 : i32
      %get3A_305 = arith.index_cast %get3A_304 : i32 to index
      %get3A_306 = arith.constant 16 : index
      %get3A_307 = tpu.vector_load %arg5[%get3A_305, %get3A_306] {strides = array<i32>} : memref<19x128xi32, #tpu.memory_space<vmem>>, vector<16xi32>,
      %get3A_308 = arith.constant 17 : i32
      %get3A_309 = arith.index_cast %get3A_308 : i32 to index
      %get3A_310 = arith.constant 16 : index
      %get3A_311 = tpu.vector_load %arg5[%get3A_309, %get3A_310] {strides = array<i32>} : memref<19x128xi32, #tpu.memory_space<vmem>>, vector<16xi32>,
      %get3A_312 = arith.constant 18 : i32
      %get3A_313 = arith.index_cast %get3A_312 : i32 to index
      %get3A_314 = arith.constant 16 : index
      %get3A_315 = tpu.vector_load %arg5[%get3A_313, %get3A_314] {strides = array<i32>} : memref<19x128xi32, #tpu.memory_space<vmem>>, vector<16xi32>,
      %mul3A_316 = arith.constant 7 : i32
      %mul3A_317 = vector.broadcast %mul3A_316 : i32 to vector<16xi32>
      %mul3A_318 = arith.muli %get3A_303, %mul3A_317 : vector<16xi32>
      %add3A_319 = arith.addi %mul3A_318, %get3A_307 : vector<16xi32>
      %mul3A_320 = arith.constant 7 : i32
      %mul3A_321 = vector.broadcast %mul3A_320 : i32 to vector<16xi32>
      %mul3A_322 = arith.muli %add3A_319, %mul3A_321 : vector<16xi32>
      %add3A_323 = arith.addi %mul3A_322, %get3A_311 : vector<16xi32>
      %mul3A_324 = arith.constant 7 : i32
      %mul3A_325 = vector.broadcast %mul3A_324 : i32 to vector<16xi32>
      %mul3A_326 = arith.muli %add3A_323, %mul3A_325 : vector<16xi32>
      %add3A_327 = arith.addi %mul3A_326, %get3A_315 : vector<16xi32>
      %add3A_328 = arith.constant 7856 : i32
      %add3A_329 = vector.broadcast %add3A_328 : i32 to vector<16xi32>
      %add3A_330 = arith.addi %add3A_327, %add3A_329 : vector<16xi32>
      %swap3A_331 = arith.constant 4 : i32
      %swap3A_332 = arith.index_cast %swap3A_331 : i32 to index
      %swap3A_333 = arith.constant 16 : index
      %swap3A_334 = tpu.vector_load %arg6[%swap3A_332, %swap3A_333] {strides = array<i32>} : memref<5x128xi32, #tpu.memory_space<vmem>>, vector<16xi32>,
      tpu.vector_store %arg6[%swap3A_332, %swap3A_333], %add3A_330 {strides = array<i32>} : memref<5x128xi32, #tpu.memory_space<vmem>>, vector<16xi32>,
      %get3A_335 = arith.constant 0 : i32
      %get3A_336 = arith.index_cast %get3A_335 : i32 to index
      %get3A_337 = arith.constant 32 : index
      %get3A_338 = tpu.vector_load %arg5[%get3A_336, %get3A_337] {strides = array<i32>} : memref<19x128xi32, #tpu.memory_space<vmem>>, vector<16xi32>,
      %mul3A_339 = arith.constant 10 : i32
      %mul3A_340 = vector.broadcast %mul3A_339 : i32 to vector<16xi32>
      %mul3A_341 = arith.muli %get3A_338, %mul3A_340 : vector<16xi32>
      %get3A_342 = arith.constant 1 : i32
      %get3A_343 = arith.index_cast %get3A_342 : i32 to index
      %get3A_344 = arith.constant 32 : index
      %get3A_345 = tpu.vector_load %arg5[%get3A_343, %get3A_344] {strides = array<i32>} : memref<19x128xi32, #tpu.memory_space<vmem>>, vector<16xi32>,
      %add3A_346 = arith.addi %mul3A_341, %get3A_345 : vector<16xi32>
      %mul3A_347 = arith.constant 7 : i32
      %mul3A_348 = vector.broadcast %mul3A_347 : i32 to vector<16xi32>
      %mul3A_349 = arith.muli %add3A_346, %mul3A_348 : vector<16xi32>
      %get3A_350 = arith.constant 2 : i32
      %get3A_351 = arith.index_cast %get3A_350 : i32 to index
      %get3A_352 = arith.constant 32 : index
      %get3A_353 = tpu.vector_load %arg5[%get3A_351, %get3A_352] {strides = array<i32>} : memref<19x128xi32, #tpu.memory_space<vmem>>, vector<16xi32>,
      %add3A_354 = arith.addi %mul3A_349, %get3A_353 : vector<16xi32>
      %swap3A_355 = arith.constant 0 : i32
      %swap3A_356 = arith.index_cast %swap3A_355 : i32 to index
      %swap3A_357 = arith.constant 32 : index
      %swap3A_358 = tpu.vector_load %arg6[%swap3A_356, %swap3A_357] {strides = array<i32>} : memref<5x128xi32, #tpu.memory_space<vmem>>, vector<16xi32>,
      tpu.vector_store %arg6[%swap3A_356, %swap3A_357], %add3A_354 {strides = array<i32>} : memref<5x128xi32, #tpu.memory_space<vmem>>, vector<16xi32>,
      %get3A_359 = arith.constant 3 : i32
      %get3A_360 = arith.index_cast %get3A_359 : i32 to index
      %get3A_361 = arith.constant 32 : index
      %get3A_362 = tpu.vector_load %arg5[%get3A_360, %get3A_361] {strides = array<i32>} : memref<19x128xi32, #tpu.memory_space<vmem>>, vector<16xi32>,
      %get3A_363 = arith.constant 4 : i32
      %get3A_364 = arith.index_cast %get3A_363 : i32 to index
      %get3A_365 = arith.constant 32 : index
      %get3A_366 = tpu.vector_load %arg5[%get3A_364, %get3A_365] {strides = array<i32>} : memref<19x128xi32, #tpu.memory_space<vmem>>, vector<16xi32>,
      %get3A_367 = arith.constant 5 : i32
      %get3A_368 = arith.index_cast %get3A_367 : i32 to index
      %get3A_369 = arith.constant 32 : index
      %get3A_370 = tpu.vector_load %arg5[%get3A_368, %get3A_369] {strides = array<i32>} : memref<19x128xi32, #tpu.memory_space<vmem>>, vector<16xi32>,
      %get3A_371 = arith.constant 6 : i32
      %get3A_372 = arith.index_cast %get3A_371 : i32 to index
      %get3A_373 = arith.constant 32 : index
      %get3A_374 = tpu.vector_load %arg5[%get3A_372, %get3A_373] {strides = array<i32>} : memref<19x128xi32, #tpu.memory_space<vmem>>, vector<16xi32>,
      %mul3A_375 = arith.constant 7 : i32
      %mul3A_376 = vector.broadcast %mul3A_375 : i32 to vector<16xi32>
      %mul3A_377 = arith.muli %get3A_362, %mul3A_376 : vector<16xi32>
      %add3A_378 = arith.addi %mul3A_377, %get3A_366 : vector<16xi32>
      %mul3A_379 = arith.constant 7 : i32
      %mul3A_380 = vector.broadcast %mul3A_379 : i32 to vector<16xi32>
      %mul3A_381 = arith.muli %add3A_378, %mul3A_380 : vector<16xi32>
      %add3A_382 = arith.addi %mul3A_381, %get3A_370 : vector<16xi32>
      %mul3A_383 = arith.constant 7 : i32
      %mul3A_384 = vector.broadcast %mul3A_383 : i32 to vector<16xi32>
      %mul3A_385 = arith.muli %add3A_382, %mul3A_384 : vector<16xi32>
      %add3A_386 = arith.addi %mul3A_385, %get3A_374 : vector<16xi32>
      %add3A_387 = arith.constant 560 : i32
      %add3A_388 = vector.broadcast %add3A_387 : i32 to vector<16xi32>
      %add3A_389 = arith.addi %add3A_386, %add3A_388 : vector<16xi32>
      %swap3A_390 = arith.constant 1 : i32
      %swap3A_391 = arith.index_cast %swap3A_390 : i32 to index
      %swap3A_392 = arith.constant 32 : index
      %swap3A_393 = tpu.vector_load %arg6[%swap3A_391, %swap3A_392] {strides = array<i32>} : memref<5x128xi32, #tpu.memory_space<vmem>>, vector<16xi32>,
      tpu.vector_store %arg6[%swap3A_391, %swap3A_392], %add3A_389 {strides = array<i32>} : memref<5x128xi32, #tpu.memory_space<vmem>>, vector<16xi32>,
      %get3A_394 = arith.constant 7 : i32
      %get3A_395 = arith.index_cast %get3A_394 : i32 to index
      %get3A_396 = arith.constant 32 : index
      %get3A_397 = tpu.vector_load %arg5[%get3A_395, %get3A_396] {strides = array<i32>} : memref<19x128xi32, #tpu.memory_space<vmem>>, vector<16xi32>,
      %get3A_398 = arith.constant 8 : i32
      %get3A_399 = arith.index_cast %get3A_398 : i32 to index
      %get3A_400 = arith.constant 32 : index
      %get3A_401 = tpu.vector_load %arg5[%get3A_399, %get3A_400] {strides = array<i32>} : memref<19x128xi32, #tpu.memory_space<vmem>>, vector<16xi32>,
      %get3A_402 = arith.constant 9 : i32
      %get3A_403 = arith.index_cast %get3A_402 : i32 to index
      %get3A_404 = arith.constant 32 : index
      %get3A_405 = tpu.vector_load %arg5[%get3A_403, %get3A_404] {strides = array<i32>} : memref<19x128xi32, #tpu.memory_space<vmem>>, vector<16xi32>,
      %get3A_406 = arith.constant 10 : i32
      %get3A_407 = arith.index_cast %get3A_406 : i32 to index
      %get3A_408 = arith.constant 32 : index
      %get3A_409 = tpu.vector_load %arg5[%get3A_407, %get3A_408] {strides = array<i32>} : memref<19x128xi32, #tpu.memory_space<vmem>>, vector<16xi32>,
      %mul3A_410 = arith.constant 7 : i32
      %mul3A_411 = vector.broadcast %mul3A_410 : i32 to vector<16xi32>
      %mul3A_412 = arith.muli %get3A_397, %mul3A_411 : vector<16xi32>
      %add3A_413 = arith.addi %mul3A_412, %get3A_401 : vector<16xi32>
      %mul3A_414 = arith.constant 7 : i32
      %mul3A_415 = vector.broadcast %mul3A_414 : i32 to vector<16xi32>
      %mul3A_416 = arith.muli %add3A_413, %mul3A_415 : vector<16xi32>
      %add3A_417 = arith.addi %mul3A_416, %get3A_405 : vector<16xi32>
      %mul3A_418 = arith.constant 7 : i32
      %mul3A_419 = vector.broadcast %mul3A_418 : i32 to vector<16xi32>
      %mul3A_420 = arith.muli %add3A_417, %mul3A_419 : vector<16xi32>
      %add3A_421 = arith.addi %mul3A_420, %get3A_409 : vector<16xi32>
      %add3A_422 = arith.constant 2992 : i32
      %add3A_423 = vector.broadcast %add3A_422 : i32 to vector<16xi32>
      %add3A_424 = arith.addi %add3A_421, %add3A_423 : vector<16xi32>
      %swap3A_425 = arith.constant 2 : i32
      %swap3A_426 = arith.index_cast %swap3A_425 : i32 to index
      %swap3A_427 = arith.constant 32 : index
      %swap3A_428 = tpu.vector_load %arg6[%swap3A_426, %swap3A_427] {strides = array<i32>} : memref<5x128xi32, #tpu.memory_space<vmem>>, vector<16xi32>,
      tpu.vector_store %arg6[%swap3A_426, %swap3A_427], %add3A_424 {strides = array<i32>} : memref<5x128xi32, #tpu.memory_space<vmem>>, vector<16xi32>,
      %get3A_429 = arith.constant 11 : i32
      %get3A_430 = arith.index_cast %get3A_429 : i32 to index
      %get3A_431 = arith.constant 32 : index
      %get3A_432 = tpu.vector_load %arg5[%get3A_430, %get3A_431] {strides = array<i32>} : memref<19x128xi32, #tpu.memory_space<vmem>>, vector<16xi32>,
      %get3A_433 = arith.constant 12 : i32
      %get3A_434 = arith.index_cast %get3A_433 : i32 to index
      %get3A_435 = arith.constant 32 : index
      %get3A_436 = tpu.vector_load %arg5[%get3A_434, %get3A_435] {strides = array<i32>} : memref<19x128xi32, #tpu.memory_space<vmem>>, vector<16xi32>,
      %get3A_437 = arith.constant 13 : i32
      %get3A_438 = arith.index_cast %get3A_437 : i32 to index
      %get3A_439 = arith.constant 32 : index
      %get3A_440 = tpu.vector_load %arg5[%get3A_438, %get3A_439] {strides = array<i32>} : memref<19x128xi32, #tpu.memory_space<vmem>>, vector<16xi32>,
      %get3A_441 = arith.constant 14 : i32
      %get3A_442 = arith.index_cast %get3A_441 : i32 to index
      %get3A_443 = arith.constant 32 : index
      %get3A_444 = tpu.vector_load %arg5[%get3A_442, %get3A_443] {strides = array<i32>} : memref<19x128xi32, #tpu.memory_space<vmem>>, vector<16xi32>,
      %mul3A_445 = arith.constant 7 : i32
      %mul3A_446 = vector.broadcast %mul3A_445 : i32 to vector<16xi32>
      %mul3A_447 = arith.muli %get3A_432, %mul3A_446 : vector<16xi32>
      %add3A_448 = arith.addi %mul3A_447, %get3A_436 : vector<16xi32>
      %mul3A_449 = arith.constant 7 : i32
      %mul3A_450 = vector.broadcast %mul3A_449 : i32 to vector<16xi32>
      %mul3A_451 = arith.muli %add3A_448, %mul3A_450 : vector<16xi32>
      %add3A_452 = arith.addi %mul3A_451, %get3A_440 : vector<16xi32>
      %mul3A_453 = arith.constant 7 : i32
      %mul3A_454 = vector.broadcast %mul3A_453 : i32 to vector<16xi32>
      %mul3A_455 = arith.muli %add3A_452, %mul3A_454 : vector<16xi32>
      %add3A_456 = arith.addi %mul3A_455, %get3A_444 : vector<16xi32>
      %add3A_457 = arith.constant 5424 : i32
      %add3A_458 = vector.broadcast %add3A_457 : i32 to vector<16xi32>
      %add3A_459 = arith.addi %add3A_456, %add3A_458 : vector<16xi32>
      %swap3A_460 = arith.constant 3 : i32
      %swap3A_461 = arith.index_cast %swap3A_460 : i32 to index
      %swap3A_462 = arith.constant 32 : index
      %swap3A_463 = tpu.vector_load %arg6[%swap3A_461, %swap3A_462] {strides = array<i32>} : memref<5x128xi32, #tpu.memory_space<vmem>>, vector<16xi32>,
      tpu.vector_store %arg6[%swap3A_461, %swap3A_462], %add3A_459 {strides = array<i32>} : memref<5x128xi32, #tpu.memory_space<vmem>>, vector<16xi32>,
      %get3A_464 = arith.constant 15 : i32
      %get3A_465 = arith.index_cast %get3A_464 : i32 to index
      %get3A_466 = arith.constant 32 : index
      %get3A_467 = tpu.vector_load %arg5[%get3A_465, %get3A_466] {strides = array<i32>} : memref<19x128xi32, #tpu.memory_space<vmem>>, vector<16xi32>,
      %get3A_468 = arith.constant 16 : i32
      %get3A_469 = arith.index_cast %get3A_468 : i32 to index
      %get3A_470 = arith.constant 32 : index
      %get3A_471 = tpu.vector_load %arg5[%get3A_469, %get3A_470] {strides = array<i32>} : memref<19x128xi32, #tpu.memory_space<vmem>>, vector<16xi32>,
      %get3A_472 = arith.constant 17 : i32
      %get3A_473 = arith.index_cast %get3A_472 : i32 to index
      %get3A_474 = arith.constant 32 : index
      %get3A_475 = tpu.vector_load %arg5[%get3A_473, %get3A_474] {strides = array<i32>} : memref<19x128xi32, #tpu.memory_space<vmem>>, vector<16xi32>,
      %get3A_476 = arith.constant 18 : i32
      %get3A_477 = arith.index_cast %get3A_476 : i32 to index
      %get3A_478 = arith.constant 32 : index
      %get3A_479 = tpu.vector_load %arg5[%get3A_477, %get3A_478] {strides = array<i32>} : memref<19x128xi32, #tpu.memory_space<vmem>>, vector<16xi32>,
      %mul3A_480 = arith.constant 7 : i32
      %mul3A_481 = vector.broadcast %mul3A_480 : i32 to vector<16xi32>
      %mul3A_482 = arith.muli %get3A_467, %mul3A_481 : vector<16xi32>
      %add3A_483 = arith.addi %mul3A_482, %get3A_471 : vector<16xi32>
      %mul3A_484 = arith.constant 7 : i32
      %mul3A_485 = vector.broadcast %mul3A_484 : i32 to vector<16xi32>
      %mul3A_486 = arith.muli %add3A_483, %mul3A_485 : vector<16xi32>
      %add3A_487 = arith.addi %mul3A_486, %get3A_475 : vector<16xi32>
      %mul3A_488 = arith.constant 7 : i32
      %mul3A_489 = vector.broadcast %mul3A_488 : i32 to vector<16xi32>
      %mul3A_490 = arith.muli %add3A_487, %mul3A_489 : vector<16xi32>
      %add3A_491 = arith.addi %mul3A_490, %get3A_479 : vector<16xi32>
      %add3A_492 = arith.constant 7856 : i32
      %add3A_493 = vector.broadcast %add3A_492 : i32 to vector<16xi32>
      %add3A_494 = arith.addi %add3A_491, %add3A_493 : vector<16xi32>
      %swap3A_495 = arith.constant 4 : i32
      %swap3A_496 = arith.index_cast %swap3A_495 : i32 to index
      %swap3A_497 = arith.constant 32 : index
      %swap3A_498 = tpu.vector_load %arg6[%swap3A_496, %swap3A_497] {strides = array<i32>} : memref<5x128xi32, #tpu.memory_space<vmem>>, vector<16xi32>,
      tpu.vector_store %arg6[%swap3A_496, %swap3A_497], %add3A_494 {strides = array<i32>} : memref<5x128xi32, #tpu.memory_space<vmem>>, vector<16xi32>,
      %get3A_499 = arith.constant 0 : i32
      %get3A_500 = arith.index_cast %get3A_499 : i32 to index
      %get3A_501 = arith.constant 48 : index
      %get3A_502 = tpu.vector_load %arg5[%get3A_500, %get3A_501] {strides = array<i32>} : memref<19x128xi32, #tpu.memory_space<vmem>>, vector<16xi32>,
      %mul3A_503 = arith.constant 10 : i32
      %mul3A_504 = vector.broadcast %mul3A_503 : i32 to vector<16xi32>
      %mul3A_505 = arith.muli %get3A_502, %mul3A_504 : vector<16xi32>
      %get3A_506 = arith.constant 1 : i32
      %get3A_507 = arith.index_cast %get3A_506 : i32 to index
      %get3A_508 = arith.constant 48 : index
      %get3A_509 = tpu.vector_load %arg5[%get3A_507, %get3A_508] {strides = array<i32>} : memref<19x128xi32, #tpu.memory_space<vmem>>, vector<16xi32>,
      %add3A_510 = arith.addi %mul3A_505, %get3A_509 : vector<16xi32>
      %mul3A_511 = arith.constant 7 : i32
      %mul3A_512 = vector.broadcast %mul3A_511 : i32 to vector<16xi32>
      %mul3A_513 = arith.muli %add3A_510, %mul3A_512 : vector<16xi32>
      %get3A_514 = arith.constant 2 : i32
      %get3A_515 = arith.index_cast %get3A_514 : i32 to index
      %get3A_516 = arith.constant 48 : index
      %get3A_517 = tpu.vector_load %arg5[%get3A_515, %get3A_516] {strides = array<i32>} : memref<19x128xi32, #tpu.memory_space<vmem>>, vector<16xi32>,
      %add3A_518 = arith.addi %mul3A_513, %get3A_517 : vector<16xi32>
      %swap3A_519 = arith.constant 0 : i32
      %swap3A_520 = arith.index_cast %swap3A_519 : i32 to index
      %swap3A_521 = arith.constant 48 : index
      %swap3A_522 = tpu.vector_load %arg6[%swap3A_520, %swap3A_521] {strides = array<i32>} : memref<5x128xi32, #tpu.memory_space<vmem>>, vector<16xi32>,
      tpu.vector_store %arg6[%swap3A_520, %swap3A_521], %add3A_518 {strides = array<i32>} : memref<5x128xi32, #tpu.memory_space<vmem>>, vector<16xi32>,
      %get3A_523 = arith.constant 3 : i32
      %get3A_524 = arith.index_cast %get3A_523 : i32 to index
      %get3A_525 = arith.constant 48 : index
      %get3A_526 = tpu.vector_load %arg5[%get3A_524, %get3A_525] {strides = array<i32>} : memref<19x128xi32, #tpu.memory_space<vmem>>, vector<16xi32>,
      %get3A_527 = arith.constant 4 : i32
      %get3A_528 = arith.index_cast %get3A_527 : i32 to index
      %get3A_529 = arith.constant 48 : index
      %get3A_530 = tpu.vector_load %arg5[%get3A_528, %get3A_529] {strides = array<i32>} : memref<19x128xi32, #tpu.memory_space<vmem>>, vector<16xi32>,
      %get3A_531 = arith.constant 5 : i32
      %get3A_532 = arith.index_cast %get3A_531 : i32 to index
      %get3A_533 = arith.constant 48 : index
      %get3A_534 = tpu.vector_load %arg5[%get3A_532, %get3A_533] {strides = array<i32>} : memref<19x128xi32, #tpu.memory_space<vmem>>, vector<16xi32>,
      %get3A_535 = arith.constant 6 : i32
      %get3A_536 = arith.index_cast %get3A_535 : i32 to index
      %get3A_537 = arith.constant 48 : index
      %get3A_538 = tpu.vector_load %arg5[%get3A_536, %get3A_537] {strides = array<i32>} : memref<19x128xi32, #tpu.memory_space<vmem>>, vector<16xi32>,
      %mul3A_539 = arith.constant 7 : i32
      %mul3A_540 = vector.broadcast %mul3A_539 : i32 to vector<16xi32>
      %mul3A_541 = arith.muli %get3A_526, %mul3A_540 : vector<16xi32>
      %add3A_542 = arith.addi %mul3A_541, %get3A_530 : vector<16xi32>
      %mul3A_543 = arith.constant 7 : i32
      %mul3A_544 = vector.broadcast %mul3A_543 : i32 to vector<16xi32>
      %mul3A_545 = arith.muli %add3A_542, %mul3A_544 : vector<16xi32>
      %add3A_546 = arith.addi %mul3A_545, %get3A_534 : vector<16xi32>
      %mul3A_547 = arith.constant 7 : i32
      %mul3A_548 = vector.broadcast %mul3A_547 : i32 to vector<16xi32>
      %mul3A_549 = arith.muli %add3A_546, %mul3A_548 : vector<16xi32>
      %add3A_550 = arith.addi %mul3A_549, %get3A_538 : vector<16xi32>
      %add3A_551 = arith.constant 560 : i32
      %add3A_552 = vector.broadcast %add3A_551 : i32 to vector<16xi32>
      %add3A_553 = arith.addi %add3A_550, %add3A_552 : vector<16xi32>
      %swap3A_554 = arith.constant 1 : i32
      %swap3A_555 = arith.index_cast %swap3A_554 : i32 to index
      %swap3A_556 = arith.constant 48 : index
      %swap3A_557 = tpu.vector_load %arg6[%swap3A_555, %swap3A_556] {strides = array<i32>} : memref<5x128xi32, #tpu.memory_space<vmem>>, vector<16xi32>,
      tpu.vector_store %arg6[%swap3A_555, %swap3A_556], %add3A_553 {strides = array<i32>} : memref<5x128xi32, #tpu.memory_space<vmem>>, vector<16xi32>,
      %get3A_558 = arith.constant 7 : i32
      %get3A_559 = arith.index_cast %get3A_558 : i32 to index
      %get3A_560 = arith.constant 48 : index
      %get3A_561 = tpu.vector_load %arg5[%get3A_559, %get3A_560] {strides = array<i32>} : memref<19x128xi32, #tpu.memory_space<vmem>>, vector<16xi32>,
      %get3A_562 = arith.constant 8 : i32
      %get3A_563 = arith.index_cast %get3A_562 : i32 to index
      %get3A_564 = arith.constant 48 : index
      %get3A_565 = tpu.vector_load %arg5[%get3A_563, %get3A_564] {strides = array<i32>} : memref<19x128xi32, #tpu.memory_space<vmem>>, vector<16xi32>,
      %get3A_566 = arith.constant 9 : i32
      %get3A_567 = arith.index_cast %get3A_566 : i32 to index
      %get3A_568 = arith.constant 48 : index
      %get3A_569 = tpu.vector_load %arg5[%get3A_567, %get3A_568] {strides = array<i32>} : memref<19x128xi32, #tpu.memory_space<vmem>>, vector<16xi32>,
      %get3A_570 = arith.constant 10 : i32
      %get3A_571 = arith.index_cast %get3A_570 : i32 to index
      %get3A_572 = arith.constant 48 : index
      %get3A_573 = tpu.vector_load %arg5[%get3A_571, %get3A_572] {strides = array<i32>} : memref<19x128xi32, #tpu.memory_space<vmem>>, vector<16xi32>,
      %mul3A_574 = arith.constant 7 : i32
      %mul3A_575 = vector.broadcast %mul3A_574 : i32 to vector<16xi32>
      %mul3A_576 = arith.muli %get3A_561, %mul3A_575 : vector<16xi32>
      %add3A_577 = arith.addi %mul3A_576, %get3A_565 : vector<16xi32>
      %mul3A_578 = arith.constant 7 : i32
      %mul3A_579 = vector.broadcast %mul3A_578 : i32 to vector<16xi32>
      %mul3A_580 = arith.muli %add3A_577, %mul3A_579 : vector<16xi32>
      %add3A_581 = arith.addi %mul3A_580, %get3A_569 : vector<16xi32>
      %mul3A_582 = arith.constant 7 : i32
      %mul3A_583 = vector.broadcast %mul3A_582 : i32 to vector<16xi32>
      %mul3A_584 = arith.muli %add3A_581, %mul3A_583 : vector<16xi32>
      %add3A_585 = arith.addi %mul3A_584, %get3A_573 : vector<16xi32>
      %add3A_586 = arith.constant 2992 : i32
      %add3A_587 = vector.broadcast %add3A_586 : i32 to vector<16xi32>
      %add3A_588 = arith.addi %add3A_585, %add3A_587 : vector<16xi32>
      %swap3A_589 = arith.constant 2 : i32
      %swap3A_590 = arith.index_cast %swap3A_589 : i32 to index
      %swap3A_591 = arith.constant 48 : index
      %swap3A_592 = tpu.vector_load %arg6[%swap3A_590, %swap3A_591] {strides = array<i32>} : memref<5x128xi32, #tpu.memory_space<vmem>>, vector<16xi32>,
      tpu.vector_store %arg6[%swap3A_590, %swap3A_591], %add3A_588 {strides = array<i32>} : memref<5x128xi32, #tpu.memory_space<vmem>>, vector<16xi32>,
      %get3A_593 = arith.constant 11 : i32
      %get3A_594 = arith.index_cast %get3A_593 : i32 to index
      %get3A_595 = arith.constant 48 : index
      %get3A_596 = tpu.vector_load %arg5[%get3A_594, %get3A_595] {strides = array<i32>} : memref<19x128xi32, #tpu.memory_space<vmem>>, vector<16xi32>,
      %get3A_597 = arith.constant 12 : i32
      %get3A_598 = arith.index_cast %get3A_597 : i32 to index
      %get3A_599 = arith.constant 48 : index
      %get3A_600 = tpu.vector_load %arg5[%get3A_598, %get3A_599] {strides = array<i32>} : memref<19x128xi32, #tpu.memory_space<vmem>>, vector<16xi32>,
      %get3A_601 = arith.constant 13 : i32
      %get3A_602 = arith.index_cast %get3A_601 : i32 to index
      %get3A_603 = arith.constant 48 : index
      %get3A_604 = tpu.vector_load %arg5[%get3A_602, %get3A_603] {strides = array<i32>} : memref<19x128xi32, #tpu.memory_space<vmem>>, vector<16xi32>,
      %get3A_605 = arith.constant 14 : i32
      %get3A_606 = arith.index_cast %get3A_605 : i32 to index
      %get3A_607 = arith.constant 48 : index
      %get3A_608 = tpu.vector_load %arg5[%get3A_606, %get3A_607] {strides = array<i32>} : memref<19x128xi32, #tpu.memory_space<vmem>>, vector<16xi32>,
      %mul3A_609 = arith.constant 7 : i32
      %mul3A_610 = vector.broadcast %mul3A_609 : i32 to vector<16xi32>
      %mul3A_611 = arith.muli %get3A_596, %mul3A_610 : vector<16xi32>
      %add3A_612 = arith.addi %mul3A_611, %get3A_600 : vector<16xi32>
      %mul3A_613 = arith.constant 7 : i32
      %mul3A_614 = vector.broadcast %mul3A_613 : i32 to vector<16xi32>
      %mul3A_615 = arith.muli %add3A_612, %mul3A_614 : vector<16xi32>
      %add3A_616 = arith.addi %mul3A_615, %get3A_604 : vector<16xi32>
      %mul3A_617 = arith.constant 7 : i32
      %mul3A_618 = vector.broadcast %mul3A_617 : i32 to vector<16xi32>
      %mul3A_619 = arith.muli %add3A_616, %mul3A_618 : vector<16xi32>
      %add3A_620 = arith.addi %mul3A_619, %get3A_608 : vector<16xi32>
      %add3A_621 = arith.constant 5424 : i32
      %add3A_622 = vector.broadcast %add3A_621 : i32 to vector<16xi32>
      %add3A_623 = arith.addi %add3A_620, %add3A_622 : vector<16xi32>
      %swap3A_624 = arith.constant 3 : i32
      %swap3A_625 = arith.index_cast %swap3A_624 : i32 to index
      %swap3A_626 = arith.constant 48 : index
      %swap3A_627 = tpu.vector_load %arg6[%swap3A_625, %swap3A_626] {strides = array<i32>} : memref<5x128xi32, #tpu.memory_space<vmem>>, vector<16xi32>,
      tpu.vector_store %arg6[%swap3A_625, %swap3A_626], %add3A_623 {strides = array<i32>} : memref<5x128xi32, #tpu.memory_space<vmem>>, vector<16xi32>,
      %get3A_628 = arith.constant 15 : i32
      %get3A_629 = arith.index_cast %get3A_628 : i32 to index
      %get3A_630 = arith.constant 48 : index
      %get3A_631 = tpu.vector_load %arg5[%get3A_629, %get3A_630] {strides = array<i32>} : memref<19x128xi32, #tpu.memory_space<vmem>>, vector<16xi32>,
      %get3A_632 = arith.constant 16 : i32
      %get3A_633 = arith.index_cast %get3A_632 : i32 to index
      %get3A_634 = arith.constant 48 : index
      %get3A_635 = tpu.vector_load %arg5[%get3A_633, %get3A_634] {strides = array<i32>} : memref<19x128xi32, #tpu.memory_space<vmem>>, vector<16xi32>,
      %get3A_636 = arith.constant 17 : i32
      %get3A_637 = arith.index_cast %get3A_636 : i32 to index
      %get3A_638 = arith.constant 48 : index
      %get3A_639 = tpu.vector_load %arg5[%get3A_637, %get3A_638] {strides = array<i32>} : memref<19x128xi32, #tpu.memory_space<vmem>>, vector<16xi32>,
      %get3A_640 = arith.constant 18 : i32
      %get3A_641 = arith.index_cast %get3A_640 : i32 to index
      %get3A_642 = arith.constant 48 : index
      %get3A_643 = tpu.vector_load %arg5[%get3A_641, %get3A_642] {strides = array<i32>} : memref<19x128xi32, #tpu.memory_space<vmem>>, vector<16xi32>,
      %mul3A_644 = arith.constant 7 : i32
      %mul3A_645 = vector.broadcast %mul3A_644 : i32 to vector<16xi32>
      %mul3A_646 = arith.muli %get3A_631, %mul3A_645 : vector<16xi32>
      %add3A_647 = arith.addi %mul3A_646, %get3A_635 : vector<16xi32>
      %mul3A_648 = arith.constant 7 : i32
      %mul3A_649 = vector.broadcast %mul3A_648 : i32 to vector<16xi32>
      %mul3A_650 = arith.muli %add3A_647, %mul3A_649 : vector<16xi32>
      %add3A_651 = arith.addi %mul3A_650, %get3A_639 : vector<16xi32>
      %mul3A_652 = arith.constant 7 : i32
      %mul3A_653 = vector.broadcast %mul3A_652 : i32 to vector<16xi32>
      %mul3A_654 = arith.muli %add3A_651, %mul3A_653 : vector<16xi32>
      %add3A_655 = arith.addi %mul3A_654, %get3A_643 : vector<16xi32>
      %add3A_656 = arith.constant 7856 : i32
      %add3A_657 = vector.broadcast %add3A_656 : i32 to vector<16xi32>
      %add3A_658 = arith.addi %add3A_655, %add3A_657 : vector<16xi32>
      %swap3A_659 = arith.constant 4 : i32
      %swap3A_660 = arith.index_cast %swap3A_659 : i32 to index
      %swap3A_661 = arith.constant 48 : index
      %swap3A_662 = tpu.vector_load %arg6[%swap3A_660, %swap3A_661] {strides = array<i32>} : memref<5x128xi32, #tpu.memory_space<vmem>>, vector<16xi32>,
      tpu.vector_store %arg6[%swap3A_660, %swap3A_661], %add3A_658 {strides = array<i32>} : memref<5x128xi32, #tpu.memory_space<vmem>>, vector<16xi32>,
      %get3A_663 = arith.constant 0 : i32
      %get3A_664 = arith.index_cast %get3A_663 : i32 to index
      %get3A_665 = arith.constant 64 : index
      %get3A_666 = tpu.vector_load %arg5[%get3A_664, %get3A_665] {strides = array<i32>} : memref<19x128xi32, #tpu.memory_space<vmem>>, vector<16xi32>,
      %mul3A_667 = arith.constant 10 : i32
      %mul3A_668 = vector.broadcast %mul3A_667 : i32 to vector<16xi32>
      %mul3A_669 = arith.muli %get3A_666, %mul3A_668 : vector<16xi32>
      %get3A_670 = arith.constant 1 : i32
      %get3A_671 = arith.index_cast %get3A_670 : i32 to index
      %get3A_672 = arith.constant 64 : index
      %get3A_673 = tpu.vector_load %arg5[%get3A_671, %get3A_672] {strides = array<i32>} : memref<19x128xi32, #tpu.memory_space<vmem>>, vector<16xi32>,
      %add3A_674 = arith.addi %mul3A_669, %get3A_673 : vector<16xi32>
      %mul3A_675 = arith.constant 7 : i32
      %mul3A_676 = vector.broadcast %mul3A_675 : i32 to vector<16xi32>
      %mul3A_677 = arith.muli %add3A_674, %mul3A_676 : vector<16xi32>
      %get3A_678 = arith.constant 2 : i32
      %get3A_679 = arith.index_cast %get3A_678 : i32 to index
      %get3A_680 = arith.constant 64 : index
      %get3A_681 = tpu.vector_load %arg5[%get3A_679, %get3A_680] {strides = array<i32>} : memref<19x128xi32, #tpu.memory_space<vmem>>, vector<16xi32>,
      %add3A_682 = arith.addi %mul3A_677, %get3A_681 : vector<16xi32>
      %swap3A_683 = arith.constant 0 : i32
      %swap3A_684 = arith.index_cast %swap3A_683 : i32 to index
      %swap3A_685 = arith.constant 64 : index
      %swap3A_686 = tpu.vector_load %arg6[%swap3A_684, %swap3A_685] {strides = array<i32>} : memref<5x128xi32, #tpu.memory_space<vmem>>, vector<16xi32>,
      tpu.vector_store %arg6[%swap3A_684, %swap3A_685], %add3A_682 {strides = array<i32>} : memref<5x128xi32, #tpu.memory_space<vmem>>, vector<16xi32>,
      %get3A_687 = arith.constant 3 : i32
      %get3A_688 = arith.index_cast %get3A_687 : i32 to index
      %get3A_689 = arith.constant 64 : index
      %get3A_690 = tpu.vector_load %arg5[%get3A_688, %get3A_689] {strides = array<i32>} : memref<19x128xi32, #tpu.memory_space<vmem>>, vector<16xi32>,
      %get3A_691 = arith.constant 4 : i32
      %get3A_692 = arith.index_cast %get3A_691 : i32 to index
      %get3A_693 = arith.constant 64 : index
      %get3A_694 = tpu.vector_load %arg5[%get3A_692, %get3A_693] {strides = array<i32>} : memref<19x128xi32, #tpu.memory_space<vmem>>, vector<16xi32>,
      %get3A_695 = arith.constant 5 : i32
      %get3A_696 = arith.index_cast %get3A_695 : i32 to index
      %get3A_697 = arith.constant 64 : index
      %get3A_698 = tpu.vector_load %arg5[%get3A_696, %get3A_697] {strides = array<i32>} : memref<19x128xi32, #tpu.memory_space<vmem>>, vector<16xi32>,
      %get3A_699 = arith.constant 6 : i32
      %get3A_700 = arith.index_cast %get3A_699 : i32 to index
      %get3A_701 = arith.constant 64 : index
      %get3A_702 = tpu.vector_load %arg5[%get3A_700, %get3A_701] {strides = array<i32>} : memref<19x128xi32, #tpu.memory_space<vmem>>, vector<16xi32>,
      %mul3A_703 = arith.constant 7 : i32
      %mul3A_704 = vector.broadcast %mul3A_703 : i32 to vector<16xi32>
      %mul3A_705 = arith.muli %get3A_690, %mul3A_704 : vector<16xi32>
      %add3A_706 = arith.addi %mul3A_705, %get3A_694 : vector<16xi32>
      %mul3A_707 = arith.constant 7 : i32
      %mul3A_708 = vector.broadcast %mul3A_707 : i32 to vector<16xi32>
      %mul3A_709 = arith.muli %add3A_706, %mul3A_708 : vector<16xi32>
      %add3A_710 = arith.addi %mul3A_709, %get3A_698 : vector<16xi32>
      %mul3A_711 = arith.constant 7 : i32
      %mul3A_712 = vector.broadcast %mul3A_711 : i32 to vector<16xi32>
      %mul3A_713 = arith.muli %add3A_710, %mul3A_712 : vector<16xi32>
      %add3A_714 = arith.addi %mul3A_713, %get3A_702 : vector<16xi32>
      %add3A_715 = arith.constant 560 : i32
      %add3A_716 = vector.broadcast %add3A_715 : i32 to vector<16xi32>
      %add3A_717 = arith.addi %add3A_714, %add3A_716 : vector<16xi32>
      %swap3A_718 = arith.constant 1 : i32
      %swap3A_719 = arith.index_cast %swap3A_718 : i32 to index
      %swap3A_720 = arith.constant 64 : index
      %swap3A_721 = tpu.vector_load %arg6[%swap3A_719, %swap3A_720] {strides = array<i32>} : memref<5x128xi32, #tpu.memory_space<vmem>>, vector<16xi32>,
      tpu.vector_store %arg6[%swap3A_719, %swap3A_720], %add3A_717 {strides = array<i32>} : memref<5x128xi32, #tpu.memory_space<vmem>>, vector<16xi32>,
      %get3A_722 = arith.constant 7 : i32
      %get3A_723 = arith.index_cast %get3A_722 : i32 to index
      %get3A_724 = arith.constant 64 : index
      %get3A_725 = tpu.vector_load %arg5[%get3A_723, %get3A_724] {strides = array<i32>} : memref<19x128xi32, #tpu.memory_space<vmem>>, vector<16xi32>,
      %get3A_726 = arith.constant 8 : i32
      %get3A_727 = arith.index_cast %get3A_726 : i32 to index
      %get3A_728 = arith.constant 64 : index
      %get3A_729 = tpu.vector_load %arg5[%get3A_727, %get3A_728] {strides = array<i32>} : memref<19x128xi32, #tpu.memory_space<vmem>>, vector<16xi32>,
      %get3A_730 = arith.constant 9 : i32
      %get3A_731 = arith.index_cast %get3A_730 : i32 to index
      %get3A_732 = arith.constant 64 : index
      %get3A_733 = tpu.vector_load %arg5[%get3A_731, %get3A_732] {strides = array<i32>} : memref<19x128xi32, #tpu.memory_space<vmem>>, vector<16xi32>,
      %get3A_734 = arith.constant 10 : i32
      %get3A_735 = arith.index_cast %get3A_734 : i32 to index
      %get3A_736 = arith.constant 64 : index
      %get3A_737 = tpu.vector_load %arg5[%get3A_735, %get3A_736] {strides = array<i32>} : memref<19x128xi32, #tpu.memory_space<vmem>>, vector<16xi32>,
      %mul3A_738 = arith.constant 7 : i32
      %mul3A_739 = vector.broadcast %mul3A_738 : i32 to vector<16xi32>
      %mul3A_740 = arith.muli %get3A_725, %mul3A_739 : vector<16xi32>
      %add3A_741 = arith.addi %mul3A_740, %get3A_729 : vector<16xi32>
      %mul3A_742 = arith.constant 7 : i32
      %mul3A_743 = vector.broadcast %mul3A_742 : i32 to vector<16xi32>
      %mul3A_744 = arith.muli %add3A_741, %mul3A_743 : vector<16xi32>
      %add3A_745 = arith.addi %mul3A_744, %get3A_733 : vector<16xi32>
      %mul3A_746 = arith.constant 7 : i32
      %mul3A_747 = vector.broadcast %mul3A_746 : i32 to vector<16xi32>
      %mul3A_748 = arith.muli %add3A_745, %mul3A_747 : vector<16xi32>
      %add3A_749 = arith.addi %mul3A_748, %get3A_737 : vector<16xi32>
      %add3A_750 = arith.constant 2992 : i32
      %add3A_751 = vector.broadcast %add3A_750 : i32 to vector<16xi32>
      %add3A_752 = arith.addi %add3A_749, %add3A_751 : vector<16xi32>
      %swap3A_753 = arith.constant 2 : i32
      %swap3A_754 = arith.index_cast %swap3A_753 : i32 to index
      %swap3A_755 = arith.constant 64 : index
      %swap3A_756 = tpu.vector_load %arg6[%swap3A_754, %swap3A_755] {strides = array<i32>} : memref<5x128xi32, #tpu.memory_space<vmem>>, vector<16xi32>,
      tpu.vector_store %arg6[%swap3A_754, %swap3A_755], %add3A_752 {strides = array<i32>} : memref<5x128xi32, #tpu.memory_space<vmem>>, vector<16xi32>,
      %get3A_757 = arith.constant 11 : i32
      %get3A_758 = arith.index_cast %get3A_757 : i32 to index
      %get3A_759 = arith.constant 64 : index
      %get3A_760 = tpu.vector_load %arg5[%get3A_758, %get3A_759] {strides = array<i32>} : memref<19x128xi32, #tpu.memory_space<vmem>>, vector<16xi32>,
      %get3A_761 = arith.constant 12 : i32
      %get3A_762 = arith.index_cast %get3A_761 : i32 to index
      %get3A_763 = arith.constant 64 : index
      %get3A_764 = tpu.vector_load %arg5[%get3A_762, %get3A_763] {strides = array<i32>} : memref<19x128xi32, #tpu.memory_space<vmem>>, vector<16xi32>,
      %get3A_765 = arith.constant 13 : i32
      %get3A_766 = arith.index_cast %get3A_765 : i32 to index
      %get3A_767 = arith.constant 64 : index
      %get3A_768 = tpu.vector_load %arg5[%get3A_766, %get3A_767] {strides = array<i32>} : memref<19x128xi32, #tpu.memory_space<vmem>>, vector<16xi32>,
      %get3A_769 = arith.constant 14 : i32
      %get3A_770 = arith.index_cast %get3A_769 : i32 to index
      %get3A_771 = arith.constant 64 : index
      %get3A_772 = tpu.vector_load %arg5[%get3A_770, %get3A_771] {strides = array<i32>} : memref<19x128xi32, #tpu.memory_space<vmem>>, vector<16xi32>,
      %mul3A_773 = arith.constant 7 : i32
      %mul3A_774 = vector.broadcast %mul3A_773 : i32 to vector<16xi32>
      %mul3A_775 = arith.muli %get3A_760, %mul3A_774 : vector<16xi32>
      %add3A_776 = arith.addi %mul3A_775, %get3A_764 : vector<16xi32>
      %mul3A_777 = arith.constant 7 : i32
      %mul3A_778 = vector.broadcast %mul3A_777 : i32 to vector<16xi32>
      %mul3A_779 = arith.muli %add3A_776, %mul3A_778 : vector<16xi32>
      %add3A_780 = arith.addi %mul3A_779, %get3A_768 : vector<16xi32>
      %mul3A_781 = arith.constant 7 : i32
      %mul3A_782 = vector.broadcast %mul3A_781 : i32 to vector<16xi32>
      %mul3A_783 = arith.muli %add3A_780, %mul3A_782 : vector<16xi32>
      %add3A_784 = arith.addi %mul3A_783, %get3A_772 : vector<16xi32>
      %add3A_785 = arith.constant 5424 : i32
      %add3A_786 = vector.broadcast %add3A_785 : i32 to vector<16xi32>
      %add3A_787 = arith.addi %add3A_784, %add3A_786 : vector<16xi32>
      %swap3A_788 = arith.constant 3 : i32
      %swap3A_789 = arith.index_cast %swap3A_788 : i32 to index
      %swap3A_790 = arith.constant 64 : index
      %swap3A_791 = tpu.vector_load %arg6[%swap3A_789, %swap3A_790] {strides = array<i32>} : memref<5x128xi32, #tpu.memory_space<vmem>>, vector<16xi32>,
      tpu.vector_store %arg6[%swap3A_789, %swap3A_790], %add3A_787 {strides = array<i32>} : memref<5x128xi32, #tpu.memory_space<vmem>>, vector<16xi32>,
      %get3A_792 = arith.constant 15 : i32
      %get3A_793 = arith.index_cast %get3A_792 : i32 to index
      %get3A_794 = arith.constant 64 : index
      %get3A_795 = tpu.vector_load %arg5[%get3A_793, %get3A_794] {strides = array<i32>} : memref<19x128xi32, #tpu.memory_space<vmem>>, vector<16xi32>,
      %get3A_796 = arith.constant 16 : i32
      %get3A_797 = arith.index_cast %get3A_796 : i32 to index
      %get3A_798 = arith.constant 64 : index
      %get3A_799 = tpu.vector_load %arg5[%get3A_797, %get3A_798] {strides = array<i32>} : memref<19x128xi32, #tpu.memory_space<vmem>>, vector<16xi32>,
      %get3A_800 = arith.constant 17 : i32
      %get3A_801 = arith.index_cast %get3A_800 : i32 to index
      %get3A_802 = arith.constant 64 : index
      %get3A_803 = tpu.vector_load %arg5[%get3A_801, %get3A_802] {strides = array<i32>} : memref<19x128xi32, #tpu.memory_space<vmem>>, vector<16xi32>,
      %get3A_804 = arith.constant 18 : i32
      %get3A_805 = arith.index_cast %get3A_804 : i32 to index
      %get3A_806 = arith.constant 64 : index
      %get3A_807 = tpu.vector_load %arg5[%get3A_805, %get3A_806] {strides = array<i32>} : memref<19x128xi32, #tpu.memory_space<vmem>>, vector<16xi32>,
      %mul3A_808 = arith.constant 7 : i32
      %mul3A_809 = vector.broadcast %mul3A_808 : i32 to vector<16xi32>
      %mul3A_810 = arith.muli %get3A_795, %mul3A_809 : vector<16xi32>
      %add3A_811 = arith.addi %mul3A_810, %get3A_799 : vector<16xi32>
      %mul3A_812 = arith.constant 7 : i32
      %mul3A_813 = vector.broadcast %mul3A_812 : i32 to vector<16xi32>
      %mul3A_814 = arith.muli %add3A_811, %mul3A_813 : vector<16xi32>
      %add3A_815 = arith.addi %mul3A_814, %get3A_803 : vector<16xi32>
      %mul3A_816 = arith.constant 7 : i32
      %mul3A_817 = vector.broadcast %mul3A_816 : i32 to vector<16xi32>
      %mul3A_818 = arith.muli %add3A_815, %mul3A_817 : vector<16xi32>
      %add3A_819 = arith.addi %mul3A_818, %get3A_807 : vector<16xi32>
      %add3A_820 = arith.constant 7856 : i32
      %add3A_821 = vector.broadcast %add3A_820 : i32 to vector<16xi32>
      %add3A_822 = arith.addi %add3A_819, %add3A_821 : vector<16xi32>
      %swap3A_823 = arith.constant 4 : i32
      %swap3A_824 = arith.index_cast %swap3A_823 : i32 to index
      %swap3A_825 = arith.constant 64 : index
      %swap3A_826 = tpu.vector_load %arg6[%swap3A_824, %swap3A_825] {strides = array<i32>} : memref<5x128xi32, #tpu.memory_space<vmem>>, vector<16xi32>,
      tpu.vector_store %arg6[%swap3A_824, %swap3A_825], %add3A_822 {strides = array<i32>} : memref<5x128xi32, #tpu.memory_space<vmem>>, vector<16xi32>,
      %get3A_827 = arith.constant 0 : i32
      %get3A_828 = arith.index_cast %get3A_827 : i32 to index
      %get3A_829 = arith.constant 80 : index
      %get3A_830 = tpu.vector_load %arg5[%get3A_828, %get3A_829] {strides = array<i32>} : memref<19x128xi32, #tpu.memory_space<vmem>>, vector<16xi32>,
      %mul3A_831 = arith.constant 10 : i32
      %mul3A_832 = vector.broadcast %mul3A_831 : i32 to vector<16xi32>
      %mul3A_833 = arith.muli %get3A_830, %mul3A_832 : vector<16xi32>
      %get3A_834 = arith.constant 1 : i32
      %get3A_835 = arith.index_cast %get3A_834 : i32 to index
      %get3A_836 = arith.constant 80 : index
      %get3A_837 = tpu.vector_load %arg5[%get3A_835, %get3A_836] {strides = array<i32>} : memref<19x128xi32, #tpu.memory_space<vmem>>, vector<16xi32>,
      %add3A_838 = arith.addi %mul3A_833, %get3A_837 : vector<16xi32>
      %mul3A_839 = arith.constant 7 : i32
      %mul3A_840 = vector.broadcast %mul3A_839 : i32 to vector<16xi32>
      %mul3A_841 = arith.muli %add3A_838, %mul3A_840 : vector<16xi32>
      %get3A_842 = arith.constant 2 : i32
      %get3A_843 = arith.index_cast %get3A_842 : i32 to index
      %get3A_844 = arith.constant 80 : index
      %get3A_845 = tpu.vector_load %arg5[%get3A_843, %get3A_844] {strides = array<i32>} : memref<19x128xi32, #tpu.memory_space<vmem>>, vector<16xi32>,
      %add3A_846 = arith.addi %mul3A_841, %get3A_845 : vector<16xi32>
      %swap3A_847 = arith.constant 0 : i32
      %swap3A_848 = arith.index_cast %swap3A_847 : i32 to index
      %swap3A_849 = arith.constant 80 : index
      %swap3A_850 = tpu.vector_load %arg6[%swap3A_848, %swap3A_849] {strides = array<i32>} : memref<5x128xi32, #tpu.memory_space<vmem>>, vector<16xi32>,
      tpu.vector_store %arg6[%swap3A_848, %swap3A_849], %add3A_846 {strides = array<i32>} : memref<5x128xi32, #tpu.memory_space<vmem>>, vector<16xi32>,
      %get3A_851 = arith.constant 3 : i32
      %get3A_852 = arith.index_cast %get3A_851 : i32 to index
      %get3A_853 = arith.constant 80 : index
      %get3A_854 = tpu.vector_load %arg5[%get3A_852, %get3A_853] {strides = array<i32>} : memref<19x128xi32, #tpu.memory_space<vmem>>, vector<16xi32>,
      %get3A_855 = arith.constant 4 : i32
      %get3A_856 = arith.index_cast %get3A_855 : i32 to index
      %get3A_857 = arith.constant 80 : index
      %get3A_858 = tpu.vector_load %arg5[%get3A_856, %get3A_857] {strides = array<i32>} : memref<19x128xi32, #tpu.memory_space<vmem>>, vector<16xi32>,
      %get3A_859 = arith.constant 5 : i32
      %get3A_860 = arith.index_cast %get3A_859 : i32 to index
      %get3A_861 = arith.constant 80 : index
      %get3A_862 = tpu.vector_load %arg5[%get3A_860, %get3A_861] {strides = array<i32>} : memref<19x128xi32, #tpu.memory_space<vmem>>, vector<16xi32>,
      %get3A_863 = arith.constant 6 : i32
      %get3A_864 = arith.index_cast %get3A_863 : i32 to index
      %get3A_865 = arith.constant 80 : index
      %get3A_866 = tpu.vector_load %arg5[%get3A_864, %get3A_865] {strides = array<i32>} : memref<19x128xi32, #tpu.memory_space<vmem>>, vector<16xi32>,
      %mul3A_867 = arith.constant 7 : i32
      %mul3A_868 = vector.broadcast %mul3A_867 : i32 to vector<16xi32>
      %mul3A_869 = arith.muli %get3A_854, %mul3A_868 : vector<16xi32>
      %add3A_870 = arith.addi %mul3A_869, %get3A_858 : vector<16xi32>
      %mul3A_871 = arith.constant 7 : i32
      %mul3A_872 = vector.broadcast %mul3A_871 : i32 to vector<16xi32>
      %mul3A_873 = arith.muli %add3A_870, %mul3A_872 : vector<16xi32>
      %add3A_874 = arith.addi %mul3A_873, %get3A_862 : vector<16xi32>
      %mul3A_875 = arith.constant 7 : i32
      %mul3A_876 = vector.broadcast %mul3A_875 : i32 to vector<16xi32>
      %mul3A_877 = arith.muli %add3A_874, %mul3A_876 : vector<16xi32>
      %add3A_878 = arith.addi %mul3A_877, %get3A_866 : vector<16xi32>
      %add3A_879 = arith.constant 560 : i32
      %add3A_880 = vector.broadcast %add3A_879 : i32 to vector<16xi32>
      %add3A_881 = arith.addi %add3A_878, %add3A_880 : vector<16xi32>
      %swap3A_882 = arith.constant 1 : i32
      %swap3A_883 = arith.index_cast %swap3A_882 : i32 to index
      %swap3A_884 = arith.constant 80 : index
      %swap3A_885 = tpu.vector_load %arg6[%swap3A_883, %swap3A_884] {strides = array<i32>} : memref<5x128xi32, #tpu.memory_space<vmem>>, vector<16xi32>,
      tpu.vector_store %arg6[%swap3A_883, %swap3A_884], %add3A_881 {strides = array<i32>} : memref<5x128xi32, #tpu.memory_space<vmem>>, vector<16xi32>,
      %get3A_886 = arith.constant 7 : i32
      %get3A_887 = arith.index_cast %get3A_886 : i32 to index
      %get3A_888 = arith.constant 80 : index
      %get3A_889 = tpu.vector_load %arg5[%get3A_887, %get3A_888] {strides = array<i32>} : memref<19x128xi32, #tpu.memory_space<vmem>>, vector<16xi32>,
      %get3A_890 = arith.constant 8 : i32
      %get3A_891 = arith.index_cast %get3A_890 : i32 to index
      %get3A_892 = arith.constant 80 : index
      %get3A_893 = tpu.vector_load %arg5[%get3A_891, %get3A_892] {strides = array<i32>} : memref<19x128xi32, #tpu.memory_space<vmem>>, vector<16xi32>,
      %get3A_894 = arith.constant 9 : i32
      %get3A_895 = arith.index_cast %get3A_894 : i32 to index
      %get3A_896 = arith.constant 80 : index
      %get3A_897 = tpu.vector_load %arg5[%get3A_895, %get3A_896] {strides = array<i32>} : memref<19x128xi32, #tpu.memory_space<vmem>>, vector<16xi32>,
      %get3A_898 = arith.constant 10 : i32
      %get3A_899 = arith.index_cast %get3A_898 : i32 to index
      %get3A_900 = arith.constant 80 : index
      %get3A_901 = tpu.vector_load %arg5[%get3A_899, %get3A_900] {strides = array<i32>} : memref<19x128xi32, #tpu.memory_space<vmem>>, vector<16xi32>,
      %mul3A_902 = arith.constant 7 : i32
      %mul3A_903 = vector.broadcast %mul3A_902 : i32 to vector<16xi32>
      %mul3A_904 = arith.muli %get3A_889, %mul3A_903 : vector<16xi32>
      %add3A_905 = arith.addi %mul3A_904, %get3A_893 : vector<16xi32>
      %mul3A_906 = arith.constant 7 : i32
      %mul3A_907 = vector.broadcast %mul3A_906 : i32 to vector<16xi32>
      %mul3A_908 = arith.muli %add3A_905, %mul3A_907 : vector<16xi32>
      %add3A_909 = arith.addi %mul3A_908, %get3A_897 : vector<16xi32>
      %mul3A_910 = arith.constant 7 : i32
      %mul3A_911 = vector.broadcast %mul3A_910 : i32 to vector<16xi32>
      %mul3A_912 = arith.muli %add3A_909, %mul3A_911 : vector<16xi32>
      %add3A_913 = arith.addi %mul3A_912, %get3A_901 : vector<16xi32>
      %add3A_914 = arith.constant 2992 : i32
      %add3A_915 = vector.broadcast %add3A_914 : i32 to vector<16xi32>
      %add3A_916 = arith.addi %add3A_913, %add3A_915 : vector<16xi32>
      %swap3A_917 = arith.constant 2 : i32
      %swap3A_918 = arith.index_cast %swap3A_917 : i32 to index
      %swap3A_919 = arith.constant 80 : index
      %swap3A_920 = tpu.vector_load %arg6[%swap3A_918, %swap3A_919] {strides = array<i32>} : memref<5x128xi32, #tpu.memory_space<vmem>>, vector<16xi32>,
      tpu.vector_store %arg6[%swap3A_918, %swap3A_919], %add3A_916 {strides = array<i32>} : memref<5x128xi32, #tpu.memory_space<vmem>>, vector<16xi32>,
      %get3A_921 = arith.constant 11 : i32
      %get3A_922 = arith.index_cast %get3A_921 : i32 to index
      %get3A_923 = arith.constant 80 : index
      %get3A_924 = tpu.vector_load %arg5[%get3A_922, %get3A_923] {strides = array<i32>} : memref<19x128xi32, #tpu.memory_space<vmem>>, vector<16xi32>,
      %get3A_925 = arith.constant 12 : i32
      %get3A_926 = arith.index_cast %get3A_925 : i32 to index
      %get3A_927 = arith.constant 80 : index
      %get3A_928 = tpu.vector_load %arg5[%get3A_926, %get3A_927] {strides = array<i32>} : memref<19x128xi32, #tpu.memory_space<vmem>>, vector<16xi32>,
      %get3A_929 = arith.constant 13 : i32
      %get3A_930 = arith.index_cast %get3A_929 : i32 to index
      %get3A_931 = arith.constant 80 : index
      %get3A_932 = tpu.vector_load %arg5[%get3A_930, %get3A_931] {strides = array<i32>} : memref<19x128xi32, #tpu.memory_space<vmem>>, vector<16xi32>,
      %get3A_933 = arith.constant 14 : i32
      %get3A_934 = arith.index_cast %get3A_933 : i32 to index
      %get3A_935 = arith.constant 80 : index
      %get3A_936 = tpu.vector_load %arg5[%get3A_934, %get3A_935] {strides = array<i32>} : memref<19x128xi32, #tpu.memory_space<vmem>>, vector<16xi32>,
      %mul3A_937 = arith.constant 7 : i32
      %mul3A_938 = vector.broadcast %mul3A_937 : i32 to vector<16xi32>
      %mul3A_939 = arith.muli %get3A_924, %mul3A_938 : vector<16xi32>
      %add3A_940 = arith.addi %mul3A_939, %get3A_928 : vector<16xi32>
      %mul3A_941 = arith.constant 7 : i32
      %mul3A_942 = vector.broadcast %mul3A_941 : i32 to vector<16xi32>
      %mul3A_943 = arith.muli %add3A_940, %mul3A_942 : vector<16xi32>
      %add3A_944 = arith.addi %mul3A_943, %get3A_932 : vector<16xi32>
      %mul3A_945 = arith.constant 7 : i32
      %mul3A_946 = vector.broadcast %mul3A_945 : i32 to vector<16xi32>
      %mul3A_947 = arith.muli %add3A_944, %mul3A_946 : vector<16xi32>
      %add3A_948 = arith.addi %mul3A_947, %get3A_936 : vector<16xi32>
      %add3A_949 = arith.constant 5424 : i32
      %add3A_950 = vector.broadcast %add3A_949 : i32 to vector<16xi32>
      %add3A_951 = arith.addi %add3A_948, %add3A_950 : vector<16xi32>
      %swap3A_952 = arith.constant 3 : i32
      %swap3A_953 = arith.index_cast %swap3A_952 : i32 to index
      %swap3A_954 = arith.constant 80 : index
      %swap3A_955 = tpu.vector_load %arg6[%swap3A_953, %swap3A_954] {strides = array<i32>} : memref<5x128xi32, #tpu.memory_space<vmem>>, vector<16xi32>,
      tpu.vector_store %arg6[%swap3A_953, %swap3A_954], %add3A_951 {strides = array<i32>} : memref<5x128xi32, #tpu.memory_space<vmem>>, vector<16xi32>,
      %get3A_956 = arith.constant 15 : i32
      %get3A_957 = arith.index_cast %get3A_956 : i32 to index
      %get3A_958 = arith.constant 80 : index
      %get3A_959 = tpu.vector_load %arg5[%get3A_957, %get3A_958] {strides = array<i32>} : memref<19x128xi32, #tpu.memory_space<vmem>>, vector<16xi32>,
      %get3A_960 = arith.constant 16 : i32
      %get3A_961 = arith.index_cast %get3A_960 : i32 to index
      %get3A_962 = arith.constant 80 : index
      %get3A_963 = tpu.vector_load %arg5[%get3A_961, %get3A_962] {strides = array<i32>} : memref<19x128xi32, #tpu.memory_space<vmem>>, vector<16xi32>,
      %get3A_964 = arith.constant 17 : i32
      %get3A_965 = arith.index_cast %get3A_964 : i32 to index
      %get3A_966 = arith.constant 80 : index
      %get3A_967 = tpu.vector_load %arg5[%get3A_965, %get3A_966] {strides = array<i32>} : memref<19x128xi32, #tpu.memory_space<vmem>>, vector<16xi32>,
      %get3A_968 = arith.constant 18 : i32
      %get3A_969 = arith.index_cast %get3A_968 : i32 to index
      %get3A_970 = arith.constant 80 : index
      %get3A_971 = tpu.vector_load %arg5[%get3A_969, %get3A_970] {strides = array<i32>} : memref<19x128xi32, #tpu.memory_space<vmem>>, vector<16xi32>,
      %mul3A_972 = arith.constant 7 : i32
      %mul3A_973 = vector.broadcast %mul3A_972 : i32 to vector<16xi32>
      %mul3A_974 = arith.muli %get3A_959, %mul3A_973 : vector<16xi32>
      %add3A_975 = arith.addi %mul3A_974, %get3A_963 : vector<16xi32>
      %mul3A_976 = arith.constant 7 : i32
      %mul3A_977 = vector.broadcast %mul3A_976 : i32 to vector<16xi32>
      %mul3A_978 = arith.muli %add3A_975, %mul3A_977 : vector<16xi32>
      %add3A_979 = arith.addi %mul3A_978, %get3A_967 : vector<16xi32>
      %mul3A_980 = arith.constant 7 : i32
      %mul3A_981 = vector.broadcast %mul3A_980 : i32 to vector<16xi32>
      %mul3A_982 = arith.muli %add3A_979, %mul3A_981 : vector<16xi32>
      %add3A_983 = arith.addi %mul3A_982, %get3A_971 : vector<16xi32>
      %add3A_984 = arith.constant 7856 : i32
      %add3A_985 = vector.broadcast %add3A_984 : i32 to vector<16xi32>
      %add3A_986 = arith.addi %add3A_983, %add3A_985 : vector<16xi32>
      %swap3A_987 = arith.constant 4 : i32
      %swap3A_988 = arith.index_cast %swap3A_987 : i32 to index
      %swap3A_989 = arith.constant 80 : index
      %swap3A_990 = tpu.vector_load %arg6[%swap3A_988, %swap3A_989] {strides = array<i32>} : memref<5x128xi32, #tpu.memory_space<vmem>>, vector<16xi32>,
      tpu.vector_store %arg6[%swap3A_988, %swap3A_989], %add3A_986 {strides = array<i32>} : memref<5x128xi32, #tpu.memory_space<vmem>>, vector<16xi32>,
      %get3A_991 = arith.constant 0 : i32
      %get3A_992 = arith.index_cast %get3A_991 : i32 to index
      %get3A_993 = arith.constant 96 : index
      %get3A_994 = tpu.vector_load %arg5[%get3A_992, %get3A_993] {strides = array<i32>} : memref<19x128xi32, #tpu.memory_space<vmem>>, vector<16xi32>,
      %mul3A_995 = arith.constant 10 : i32
      %mul3A_996 = vector.broadcast %mul3A_995 : i32 to vector<16xi32>
      %mul3A_997 = arith.muli %get3A_994, %mul3A_996 : vector<16xi32>
      %get3A_998 = arith.constant 1 : i32
      %get3A_999 = arith.index_cast %get3A_998 : i32 to index
      %get3A_1000 = arith.constant 96 : index
      %get3A_1001 = tpu.vector_load %arg5[%get3A_999, %get3A_1000] {strides = array<i32>} : memref<19x128xi32, #tpu.memory_space<vmem>>, vector<16xi32>,
      %add3A_1002 = arith.addi %mul3A_997, %get3A_1001 : vector<16xi32>
      %mul3A_1003 = arith.constant 7 : i32
      %mul3A_1004 = vector.broadcast %mul3A_1003 : i32 to vector<16xi32>
      %mul3A_1005 = arith.muli %add3A_1002, %mul3A_1004 : vector<16xi32>
      %get3A_1006 = arith.constant 2 : i32
      %get3A_1007 = arith.index_cast %get3A_1006 : i32 to index
      %get3A_1008 = arith.constant 96 : index
      %get3A_1009 = tpu.vector_load %arg5[%get3A_1007, %get3A_1008] {strides = array<i32>} : memref<19x128xi32, #tpu.memory_space<vmem>>, vector<16xi32>,
      %add3A_1010 = arith.addi %mul3A_1005, %get3A_1009 : vector<16xi32>
      %swap3A_1011 = arith.constant 0 : i32
      %swap3A_1012 = arith.index_cast %swap3A_1011 : i32 to index
      %swap3A_1013 = arith.constant 96 : index
      %swap3A_1014 = tpu.vector_load %arg6[%swap3A_1012, %swap3A_1013] {strides = array<i32>} : memref<5x128xi32, #tpu.memory_space<vmem>>, vector<16xi32>,
      tpu.vector_store %arg6[%swap3A_1012, %swap3A_1013], %add3A_1010 {strides = array<i32>} : memref<5x128xi32, #tpu.memory_space<vmem>>, vector<16xi32>,
      %get3A_1015 = arith.constant 3 : i32
      %get3A_1016 = arith.index_cast %get3A_1015 : i32 to index
      %get3A_1017 = arith.constant 96 : index
      %get3A_1018 = tpu.vector_load %arg5[%get3A_1016, %get3A_1017] {strides = array<i32>} : memref<19x128xi32, #tpu.memory_space<vmem>>, vector<16xi32>,
      %get3A_1019 = arith.constant 4 : i32
      %get3A_1020 = arith.index_cast %get3A_1019 : i32 to index
      %get3A_1021 = arith.constant 96 : index
      %get3A_1022 = tpu.vector_load %arg5[%get3A_1020, %get3A_1021] {strides = array<i32>} : memref<19x128xi32, #tpu.memory_space<vmem>>, vector<16xi32>,
      %get3A_1023 = arith.constant 5 : i32
      %get3A_1024 = arith.index_cast %get3A_1023 : i32 to index
      %get3A_1025 = arith.constant 96 : index
      %get3A_1026 = tpu.vector_load %arg5[%get3A_1024, %get3A_1025] {strides = array<i32>} : memref<19x128xi32, #tpu.memory_space<vmem>>, vector<16xi32>,
      %get3A_1027 = arith.constant 6 : i32
      %get3A_1028 = arith.index_cast %get3A_1027 : i32 to index
      %get3A_1029 = arith.constant 96 : index
      %get3A_1030 = tpu.vector_load %arg5[%get3A_1028, %get3A_1029] {strides = array<i32>} : memref<19x128xi32, #tpu.memory_space<vmem>>, vector<16xi32>,
      %mul3A_1031 = arith.constant 7 : i32
      %mul3A_1032 = vector.broadcast %mul3A_1031 : i32 to vector<16xi32>
      %mul3A_1033 = arith.muli %get3A_1018, %mul3A_1032 : vector<16xi32>
      %add3A_1034 = arith.addi %mul3A_1033, %get3A_1022 : vector<16xi32>
      %mul3A_1035 = arith.constant 7 : i32
      %mul3A_1036 = vector.broadcast %mul3A_1035 : i32 to vector<16xi32>
      %mul3A_1037 = arith.muli %add3A_1034, %mul3A_1036 : vector<16xi32>
      %add3A_1038 = arith.addi %mul3A_1037, %get3A_1026 : vector<16xi32>
      %mul3A_1039 = arith.constant 7 : i32
      %mul3A_1040 = vector.broadcast %mul3A_1039 : i32 to vector<16xi32>
      %mul3A_1041 = arith.muli %add3A_1038, %mul3A_1040 : vector<16xi32>
      %add3A_1042 = arith.addi %mul3A_1041, %get3A_1030 : vector<16xi32>
      %add3A_1043 = arith.constant 560 : i32
      %add3A_1044 = vector.broadcast %add3A_1043 : i32 to vector<16xi32>
      %add3A_1045 = arith.addi %add3A_1042, %add3A_1044 : vector<16xi32>
      %swap3A_1046 = arith.constant 1 : i32
      %swap3A_1047 = arith.index_cast %swap3A_1046 : i32 to index
      %swap3A_1048 = arith.constant 96 : index
      %swap3A_1049 = tpu.vector_load %arg6[%swap3A_1047, %swap3A_1048] {strides = array<i32>} : memref<5x128xi32, #tpu.memory_space<vmem>>, vector<16xi32>,
      tpu.vector_store %arg6[%swap3A_1047, %swap3A_1048], %add3A_1045 {strides = array<i32>} : memref<5x128xi32, #tpu.memory_space<vmem>>, vector<16xi32>,
      %get3A_1050 = arith.constant 7 : i32
      %get3A_1051 = arith.index_cast %get3A_1050 : i32 to index
      %get3A_1052 = arith.constant 96 : index
      %get3A_1053 = tpu.vector_load %arg5[%get3A_1051, %get3A_1052] {strides = array<i32>} : memref<19x128xi32, #tpu.memory_space<vmem>>, vector<16xi32>,
      %get3A_1054 = arith.constant 8 : i32
      %get3A_1055 = arith.index_cast %get3A_1054 : i32 to index
      %get3A_1056 = arith.constant 96 : index
      %get3A_1057 = tpu.vector_load %arg5[%get3A_1055, %get3A_1056] {strides = array<i32>} : memref<19x128xi32, #tpu.memory_space<vmem>>, vector<16xi32>,
      %get3A_1058 = arith.constant 9 : i32
      %get3A_1059 = arith.index_cast %get3A_1058 : i32 to index
      %get3A_1060 = arith.constant 96 : index
      %get3A_1061 = tpu.vector_load %arg5[%get3A_1059, %get3A_1060] {strides = array<i32>} : memref<19x128xi32, #tpu.memory_space<vmem>>, vector<16xi32>,
      %get3A_1062 = arith.constant 10 : i32
      %get3A_1063 = arith.index_cast %get3A_1062 : i32 to index
      %get3A_1064 = arith.constant 96 : index
      %get3A_1065 = tpu.vector_load %arg5[%get3A_1063, %get3A_1064] {strides = array<i32>} : memref<19x128xi32, #tpu.memory_space<vmem>>, vector<16xi32>,
      %mul3A_1066 = arith.constant 7 : i32
      %mul3A_1067 = vector.broadcast %mul3A_1066 : i32 to vector<16xi32>
      %mul3A_1068 = arith.muli %get3A_1053, %mul3A_1067 : vector<16xi32>
      %add3A_1069 = arith.addi %mul3A_1068, %get3A_1057 : vector<16xi32>
      %mul3A_1070 = arith.constant 7 : i32
      %mul3A_1071 = vector.broadcast %mul3A_1070 : i32 to vector<16xi32>
      %mul3A_1072 = arith.muli %add3A_1069, %mul3A_1071 : vector<16xi32>
      %add3A_1073 = arith.addi %mul3A_1072, %get3A_1061 : vector<16xi32>
      %mul3A_1074 = arith.constant 7 : i32
      %mul3A_1075 = vector.broadcast %mul3A_1074 : i32 to vector<16xi32>
      %mul3A_1076 = arith.muli %add3A_1073, %mul3A_1075 : vector<16xi32>
      %add3A_1077 = arith.addi %mul3A_1076, %get3A_1065 : vector<16xi32>
      %add3A_1078 = arith.constant 2992 : i32
      %add3A_1079 = vector.broadcast %add3A_1078 : i32 to vector<16xi32>
      %add3A_1080 = arith.addi %add3A_1077, %add3A_1079 : vector<16xi32>
      %swap3A_1081 = arith.constant 2 : i32
      %swap3A_1082 = arith.index_cast %swap3A_1081 : i32 to index
      %swap3A_1083 = arith.constant 96 : index
      %swap3A_1084 = tpu.vector_load %arg6[%swap3A_1082, %swap3A_1083] {strides = array<i32>} : memref<5x128xi32, #tpu.memory_space<vmem>>, vector<16xi32>,
      tpu.vector_store %arg6[%swap3A_1082, %swap3A_1083], %add3A_1080 {strides = array<i32>} : memref<5x128xi32, #tpu.memory_space<vmem>>, vector<16xi32>,
      %get3A_1085 = arith.constant 11 : i32
      %get3A_1086 = arith.index_cast %get3A_1085 : i32 to index
      %get3A_1087 = arith.constant 96 : index
      %get3A_1088 = tpu.vector_load %arg5[%get3A_1086, %get3A_1087] {strides = array<i32>} : memref<19x128xi32, #tpu.memory_space<vmem>>, vector<16xi32>,
      %get3A_1089 = arith.constant 12 : i32
      %get3A_1090 = arith.index_cast %get3A_1089 : i32 to index
      %get3A_1091 = arith.constant 96 : index
      %get3A_1092 = tpu.vector_load %arg5[%get3A_1090, %get3A_1091] {strides = array<i32>} : memref<19x128xi32, #tpu.memory_space<vmem>>, vector<16xi32>,
      %get3A_1093 = arith.constant 13 : i32
      %get3A_1094 = arith.index_cast %get3A_1093 : i32 to index
      %get3A_1095 = arith.constant 96 : index
      %get3A_1096 = tpu.vector_load %arg5[%get3A_1094, %get3A_1095] {strides = array<i32>} : memref<19x128xi32, #tpu.memory_space<vmem>>, vector<16xi32>,
      %get3A_1097 = arith.constant 14 : i32
      %get3A_1098 = arith.index_cast %get3A_1097 : i32 to index
      %get3A_1099 = arith.constant 96 : index
      %get3A_1100 = tpu.vector_load %arg5[%get3A_1098, %get3A_1099] {strides = array<i32>} : memref<19x128xi32, #tpu.memory_space<vmem>>, vector<16xi32>,
      %mul3A_1101 = arith.constant 7 : i32
      %mul3A_1102 = vector.broadcast %mul3A_1101 : i32 to vector<16xi32>
      %mul3A_1103 = arith.muli %get3A_1088, %mul3A_1102 : vector<16xi32>
      %add3A_1104 = arith.addi %mul3A_1103, %get3A_1092 : vector<16xi32>
      %mul3A_1105 = arith.constant 7 : i32
      %mul3A_1106 = vector.broadcast %mul3A_1105 : i32 to vector<16xi32>
      %mul3A_1107 = arith.muli %add3A_1104, %mul3A_1106 : vector<16xi32>
      %add3A_1108 = arith.addi %mul3A_1107, %get3A_1096 : vector<16xi32>
      %mul3A_1109 = arith.constant 7 : i32
      %mul3A_1110 = vector.broadcast %mul3A_1109 : i32 to vector<16xi32>
      %mul3A_1111 = arith.muli %add3A_1108, %mul3A_1110 : vector<16xi32>
      %add3A_1112 = arith.addi %mul3A_1111, %get3A_1100 : vector<16xi32>
      %add3A_1113 = arith.constant 5424 : i32
      %add3A_1114 = vector.broadcast %add3A_1113 : i32 to vector<16xi32>
      %add3A_1115 = arith.addi %add3A_1112, %add3A_1114 : vector<16xi32>
      %swap3A_1116 = arith.constant 3 : i32
      %swap3A_1117 = arith.index_cast %swap3A_1116 : i32 to index
      %swap3A_1118 = arith.constant 96 : index
      %swap3A_1119 = tpu.vector_load %arg6[%swap3A_1117, %swap3A_1118] {strides = array<i32>} : memref<5x128xi32, #tpu.memory_space<vmem>>, vector<16xi32>,
      tpu.vector_store %arg6[%swap3A_1117, %swap3A_1118], %add3A_1115 {strides = array<i32>} : memref<5x128xi32, #tpu.memory_space<vmem>>, vector<16xi32>,
      %get3A_1120 = arith.constant 15 : i32
      %get3A_1121 = arith.index_cast %get3A_1120 : i32 to index
      %get3A_1122 = arith.constant 96 : index
      %get3A_1123 = tpu.vector_load %arg5[%get3A_1121, %get3A_1122] {strides = array<i32>} : memref<19x128xi32, #tpu.memory_space<vmem>>, vector<16xi32>,
      %get3A_1124 = arith.constant 16 : i32
      %get3A_1125 = arith.index_cast %get3A_1124 : i32 to index
      %get3A_1126 = arith.constant 96 : index
      %get3A_1127 = tpu.vector_load %arg5[%get3A_1125, %get3A_1126] {strides = array<i32>} : memref<19x128xi32, #tpu.memory_space<vmem>>, vector<16xi32>,
      %get3A_1128 = arith.constant 17 : i32
      %get3A_1129 = arith.index_cast %get3A_1128 : i32 to index
      %get3A_1130 = arith.constant 96 : index
      %get3A_1131 = tpu.vector_load %arg5[%get3A_1129, %get3A_1130] {strides = array<i32>} : memref<19x128xi32, #tpu.memory_space<vmem>>, vector<16xi32>,
      %get3A_1132 = arith.constant 18 : i32
      %get3A_1133 = arith.index_cast %get3A_1132 : i32 to index
      %get3A_1134 = arith.constant 96 : index
      %get3A_1135 = tpu.vector_load %arg5[%get3A_1133, %get3A_1134] {strides = array<i32>} : memref<19x128xi32, #tpu.memory_space<vmem>>, vector<16xi32>,
      %mul3A_1136 = arith.constant 7 : i32
      %mul3A_1137 = vector.broadcast %mul3A_1136 : i32 to vector<16xi32>
      %mul3A_1138 = arith.muli %get3A_1123, %mul3A_1137 : vector<16xi32>
      %add3A_1139 = arith.addi %mul3A_1138, %get3A_1127 : vector<16xi32>
      %mul3A_1140 = arith.constant 7 : i32
      %mul3A_1141 = vector.broadcast %mul3A_1140 : i32 to vector<16xi32>
      %mul3A_1142 = arith.muli %add3A_1139, %mul3A_1141 : vector<16xi32>
      %add3A_1143 = arith.addi %mul3A_1142, %get3A_1131 : vector<16xi32>
      %mul3A_1144 = arith.constant 7 : i32
      %mul3A_1145 = vector.broadcast %mul3A_1144 : i32 to vector<16xi32>
      %mul3A_1146 = arith.muli %add3A_1143, %mul3A_1145 : vector<16xi32>
      %add3A_1147 = arith.addi %mul3A_1146, %get3A_1135 : vector<16xi32>
      %add3A_1148 = arith.constant 7856 : i32
      %add3A_1149 = vector.broadcast %add3A_1148 : i32 to vector<16xi32>
      %add3A_1150 = arith.addi %add3A_1147, %add3A_1149 : vector<16xi32>
      %swap3A_1151 = arith.constant 4 : i32
      %swap3A_1152 = arith.index_cast %swap3A_1151 : i32 to index
      %swap3A_1153 = arith.constant 96 : index
      %swap3A_1154 = tpu.vector_load %arg6[%swap3A_1152, %swap3A_1153] {strides = array<i32>} : memref<5x128xi32, #tpu.memory_space<vmem>>, vector<16xi32>,
      tpu.vector_store %arg6[%swap3A_1152, %swap3A_1153], %add3A_1150 {strides = array<i32>} : memref<5x128xi32, #tpu.memory_space<vmem>>, vector<16xi32>,
      %get3A_1155 = arith.constant 0 : i32
      %get3A_1156 = arith.index_cast %get3A_1155 : i32 to index
      %get3A_1157 = arith.constant 112 : index
      %get3A_1158 = tpu.vector_load %arg5[%get3A_1156, %get3A_1157] {strides = array<i32>} : memref<19x128xi32, #tpu.memory_space<vmem>>, vector<16xi32>,
      %mul3A_1159 = arith.constant 10 : i32
      %mul3A_1160 = vector.broadcast %mul3A_1159 : i32 to vector<16xi32>
      %mul3A_1161 = arith.muli %get3A_1158, %mul3A_1160 : vector<16xi32>
      %get3A_1162 = arith.constant 1 : i32
      %get3A_1163 = arith.index_cast %get3A_1162 : i32 to index
      %get3A_1164 = arith.constant 112 : index
      %get3A_1165 = tpu.vector_load %arg5[%get3A_1163, %get3A_1164] {strides = array<i32>} : memref<19x128xi32, #tpu.memory_space<vmem>>, vector<16xi32>,
      %add3A_1166 = arith.addi %mul3A_1161, %get3A_1165 : vector<16xi32>
      %mul3A_1167 = arith.constant 7 : i32
      %mul3A_1168 = vector.broadcast %mul3A_1167 : i32 to vector<16xi32>
      %mul3A_1169 = arith.muli %add3A_1166, %mul3A_1168 : vector<16xi32>
      %get3A_1170 = arith.constant 2 : i32
      %get3A_1171 = arith.index_cast %get3A_1170 : i32 to index
      %get3A_1172 = arith.constant 112 : index
      %get3A_1173 = tpu.vector_load %arg5[%get3A_1171, %get3A_1172] {strides = array<i32>} : memref<19x128xi32, #tpu.memory_space<vmem>>, vector<16xi32>,
      %add3A_1174 = arith.addi %mul3A_1169, %get3A_1173 : vector<16xi32>
      %swap3A_1175 = arith.constant 0 : i32
      %swap3A_1176 = arith.index_cast %swap3A_1175 : i32 to index
      %swap3A_1177 = arith.constant 112 : index
      %swap3A_1178 = tpu.vector_load %arg6[%swap3A_1176, %swap3A_1177] {strides = array<i32>} : memref<5x128xi32, #tpu.memory_space<vmem>>, vector<16xi32>,
      tpu.vector_store %arg6[%swap3A_1176, %swap3A_1177], %add3A_1174 {strides = array<i32>} : memref<5x128xi32, #tpu.memory_space<vmem>>, vector<16xi32>,
      %get3A_1179 = arith.constant 3 : i32
      %get3A_1180 = arith.index_cast %get3A_1179 : i32 to index
      %get3A_1181 = arith.constant 112 : index
      %get3A_1182 = tpu.vector_load %arg5[%get3A_1180, %get3A_1181] {strides = array<i32>} : memref<19x128xi32, #tpu.memory_space<vmem>>, vector<16xi32>,
      %get3A_1183 = arith.constant 4 : i32
      %get3A_1184 = arith.index_cast %get3A_1183 : i32 to index
      %get3A_1185 = arith.constant 112 : index
      %get3A_1186 = tpu.vector_load %arg5[%get3A_1184, %get3A_1185] {strides = array<i32>} : memref<19x128xi32, #tpu.memory_space<vmem>>, vector<16xi32>,
      %get3A_1187 = arith.constant 5 : i32
      %get3A_1188 = arith.index_cast %get3A_1187 : i32 to index
      %get3A_1189 = arith.constant 112 : index
      %get3A_1190 = tpu.vector_load %arg5[%get3A_1188, %get3A_1189] {strides = array<i32>} : memref<19x128xi32, #tpu.memory_space<vmem>>, vector<16xi32>,
      %get3A_1191 = arith.constant 6 : i32
      %get3A_1192 = arith.index_cast %get3A_1191 : i32 to index
      %get3A_1193 = arith.constant 112 : index
      %get3A_1194 = tpu.vector_load %arg5[%get3A_1192, %get3A_1193] {strides = array<i32>} : memref<19x128xi32, #tpu.memory_space<vmem>>, vector<16xi32>,
      %mul3A_1195 = arith.constant 7 : i32
      %mul3A_1196 = vector.broadcast %mul3A_1195 : i32 to vector<16xi32>
      %mul3A_1197 = arith.muli %get3A_1182, %mul3A_1196 : vector<16xi32>
      %add3A_1198 = arith.addi %mul3A_1197, %get3A_1186 : vector<16xi32>
      %mul3A_1199 = arith.constant 7 : i32
      %mul3A_1200 = vector.broadcast %mul3A_1199 : i32 to vector<16xi32>
      %mul3A_1201 = arith.muli %add3A_1198, %mul3A_1200 : vector<16xi32>
      %add3A_1202 = arith.addi %mul3A_1201, %get3A_1190 : vector<16xi32>
      %mul3A_1203 = arith.constant 7 : i32
      %mul3A_1204 = vector.broadcast %mul3A_1203 : i32 to vector<16xi32>
      %mul3A_1205 = arith.muli %add3A_1202, %mul3A_1204 : vector<16xi32>
      %add3A_1206 = arith.addi %mul3A_1205, %get3A_1194 : vector<16xi32>
      %add3A_1207 = arith.constant 560 : i32
      %add3A_1208 = vector.broadcast %add3A_1207 : i32 to vector<16xi32>
      %add3A_1209 = arith.addi %add3A_1206, %add3A_1208 : vector<16xi32>
      %swap3A_1210 = arith.constant 1 : i32
      %swap3A_1211 = arith.index_cast %swap3A_1210 : i32 to index
      %swap3A_1212 = arith.constant 112 : index
      %swap3A_1213 = tpu.vector_load %arg6[%swap3A_1211, %swap3A_1212] {strides = array<i32>} : memref<5x128xi32, #tpu.memory_space<vmem>>, vector<16xi32>,
      tpu.vector_store %arg6[%swap3A_1211, %swap3A_1212], %add3A_1209 {strides = array<i32>} : memref<5x128xi32, #tpu.memory_space<vmem>>, vector<16xi32>,
      %get3A_1214 = arith.constant 7 : i32
      %get3A_1215 = arith.index_cast %get3A_1214 : i32 to index
      %get3A_1216 = arith.constant 112 : index
      %get3A_1217 = tpu.vector_load %arg5[%get3A_1215, %get3A_1216] {strides = array<i32>} : memref<19x128xi32, #tpu.memory_space<vmem>>, vector<16xi32>,
      %get3A_1218 = arith.constant 8 : i32
      %get3A_1219 = arith.index_cast %get3A_1218 : i32 to index
      %get3A_1220 = arith.constant 112 : index
      %get3A_1221 = tpu.vector_load %arg5[%get3A_1219, %get3A_1220] {strides = array<i32>} : memref<19x128xi32, #tpu.memory_space<vmem>>, vector<16xi32>,
      %get3A_1222 = arith.constant 9 : i32
      %get3A_1223 = arith.index_cast %get3A_1222 : i32 to index
      %get3A_1224 = arith.constant 112 : index
      %get3A_1225 = tpu.vector_load %arg5[%get3A_1223, %get3A_1224] {strides = array<i32>} : memref<19x128xi32, #tpu.memory_space<vmem>>, vector<16xi32>,
      %get3A_1226 = arith.constant 10 : i32
      %get3A_1227 = arith.index_cast %get3A_1226 : i32 to index
      %get3A_1228 = arith.constant 112 : index
      %get3A_1229 = tpu.vector_load %arg5[%get3A_1227, %get3A_1228] {strides = array<i32>} : memref<19x128xi32, #tpu.memory_space<vmem>>, vector<16xi32>,
      %mul3A_1230 = arith.constant 7 : i32
      %mul3A_1231 = vector.broadcast %mul3A_1230 : i32 to vector<16xi32>
      %mul3A_1232 = arith.muli %get3A_1217, %mul3A_1231 : vector<16xi32>
      %add3A_1233 = arith.addi %mul3A_1232, %get3A_1221 : vector<16xi32>
      %mul3A_1234 = arith.constant 7 : i32
      %mul3A_1235 = vector.broadcast %mul3A_1234 : i32 to vector<16xi32>
      %mul3A_1236 = arith.muli %add3A_1233, %mul3A_1235 : vector<16xi32>
      %add3A_1237 = arith.addi %mul3A_1236, %get3A_1225 : vector<16xi32>
      %mul3A_1238 = arith.constant 7 : i32
      %mul3A_1239 = vector.broadcast %mul3A_1238 : i32 to vector<16xi32>
      %mul3A_1240 = arith.muli %add3A_1237, %mul3A_1239 : vector<16xi32>
      %add3A_1241 = arith.addi %mul3A_1240, %get3A_1229 : vector<16xi32>
      %add3A_1242 = arith.constant 2992 : i32
      %add3A_1243 = vector.broadcast %add3A_1242 : i32 to vector<16xi32>
      %add3A_1244 = arith.addi %add3A_1241, %add3A_1243 : vector<16xi32>
      %swap3A_1245 = arith.constant 2 : i32
      %swap3A_1246 = arith.index_cast %swap3A_1245 : i32 to index
      %swap3A_1247 = arith.constant 112 : index
      %swap3A_1248 = tpu.vector_load %arg6[%swap3A_1246, %swap3A_1247] {strides = array<i32>} : memref<5x128xi32, #tpu.memory_space<vmem>>, vector<16xi32>,
      tpu.vector_store %arg6[%swap3A_1246, %swap3A_1247], %add3A_1244 {strides = array<i32>} : memref<5x128xi32, #tpu.memory_space<vmem>>, vector<16xi32>,
      %get3A_1249 = arith.constant 11 : i32
      %get3A_1250 = arith.index_cast %get3A_1249 : i32 to index
      %get3A_1251 = arith.constant 112 : index
      %get3A_1252 = tpu.vector_load %arg5[%get3A_1250, %get3A_1251] {strides = array<i32>} : memref<19x128xi32, #tpu.memory_space<vmem>>, vector<16xi32>,
      %get3A_1253 = arith.constant 12 : i32
      %get3A_1254 = arith.index_cast %get3A_1253 : i32 to index
      %get3A_1255 = arith.constant 112 : index
      %get3A_1256 = tpu.vector_load %arg5[%get3A_1254, %get3A_1255] {strides = array<i32>} : memref<19x128xi32, #tpu.memory_space<vmem>>, vector<16xi32>,
      %get3A_1257 = arith.constant 13 : i32
      %get3A_1258 = arith.index_cast %get3A_1257 : i32 to index
      %get3A_1259 = arith.constant 112 : index
      %get3A_1260 = tpu.vector_load %arg5[%get3A_1258, %get3A_1259] {strides = array<i32>} : memref<19x128xi32, #tpu.memory_space<vmem>>, vector<16xi32>,
      %get3A_1261 = arith.constant 14 : i32
      %get3A_1262 = arith.index_cast %get3A_1261 : i32 to index
      %get3A_1263 = arith.constant 112 : index
      %get3A_1264 = tpu.vector_load %arg5[%get3A_1262, %get3A_1263] {strides = array<i32>} : memref<19x128xi32, #tpu.memory_space<vmem>>, vector<16xi32>,
      %mul3A_1265 = arith.constant 7 : i32
      %mul3A_1266 = vector.broadcast %mul3A_1265 : i32 to vector<16xi32>
      %mul3A_1267 = arith.muli %get3A_1252, %mul3A_1266 : vector<16xi32>
      %add3A_1268 = arith.addi %mul3A_1267, %get3A_1256 : vector<16xi32>
      %mul3A_1269 = arith.constant 7 : i32
      %mul3A_1270 = vector.broadcast %mul3A_1269 : i32 to vector<16xi32>
      %mul3A_1271 = arith.muli %add3A_1268, %mul3A_1270 : vector<16xi32>
      %add3A_1272 = arith.addi %mul3A_1271, %get3A_1260 : vector<16xi32>
      %mul3A_1273 = arith.constant 7 : i32
      %mul3A_1274 = vector.broadcast %mul3A_1273 : i32 to vector<16xi32>
      %mul3A_1275 = arith.muli %add3A_1272, %mul3A_1274 : vector<16xi32>
      %add3A_1276 = arith.addi %mul3A_1275, %get3A_1264 : vector<16xi32>
      %add3A_1277 = arith.constant 5424 : i32
      %add3A_1278 = vector.broadcast %add3A_1277 : i32 to vector<16xi32>
      %add3A_1279 = arith.addi %add3A_1276, %add3A_1278 : vector<16xi32>
      %swap3A_1280 = arith.constant 3 : i32
      %swap3A_1281 = arith.index_cast %swap3A_1280 : i32 to index
      %swap3A_1282 = arith.constant 112 : index
      %swap3A_1283 = tpu.vector_load %arg6[%swap3A_1281, %swap3A_1282] {strides = array<i32>} : memref<5x128xi32, #tpu.memory_space<vmem>>, vector<16xi32>,
      tpu.vector_store %arg6[%swap3A_1281, %swap3A_1282], %add3A_1279 {strides = array<i32>} : memref<5x128xi32, #tpu.memory_space<vmem>>, vector<16xi32>,
      %get3A_1284 = arith.constant 15 : i32
      %get3A_1285 = arith.index_cast %get3A_1284 : i32 to index
      %get3A_1286 = arith.constant 112 : index
      %get3A_1287 = tpu.vector_load %arg5[%get3A_1285, %get3A_1286] {strides = array<i32>} : memref<19x128xi32, #tpu.memory_space<vmem>>, vector<16xi32>,
      %get3A_1288 = arith.constant 16 : i32
      %get3A_1289 = arith.index_cast %get3A_1288 : i32 to index
      %get3A_1290 = arith.constant 112 : index
      %get3A_1291 = tpu.vector_load %arg5[%get3A_1289, %get3A_1290] {strides = array<i32>} : memref<19x128xi32, #tpu.memory_space<vmem>>, vector<16xi32>,
      %get3A_1292 = arith.constant 17 : i32
      %get3A_1293 = arith.index_cast %get3A_1292 : i32 to index
      %get3A_1294 = arith.constant 112 : index
      %get3A_1295 = tpu.vector_load %arg5[%get3A_1293, %get3A_1294] {strides = array<i32>} : memref<19x128xi32, #tpu.memory_space<vmem>>, vector<16xi32>,
      %get3A_1296 = arith.constant 18 : i32
      %get3A_1297 = arith.index_cast %get3A_1296 : i32 to index
      %get3A_1298 = arith.constant 112 : index
      %get3A_1299 = tpu.vector_load %arg5[%get3A_1297, %get3A_1298] {strides = array<i32>} : memref<19x128xi32, #tpu.memory_space<vmem>>, vector<16xi32>,
      %mul3A_1300 = arith.constant 7 : i32
      %mul3A_1301 = vector.broadcast %mul3A_1300 : i32 to vector<16xi32>
      %mul3A_1302 = arith.muli %get3A_1287, %mul3A_1301 : vector<16xi32>
      %add3A_1303 = arith.addi %mul3A_1302, %get3A_1291 : vector<16xi32>
      %mul3A_1304 = arith.constant 7 : i32
      %mul3A_1305 = vector.broadcast %mul3A_1304 : i32 to vector<16xi32>
      %mul3A_1306 = arith.muli %add3A_1303, %mul3A_1305 : vector<16xi32>
      %add3A_1307 = arith.addi %mul3A_1306, %get3A_1295 : vector<16xi32>
      %mul3A_1308 = arith.constant 7 : i32
      %mul3A_1309 = vector.broadcast %mul3A_1308 : i32 to vector<16xi32>
      %mul3A_1310 = arith.muli %add3A_1307, %mul3A_1309 : vector<16xi32>
      %add3A_1311 = arith.addi %mul3A_1310, %get3A_1299 : vector<16xi32>
      %add3A_1312 = arith.constant 7856 : i32
      %add3A_1313 = vector.broadcast %add3A_1312 : i32 to vector<16xi32>
      %add3A_1314 = arith.addi %add3A_1311, %add3A_1313 : vector<16xi32>
      %swap3A_1315 = arith.constant 4 : i32
      %swap3A_1316 = arith.index_cast %swap3A_1315 : i32 to index
      %swap3A_1317 = arith.constant 112 : index
      %swap3A_1318 = tpu.vector_load %arg6[%swap3A_1316, %swap3A_1317] {strides = array<i32>} : memref<5x128xi32, #tpu.memory_space<vmem>>, vector<16xi32>,
      tpu.vector_store %arg6[%swap3A_1316, %swap3A_1317], %add3A_1314 {strides = array<i32>} : memref<5x128xi32, #tpu.memory_space<vmem>>, vector<16xi32>,
      %dma_start3A = arith.constant 0 : i32
      %dma_start3A_1319 = arith.constant 0 : i32
      %dma_start3A_1320 = arith.constant 0 : i32
      %dma_start3A_1321 = arith.constant 0 : i32
      %dma_start3A_1322 = tpu.memref_slice %arg7[%dma_start3A_1319, %dma_start3A_1320, %dma_start3A_1321] : memref<5x128x128xf32, #tpu.memory_space<vmem>> -> memref<1x128x128xf32, #tpu.memory_space<vmem>>
      %dma_start3A_1323 = tpu.memref_squeeze %dma_start3A_1322 : memref<1x128x128xf32, #tpu.memory_space<vmem>> -> memref<128x128xf32, #tpu.memory_space<vmem>>
      %dma_start3A_1324 = arith.constant 0 : i32
      %dma_start3A_1325 = tpu.memref_slice %arg6[%dma_start3A, %dma_start3A_1324] : memref<5x128xi32, #tpu.memory_space<vmem>> -> memref<1x128xi32, #tpu.memory_space<vmem>>
      %dma_start3A_1326 = tpu.memref_squeeze %dma_start3A_1325 : memref<1x128xi32, #tpu.memory_space<vmem>> -> memref<128xi32, #tpu.memory_space<vmem>>
      %dma_start3A_1327 = arith.constant 0 : i32
      %dma_start3A_1328 = arith.constant 0 : i32
      %dma_start3A_1329 = tpu.memref_slice %arg2[%dma_start3A_1327, %dma_start3A_1328] : memref<10288x128xf32, #tpu.memory_space<hbm>> -> memref<10288x128xf32, #tpu.memory_space<hbm>>
      tpu.enqueue_indirect_dma source(%dma_start3A_1329 : memref<10288x128xf32, #tpu.memory_space<hbm>>) target(%dma_start3A_1323 : memref<128x128xf32, #tpu.memory_space<vmem>>) offsets(%dma_start3A_1326 : memref<128xi32, #tpu.memory_space<vmem>>) semaphore(%arg9 : memref<!tpu.dma_semaphore, #tpu.memory_space<semaphore_mem>>)
      %dma_start3A_1330 = arith.constant 1 : i32
      %dma_start3A_1331 = arith.constant 1 : i32
      %dma_start3A_1332 = arith.constant 0 : i32
      %dma_start3A_1333 = arith.constant 0 : i32
      %dma_start3A_1334 = tpu.memref_slice %arg7[%dma_start3A_1331, %dma_start3A_1332, %dma_start3A_1333] : memref<5x128x128xf32, #tpu.memory_space<vmem>> -> memref<1x128x128xf32, #tpu.memory_space<vmem>>
      %dma_start3A_1335 = tpu.memref_squeeze %dma_start3A_1334 : memref<1x128x128xf32, #tpu.memory_space<vmem>> -> memref<128x128xf32, #tpu.memory_space<vmem>>
      %dma_start3A_1336 = arith.constant 0 : i32
      %dma_start3A_1337 = tpu.memref_slice %arg6[%dma_start3A_1330, %dma_start3A_1336] : memref<5x128xi32, #tpu.memory_space<vmem>> -> memref<1x128xi32, #tpu.memory_space<vmem>>
      %dma_start3A_1338 = tpu.memref_squeeze %dma_start3A_1337 : memref<1x128xi32, #tpu.memory_space<vmem>> -> memref<128xi32, #tpu.memory_space<vmem>>
      %dma_start3A_1339 = arith.constant 0 : i32
      %dma_start3A_1340 = arith.constant 0 : i32
      %dma_start3A_1341 = tpu.memref_slice %arg2[%dma_start3A_1339, %dma_start3A_1340] : memref<10288x128xf32, #tpu.memory_space<hbm>> -> memref<10288x128xf32, #tpu.memory_space<hbm>>
      tpu.enqueue_indirect_dma source(%dma_start3A_1341 : memref<10288x128xf32, #tpu.memory_space<hbm>>) target(%dma_start3A_1335 : memref<128x128xf32, #tpu.memory_space<vmem>>) offsets(%dma_start3A_1338 : memref<128xi32, #tpu.memory_space<vmem>>) semaphore(%arg9 : memref<!tpu.dma_semaphore, #tpu.memory_space<semaphore_mem>>)
      %dma_start3A_1342 = arith.constant 2 : i32
      %dma_start3A_1343 = arith.constant 2 : i32
      %dma_start3A_1344 = arith.constant 0 : i32
      %dma_start3A_1345 = arith.constant 0 : i32
      %dma_start3A_1346 = tpu.memref_slice %arg7[%dma_start3A_1343, %dma_start3A_1344, %dma_start3A_1345] : memref<5x128x128xf32, #tpu.memory_space<vmem>> -> memref<1x128x128xf32, #tpu.memory_space<vmem>>
      %dma_start3A_1347 = tpu.memref_squeeze %dma_start3A_1346 : memref<1x128x128xf32, #tpu.memory_space<vmem>> -> memref<128x128xf32, #tpu.memory_space<vmem>>
      %dma_start3A_1348 = arith.constant 0 : i32
      %dma_start3A_1349 = tpu.memref_slice %arg6[%dma_start3A_1342, %dma_start3A_1348] : memref<5x128xi32, #tpu.memory_space<vmem>> -> memref<1x128xi32, #tpu.memory_space<vmem>>
      %dma_start3A_1350 = tpu.memref_squeeze %dma_start3A_1349 : memref<1x128xi32, #tpu.memory_space<vmem>> -> memref<128xi32, #tpu.memory_space<vmem>>
      %dma_start3A_1351 = arith.constant 0 : i32
      %dma_start3A_1352 = arith.constant 0 : i32
      %dma_start3A_1353 = tpu.memref_slice %arg2[%dma_start3A_1351, %dma_start3A_1352] : memref<10288x128xf32, #tpu.memory_space<hbm>> -> memref<10288x128xf32, #tpu.memory_space<hbm>>
      tpu.enqueue_indirect_dma source(%dma_start3A_1353 : memref<10288x128xf32, #tpu.memory_space<hbm>>) target(%dma_start3A_1347 : memref<128x128xf32, #tpu.memory_space<vmem>>) offsets(%dma_start3A_1350 : memref<128xi32, #tpu.memory_space<vmem>>) semaphore(%arg9 : memref<!tpu.dma_semaphore, #tpu.memory_space<semaphore_mem>>)
      %dma_start3A_1354 = arith.constant 3 : i32
      %dma_start3A_1355 = arith.constant 3 : i32
      %dma_start3A_1356 = arith.constant 0 : i32
      %dma_start3A_1357 = arith.constant 0 : i32
      %dma_start3A_1358 = tpu.memref_slice %arg7[%dma_start3A_1355, %dma_start3A_1356, %dma_start3A_1357] : memref<5x128x128xf32, #tpu.memory_space<vmem>> -> memref<1x128x128xf32, #tpu.memory_space<vmem>>
      %dma_start3A_1359 = tpu.memref_squeeze %dma_start3A_1358 : memref<1x128x128xf32, #tpu.memory_space<vmem>> -> memref<128x128xf32, #tpu.memory_space<vmem>>
      %dma_start3A_1360 = arith.constant 0 : i32
      %dma_start3A_1361 = tpu.memref_slice %arg6[%dma_start3A_1354, %dma_start3A_1360] : memref<5x128xi32, #tpu.memory_space<vmem>> -> memref<1x128xi32, #tpu.memory_space<vmem>>
      %dma_start3A_1362 = tpu.memref_squeeze %dma_start3A_1361 : memref<1x128xi32, #tpu.memory_space<vmem>> -> memref<128xi32, #tpu.memory_space<vmem>>
      %dma_start3A_1363 = arith.constant 0 : i32
      %dma_start3A_1364 = arith.constant 0 : i32
      %dma_start3A_1365 = tpu.memref_slice %arg2[%dma_start3A_1363, %dma_start3A_1364] : memref<10288x128xf32, #tpu.memory_space<hbm>> -> memref<10288x128xf32, #tpu.memory_space<hbm>>
      tpu.enqueue_indirect_dma source(%dma_start3A_1365 : memref<10288x128xf32, #tpu.memory_space<hbm>>) target(%dma_start3A_1359 : memref<128x128xf32, #tpu.memory_space<vmem>>) offsets(%dma_start3A_1362 : memref<128xi32, #tpu.memory_space<vmem>>) semaphore(%arg9 : memref<!tpu.dma_semaphore, #tpu.memory_space<semaphore_mem>>)
      %dma_start3A_1366 = arith.constant 4 : i32
      %dma_start3A_1367 = arith.constant 4 : i32
      %dma_start3A_1368 = arith.constant 0 : i32
      %dma_start3A_1369 = arith.constant 0 : i32
      %dma_start3A_1370 = tpu.memref_slice %arg7[%dma_start3A_1367, %dma_start3A_1368, %dma_start3A_1369] : memref<5x128x128xf32, #tpu.memory_space<vmem>> -> memref<1x128x128xf32, #tpu.memory_space<vmem>>
      %dma_start3A_1371 = tpu.memref_squeeze %dma_start3A_1370 : memref<1x128x128xf32, #tpu.memory_space<vmem>> -> memref<128x128xf32, #tpu.memory_space<vmem>>
      %dma_start3A_1372 = arith.constant 0 : i32
      %dma_start3A_1373 = tpu.memref_slice %arg6[%dma_start3A_1366, %dma_start3A_1372] : memref<5x128xi32, #tpu.memory_space<vmem>> -> memref<1x128xi32, #tpu.memory_space<vmem>>
      %dma_start3A_1374 = tpu.memref_squeeze %dma_start3A_1373 : memref<1x128xi32, #tpu.memory_space<vmem>> -> memref<128xi32, #tpu.memory_space<vmem>>
      %dma_start3A_1375 = arith.constant 0 : i32
      %dma_start3A_1376 = arith.constant 0 : i32
      %dma_start3A_1377 = tpu.memref_slice %arg2[%dma_start3A_1375, %dma_start3A_1376] : memref<10288x128xf32, #tpu.memory_space<hbm>> -> memref<10288x128xf32, #tpu.memory_space<hbm>>
      tpu.enqueue_indirect_dma source(%dma_start3A_1377 : memref<10288x128xf32, #tpu.memory_space<hbm>>) target(%dma_start3A_1371 : memref<128x128xf32, #tpu.memory_space<vmem>>) offsets(%dma_start3A_1374 : memref<128xi32, #tpu.memory_space<vmem>>) semaphore(%arg9 : memref<!tpu.dma_semaphore, #tpu.memory_space<semaphore_mem>>)
      %dma_wait3A = arith.constant 0 : i32
      %dma_wait3A_1378 = arith.constant 0 : i32
      %dma_wait3A_1379 = arith.constant 0 : i32
      %dma_wait3A_1380 = arith.constant 0 : i32
      %dma_wait3A_1381 = tpu.memref_slice %arg7[%dma_wait3A_1378, %dma_wait3A_1379, %dma_wait3A_1380] : memref<5x128x128xf32, #tpu.memory_space<vmem>> -> memref<1x128x128xf32, #tpu.memory_space<vmem>>
      %dma_wait3A_1382 = tpu.memref_squeeze %dma_wait3A_1381 : memref<1x128x128xf32, #tpu.memory_space<vmem>> -> memref<128x128xf32, #tpu.memory_space<vmem>>
      %dma_wait3A_1383 = arith.constant 0 : i32
      %dma_wait3A_1384 = tpu.memref_slice %arg6[%dma_wait3A, %dma_wait3A_1383] : memref<5x128xi32, #tpu.memory_space<vmem>> -> memref<1x128xi32, #tpu.memory_space<vmem>>
      %dma_wait3A_1385 = tpu.memref_squeeze %dma_wait3A_1384 : memref<1x128xi32, #tpu.memory_space<vmem>> -> memref<128xi32, #tpu.memory_space<vmem>>
      %dma_wait3A_1386 = arith.constant 0 : i32
      %dma_wait3A_1387 = arith.constant 0 : i32
      %dma_wait3A_1388 = tpu.memref_slice %arg2[%dma_wait3A_1386, %dma_wait3A_1387] : memref<10288x128xf32, #tpu.memory_space<hbm>> -> memref<10288x128xf32, #tpu.memory_space<hbm>>
      tpu.wait_indirect_dma semaphore(%arg9 : memref<!tpu.dma_semaphore, #tpu.memory_space<semaphore_mem>>) src(%dma_wait3A_1388 : memref<10288x128xf32, #tpu.memory_space<hbm>>) dst(%dma_wait3A_1382 : memref<128x128xf32, #tpu.memory_space<vmem>>)
      %dma_wait3A_1389 = arith.constant 1 : i32
      %dma_wait3A_1390 = arith.constant 1 : i32
      %dma_wait3A_1391 = arith.constant 0 : i32
      %dma_wait3A_1392 = arith.constant 0 : i32
      %dma_wait3A_1393 = tpu.memref_slice %arg7[%dma_wait3A_1390, %dma_wait3A_1391, %dma_wait3A_1392] : memref<5x128x128xf32, #tpu.memory_space<vmem>> -> memref<1x128x128xf32, #tpu.memory_space<vmem>>
      %dma_wait3A_1394 = tpu.memref_squeeze %dma_wait3A_1393 : memref<1x128x128xf32, #tpu.memory_space<vmem>> -> memref<128x128xf32, #tpu.memory_space<vmem>>
      %dma_wait3A_1395 = arith.constant 0 : i32
      %dma_wait3A_1396 = tpu.memref_slice %arg6[%dma_wait3A_1389, %dma_wait3A_1395] : memref<5x128xi32, #tpu.memory_space<vmem>> -> memref<1x128xi32, #tpu.memory_space<vmem>>
      %dma_wait3A_1397 = tpu.memref_squeeze %dma_wait3A_1396 : memref<1x128xi32, #tpu.memory_space<vmem>> -> memref<128xi32, #tpu.memory_space<vmem>>
      %dma_wait3A_1398 = arith.constant 0 : i32
      %dma_wait3A_1399 = arith.constant 0 : i32
      %dma_wait3A_1400 = tpu.memref_slice %arg2[%dma_wait3A_1398, %dma_wait3A_1399] : memref<10288x128xf32, #tpu.memory_space<hbm>> -> memref<10288x128xf32, #tpu.memory_space<hbm>>
      tpu.wait_indirect_dma semaphore(%arg9 : memref<!tpu.dma_semaphore, #tpu.memory_space<semaphore_mem>>) src(%dma_wait3A_1400 : memref<10288x128xf32, #tpu.memory_space<hbm>>) dst(%dma_wait3A_1394 : memref<128x128xf32, #tpu.memory_space<vmem>>)
      %dma_wait3A_1401 = arith.constant 2 : i32
      %dma_wait3A_1402 = arith.constant 2 : i32
      %dma_wait3A_1403 = arith.constant 0 : i32
      %dma_wait3A_1404 = arith.constant 0 : i32
      %dma_wait3A_1405 = tpu.memref_slice %arg7[%dma_wait3A_1402, %dma_wait3A_1403, %dma_wait3A_1404] : memref<5x128x128xf32, #tpu.memory_space<vmem>> -> memref<1x128x128xf32, #tpu.memory_space<vmem>>
      %dma_wait3A_1406 = tpu.memref_squeeze %dma_wait3A_1405 : memref<1x128x128xf32, #tpu.memory_space<vmem>> -> memref<128x128xf32, #tpu.memory_space<vmem>>
      %dma_wait3A_1407 = arith.constant 0 : i32
      %dma_wait3A_1408 = tpu.memref_slice %arg6[%dma_wait3A_1401, %dma_wait3A_1407] : memref<5x128xi32, #tpu.memory_space<vmem>> -> memref<1x128xi32, #tpu.memory_space<vmem>>
      %dma_wait3A_1409 = tpu.memref_squeeze %dma_wait3A_1408 : memref<1x128xi32, #tpu.memory_space<vmem>> -> memref<128xi32, #tpu.memory_space<vmem>>
      %dma_wait3A_1410 = arith.constant 0 : i32
      %dma_wait3A_1411 = arith.constant 0 : i32
      %dma_wait3A_1412 = tpu.memref_slice %arg2[%dma_wait3A_1410, %dma_wait3A_1411] : memref<10288x128xf32, #tpu.memory_space<hbm>> -> memref<10288x128xf32, #tpu.memory_space<hbm>>
      tpu.wait_indirect_dma semaphore(%arg9 : memref<!tpu.dma_semaphore, #tpu.memory_space<semaphore_mem>>) src(%dma_wait3A_1412 : memref<10288x128xf32, #tpu.memory_space<hbm>>) dst(%dma_wait3A_1406 : memref<128x128xf32, #tpu.memory_space<vmem>>)
      %dma_wait3A_1413 = arith.constant 3 : i32
      %dma_wait3A_1414 = arith.constant 3 : i32
      %dma_wait3A_1415 = arith.constant 0 : i32
      %dma_wait3A_1416 = arith.constant 0 : i32
      %dma_wait3A_1417 = tpu.memref_slice %arg7[%dma_wait3A_1414, %dma_wait3A_1415, %dma_wait3A_1416] : memref<5x128x128xf32, #tpu.memory_space<vmem>> -> memref<1x128x128xf32, #tpu.memory_space<vmem>>
      %dma_wait3A_1418 = tpu.memref_squeeze %dma_wait3A_1417 : memref<1x128x128xf32, #tpu.memory_space<vmem>> -> memref<128x128xf32, #tpu.memory_space<vmem>>
      %dma_wait3A_1419 = arith.constant 0 : i32
      %dma_wait3A_1420 = tpu.memref_slice %arg6[%dma_wait3A_1413, %dma_wait3A_1419] : memref<5x128xi32, #tpu.memory_space<vmem>> -> memref<1x128xi32, #tpu.memory_space<vmem>>
      %dma_wait3A_1421 = tpu.memref_squeeze %dma_wait3A_1420 : memref<1x128xi32, #tpu.memory_space<vmem>> -> memref<128xi32, #tpu.memory_space<vmem>>
      %dma_wait3A_1422 = arith.constant 0 : i32
      %dma_wait3A_1423 = arith.constant 0 : i32
      %dma_wait3A_1424 = tpu.memref_slice %arg2[%dma_wait3A_1422, %dma_wait3A_1423] : memref<10288x128xf32, #tpu.memory_space<hbm>> -> memref<10288x128xf32, #tpu.memory_space<hbm>>
      tpu.wait_indirect_dma semaphore(%arg9 : memref<!tpu.dma_semaphore, #tpu.memory_space<semaphore_mem>>) src(%dma_wait3A_1424 : memref<10288x128xf32, #tpu.memory_space<hbm>>) dst(%dma_wait3A_1418 : memref<128x128xf32, #tpu.memory_space<vmem>>)
      %dma_wait3A_1425 = arith.constant 4 : i32
      %dma_wait3A_1426 = arith.constant 4 : i32
      %dma_wait3A_1427 = arith.constant 0 : i32
      %dma_wait3A_1428 = arith.constant 0 : i32
      %dma_wait3A_1429 = tpu.memref_slice %arg7[%dma_wait3A_1426, %dma_wait3A_1427, %dma_wait3A_1428] : memref<5x128x128xf32, #tpu.memory_space<vmem>> -> memref<1x128x128xf32, #tpu.memory_space<vmem>>
      %dma_wait3A_1430 = tpu.memref_squeeze %dma_wait3A_1429 : memref<1x128x128xf32, #tpu.memory_space<vmem>> -> memref<128x128xf32, #tpu.memory_space<vmem>>
      %dma_wait3A_1431 = arith.constant 0 : i32
      %dma_wait3A_1432 = tpu.memref_slice %arg6[%dma_wait3A_1425, %dma_wait3A_1431] : memref<5x128xi32, #tpu.memory_space<vmem>> -> memref<1x128xi32, #tpu.memory_space<vmem>>
      %dma_wait3A_1433 = tpu.memref_squeeze %dma_wait3A_1432 : memref<1x128xi32, #tpu.memory_space<vmem>> -> memref<128xi32, #tpu.memory_space<vmem>>
      %dma_wait3A_1434 = arith.constant 0 : i32
      %dma_wait3A_1435 = arith.constant 0 : i32
      %dma_wait3A_1436 = tpu.memref_slice %arg2[%dma_wait3A_1434, %dma_wait3A_1435] : memref<10288x128xf32, #tpu.memory_space<hbm>> -> memref<10288x128xf32, #tpu.memory_space<hbm>>
      tpu.wait_indirect_dma semaphore(%arg9 : memref<!tpu.dma_semaphore, #tpu.memory_space<semaphore_mem>>) src(%dma_wait3A_1436 : memref<10288x128xf32, #tpu.memory_space<hbm>>) dst(%dma_wait3A_1430 : memref<128x128xf32, #tpu.memory_space<vmem>>)
      %parallel_loop3A = arith.constant 0 : i32
      %parallel_loop3A_1437 = arith.constant 128 : i32
      %parallel_loop3A_1438 = arith.constant 1 : i32
      scf.for %parallel_loop3A_1439 = %parallel_loop3A to %parallel_loop3A_1437 step %parallel_loop3A_1438  : i32 {
        %parallel_loop3A_1440 = arith.constant 0 : i32
        %parallel_loop3A_1441 = arith.index_cast %parallel_loop3A_1440 : i32 to index
        %parallel_loop3A_1442 = arith.index_cast %parallel_loop3A_1439 : i32 to index
        %parallel_loop3A_1443 = arith.constant 0 : index
        %parallel_loop3A_1444 = tpu.vector_load %arg7[%parallel_loop3A_1441, %parallel_loop3A_1442, %parallel_loop3A_1443] {strides = array<i32>} : memref<5x128x128xf32, #tpu.memory_space<vmem>>, vector<16xf32>,
        %parallel_loop3A_1445 = arith.constant 1 : i32
        %parallel_loop3A_1446 = arith.index_cast %parallel_loop3A_1445 : i32 to index
        %parallel_loop3A_1447 = arith.index_cast %parallel_loop3A_1439 : i32 to index
        %parallel_loop3A_1448 = arith.constant 0 : index
        %parallel_loop3A_1449 = tpu.vector_load %arg7[%parallel_loop3A_1446, %parallel_loop3A_1447, %parallel_loop3A_1448] {strides = array<i32>} : memref<5x128x128xf32, #tpu.memory_space<vmem>>, vector<16xf32>,
        %parallel_loop3A_1450 = arith.addf %parallel_loop3A_1444, %parallel_loop3A_1449 : vector<16xf32>
        %parallel_loop3A_1451 = arith.constant 2 : i32
        %parallel_loop3A_1452 = arith.index_cast %parallel_loop3A_1451 : i32 to index
        %parallel_loop3A_1453 = arith.index_cast %parallel_loop3A_1439 : i32 to index
        %parallel_loop3A_1454 = arith.constant 0 : index
        %parallel_loop3A_1455 = tpu.vector_load %arg7[%parallel_loop3A_1452, %parallel_loop3A_1453, %parallel_loop3A_1454] {strides = array<i32>} : memref<5x128x128xf32, #tpu.memory_space<vmem>>, vector<16xf32>,
        %parallel_loop3A_1456 = arith.addf %parallel_loop3A_1450, %parallel_loop3A_1455 : vector<16xf32>
        %parallel_loop3A_1457 = arith.constant 3 : i32
        %parallel_loop3A_1458 = arith.index_cast %parallel_loop3A_1457 : i32 to index
        %parallel_loop3A_1459 = arith.index_cast %parallel_loop3A_1439 : i32 to index
        %parallel_loop3A_1460 = arith.constant 0 : index
        %parallel_loop3A_1461 = tpu.vector_load %arg7[%parallel_loop3A_1458, %parallel_loop3A_1459, %parallel_loop3A_1460] {strides = array<i32>} : memref<5x128x128xf32, #tpu.memory_space<vmem>>, vector<16xf32>,
        %parallel_loop3A_1462 = arith.addf %parallel_loop3A_1456, %parallel_loop3A_1461 : vector<16xf32>
        %parallel_loop3A_1463 = arith.constant 4 : i32
        %parallel_loop3A_1464 = arith.index_cast %parallel_loop3A_1463 : i32 to index
        %parallel_loop3A_1465 = arith.index_cast %parallel_loop3A_1439 : i32 to index
        %parallel_loop3A_1466 = arith.constant 0 : index
        %parallel_loop3A_1467 = tpu.vector_load %arg7[%parallel_loop3A_1464, %parallel_loop3A_1465, %parallel_loop3A_1466] {strides = array<i32>} : memref<5x128x128xf32, #tpu.memory_space<vmem>>, vector<16xf32>,
        %parallel_loop3A_1468 = arith.addf %parallel_loop3A_1462, %parallel_loop3A_1467 : vector<16xf32>
        %parallel_loop3A_1469 = arith.index_cast %parallel_loop3A_1439 : i32 to index
        %parallel_loop3A_1470 = arith.constant 0 : index
        %parallel_loop3A_1471 = tpu.vector_load %arg8[%parallel_loop3A_1469, %parallel_loop3A_1470] {strides = array<i32>} : memref<128x128xf32, #tpu.memory_space<vmem>>, vector<16xf32>,
        tpu.vector_store %arg8[%parallel_loop3A_1469, %parallel_loop3A_1470], %parallel_loop3A_1468 {strides = array<i32>} : memref<128x128xf32, #tpu.memory_space<vmem>>, vector<16xf32>,
        %parallel_loop3A_1472 = arith.constant 0 : i32
        %parallel_loop3A_1473 = arith.index_cast %parallel_loop3A_1472 : i32 to index
        %parallel_loop3A_1474 = arith.index_cast %parallel_loop3A_1439 : i32 to index
        %parallel_loop3A_1475 = arith.constant 16 : index
        %parallel_loop3A_1476 = tpu.vector_load %arg7[%parallel_loop3A_1473, %parallel_loop3A_1474, %parallel_loop3A_1475] {strides = array<i32>} : memref<5x128x128xf32, #tpu.memory_space<vmem>>, vector<16xf32>,
        %parallel_loop3A_1477 = arith.constant 1 : i32
        %parallel_loop3A_1478 = arith.index_cast %parallel_loop3A_1477 : i32 to index
        %parallel_loop3A_1479 = arith.index_cast %parallel_loop3A_1439 : i32 to index
        %parallel_loop3A_1480 = arith.constant 16 : index
        %parallel_loop3A_1481 = tpu.vector_load %arg7[%parallel_loop3A_1478, %parallel_loop3A_1479, %parallel_loop3A_1480] {strides = array<i32>} : memref<5x128x128xf32, #tpu.memory_space<vmem>>, vector<16xf32>,
        %parallel_loop3A_1482 = arith.addf %parallel_loop3A_1476, %parallel_loop3A_1481 : vector<16xf32>
        %parallel_loop3A_1483 = arith.constant 2 : i32
        %parallel_loop3A_1484 = arith.index_cast %parallel_loop3A_1483 : i32 to index
        %parallel_loop3A_1485 = arith.index_cast %parallel_loop3A_1439 : i32 to index
        %parallel_loop3A_1486 = arith.constant 16 : index
        %parallel_loop3A_1487 = tpu.vector_load %arg7[%parallel_loop3A_1484, %parallel_loop3A_1485, %parallel_loop3A_1486] {strides = array<i32>} : memref<5x128x128xf32, #tpu.memory_space<vmem>>, vector<16xf32>,
        %parallel_loop3A_1488 = arith.addf %parallel_loop3A_1482, %parallel_loop3A_1487 : vector<16xf32>
        %parallel_loop3A_1489 = arith.constant 3 : i32
        %parallel_loop3A_1490 = arith.index_cast %parallel_loop3A_1489 : i32 to index
        %parallel_loop3A_1491 = arith.index_cast %parallel_loop3A_1439 : i32 to index
        %parallel_loop3A_1492 = arith.constant 16 : index
        %parallel_loop3A_1493 = tpu.vector_load %arg7[%parallel_loop3A_1490, %parallel_loop3A_1491, %parallel_loop3A_1492] {strides = array<i32>} : memref<5x128x128xf32, #tpu.memory_space<vmem>>, vector<16xf32>,
        %parallel_loop3A_1494 = arith.addf %parallel_loop3A_1488, %parallel_loop3A_1493 : vector<16xf32>
        %parallel_loop3A_1495 = arith.constant 4 : i32
        %parallel_loop3A_1496 = arith.index_cast %parallel_loop3A_1495 : i32 to index
        %parallel_loop3A_1497 = arith.index_cast %parallel_loop3A_1439 : i32 to index
        %parallel_loop3A_1498 = arith.constant 16 : index
        %parallel_loop3A_1499 = tpu.vector_load %arg7[%parallel_loop3A_1496, %parallel_loop3A_1497, %parallel_loop3A_1498] {strides = array<i32>} : memref<5x128x128xf32, #tpu.memory_space<vmem>>, vector<16xf32>,
        %parallel_loop3A_1500 = arith.addf %parallel_loop3A_1494, %parallel_loop3A_1499 : vector<16xf32>
        %parallel_loop3A_1501 = arith.index_cast %parallel_loop3A_1439 : i32 to index
        %parallel_loop3A_1502 = arith.constant 16 : index
        %parallel_loop3A_1503 = tpu.vector_load %arg8[%parallel_loop3A_1501, %parallel_loop3A_1502] {strides = array<i32>} : memref<128x128xf32, #tpu.memory_space<vmem>>, vector<16xf32>,
        tpu.vector_store %arg8[%parallel_loop3A_1501, %parallel_loop3A_1502], %parallel_loop3A_1500 {strides = array<i32>} : memref<128x128xf32, #tpu.memory_space<vmem>>, vector<16xf32>,
        %parallel_loop3A_1504 = arith.constant 0 : i32
        %parallel_loop3A_1505 = arith.index_cast %parallel_loop3A_1504 : i32 to index
        %parallel_loop3A_1506 = arith.index_cast %parallel_loop3A_1439 : i32 to index
        %parallel_loop3A_1507 = arith.constant 32 : index
        %parallel_loop3A_1508 = tpu.vector_load %arg7[%parallel_loop3A_1505, %parallel_loop3A_1506, %parallel_loop3A_1507] {strides = array<i32>} : memref<5x128x128xf32, #tpu.memory_space<vmem>>, vector<16xf32>,
        %parallel_loop3A_1509 = arith.constant 1 : i32
        %parallel_loop3A_1510 = arith.index_cast %parallel_loop3A_1509 : i32 to index
        %parallel_loop3A_1511 = arith.index_cast %parallel_loop3A_1439 : i32 to index
        %parallel_loop3A_1512 = arith.constant 32 : index
        %parallel_loop3A_1513 = tpu.vector_load %arg7[%parallel_loop3A_1510, %parallel_loop3A_1511, %parallel_loop3A_1512] {strides = array<i32>} : memref<5x128x128xf32, #tpu.memory_space<vmem>>, vector<16xf32>,
        %parallel_loop3A_1514 = arith.addf %parallel_loop3A_1508, %parallel_loop3A_1513 : vector<16xf32>
        %parallel_loop3A_1515 = arith.constant 2 : i32
        %parallel_loop3A_1516 = arith.index_cast %parallel_loop3A_1515 : i32 to index
        %parallel_loop3A_1517 = arith.index_cast %parallel_loop3A_1439 : i32 to index
        %parallel_loop3A_1518 = arith.constant 32 : index
        %parallel_loop3A_1519 = tpu.vector_load %arg7[%parallel_loop3A_1516, %parallel_loop3A_1517, %parallel_loop3A_1518] {strides = array<i32>} : memref<5x128x128xf32, #tpu.memory_space<vmem>>, vector<16xf32>,
        %parallel_loop3A_1520 = arith.addf %parallel_loop3A_1514, %parallel_loop3A_1519 : vector<16xf32>
        %parallel_loop3A_1521 = arith.constant 3 : i32
        %parallel_loop3A_1522 = arith.index_cast %parallel_loop3A_1521 : i32 to index
        %parallel_loop3A_1523 = arith.index_cast %parallel_loop3A_1439 : i32 to index
        %parallel_loop3A_1524 = arith.constant 32 : index
        %parallel_loop3A_1525 = tpu.vector_load %arg7[%parallel_loop3A_1522, %parallel_loop3A_1523, %parallel_loop3A_1524] {strides = array<i32>} : memref<5x128x128xf32, #tpu.memory_space<vmem>>, vector<16xf32>,
        %parallel_loop3A_1526 = arith.addf %parallel_loop3A_1520, %parallel_loop3A_1525 : vector<16xf32>
        %parallel_loop3A_1527 = arith.constant 4 : i32
        %parallel_loop3A_1528 = arith.index_cast %parallel_loop3A_1527 : i32 to index
        %parallel_loop3A_1529 = arith.index_cast %parallel_loop3A_1439 : i32 to index
        %parallel_loop3A_1530 = arith.constant 32 : index
        %parallel_loop3A_1531 = tpu.vector_load %arg7[%parallel_loop3A_1528, %parallel_loop3A_1529, %parallel_loop3A_1530] {strides = array<i32>} : memref<5x128x128xf32, #tpu.memory_space<vmem>>, vector<16xf32>,
        %parallel_loop3A_1532 = arith.addf %parallel_loop3A_1526, %parallel_loop3A_1531 : vector<16xf32>
        %parallel_loop3A_1533 = arith.index_cast %parallel_loop3A_1439 : i32 to index
        %parallel_loop3A_1534 = arith.constant 32 : index
        %parallel_loop3A_1535 = tpu.vector_load %arg8[%parallel_loop3A_1533, %parallel_loop3A_1534] {strides = array<i32>} : memref<128x128xf32, #tpu.memory_space<vmem>>, vector<16xf32>,
        tpu.vector_store %arg8[%parallel_loop3A_1533, %parallel_loop3A_1534], %parallel_loop3A_1532 {strides = array<i32>} : memref<128x128xf32, #tpu.memory_space<vmem>>, vector<16xf32>,
        %parallel_loop3A_1536 = arith.constant 0 : i32
        %parallel_loop3A_1537 = arith.index_cast %parallel_loop3A_1536 : i32 to index
        %parallel_loop3A_1538 = arith.index_cast %parallel_loop3A_1439 : i32 to index
        %parallel_loop3A_1539 = arith.constant 48 : index
        %parallel_loop3A_1540 = tpu.vector_load %arg7[%parallel_loop3A_1537, %parallel_loop3A_1538, %parallel_loop3A_1539] {strides = array<i32>} : memref<5x128x128xf32, #tpu.memory_space<vmem>>, vector<16xf32>,
        %parallel_loop3A_1541 = arith.constant 1 : i32
        %parallel_loop3A_1542 = arith.index_cast %parallel_loop3A_1541 : i32 to index
        %parallel_loop3A_1543 = arith.index_cast %parallel_loop3A_1439 : i32 to index
        %parallel_loop3A_1544 = arith.constant 48 : index
        %parallel_loop3A_1545 = tpu.vector_load %arg7[%parallel_loop3A_1542, %parallel_loop3A_1543, %parallel_loop3A_1544] {strides = array<i32>} : memref<5x128x128xf32, #tpu.memory_space<vmem>>, vector<16xf32>,
        %parallel_loop3A_1546 = arith.addf %parallel_loop3A_1540, %parallel_loop3A_1545 : vector<16xf32>
        %parallel_loop3A_1547 = arith.constant 2 : i32
        %parallel_loop3A_1548 = arith.index_cast %parallel_loop3A_1547 : i32 to index
        %parallel_loop3A_1549 = arith.index_cast %parallel_loop3A_1439 : i32 to index
        %parallel_loop3A_1550 = arith.constant 48 : index
        %parallel_loop3A_1551 = tpu.vector_load %arg7[%parallel_loop3A_1548, %parallel_loop3A_1549, %parallel_loop3A_1550] {strides = array<i32>} : memref<5x128x128xf32, #tpu.memory_space<vmem>>, vector<16xf32>,
        %parallel_loop3A_1552 = arith.addf %parallel_loop3A_1546, %parallel_loop3A_1551 : vector<16xf32>
        %parallel_loop3A_1553 = arith.constant 3 : i32
        %parallel_loop3A_1554 = arith.index_cast %parallel_loop3A_1553 : i32 to index
        %parallel_loop3A_1555 = arith.index_cast %parallel_loop3A_1439 : i32 to index
        %parallel_loop3A_1556 = arith.constant 48 : index
        %parallel_loop3A_1557 = tpu.vector_load %arg7[%parallel_loop3A_1554, %parallel_loop3A_1555, %parallel_loop3A_1556] {strides = array<i32>} : memref<5x128x128xf32, #tpu.memory_space<vmem>>, vector<16xf32>,
        %parallel_loop3A_1558 = arith.addf %parallel_loop3A_1552, %parallel_loop3A_1557 : vector<16xf32>
        %parallel_loop3A_1559 = arith.constant 4 : i32
        %parallel_loop3A_1560 = arith.index_cast %parallel_loop3A_1559 : i32 to index
        %parallel_loop3A_1561 = arith.index_cast %parallel_loop3A_1439 : i32 to index
        %parallel_loop3A_1562 = arith.constant 48 : index
        %parallel_loop3A_1563 = tpu.vector_load %arg7[%parallel_loop3A_1560, %parallel_loop3A_1561, %parallel_loop3A_1562] {strides = array<i32>} : memref<5x128x128xf32, #tpu.memory_space<vmem>>, vector<16xf32>,
        %parallel_loop3A_1564 = arith.addf %parallel_loop3A_1558, %parallel_loop3A_1563 : vector<16xf32>
        %parallel_loop3A_1565 = arith.index_cast %parallel_loop3A_1439 : i32 to index
        %parallel_loop3A_1566 = arith.constant 48 : index
        %parallel_loop3A_1567 = tpu.vector_load %arg8[%parallel_loop3A_1565, %parallel_loop3A_1566] {strides = array<i32>} : memref<128x128xf32, #tpu.memory_space<vmem>>, vector<16xf32>,
        tpu.vector_store %arg8[%parallel_loop3A_1565, %parallel_loop3A_1566], %parallel_loop3A_1564 {strides = array<i32>} : memref<128x128xf32, #tpu.memory_space<vmem>>, vector<16xf32>,
        %parallel_loop3A_1568 = arith.constant 0 : i32
        %parallel_loop3A_1569 = arith.index_cast %parallel_loop3A_1568 : i32 to index
        %parallel_loop3A_1570 = arith.index_cast %parallel_loop3A_1439 : i32 to index
        %parallel_loop3A_1571 = arith.constant 64 : index
        %parallel_loop3A_1572 = tpu.vector_load %arg7[%parallel_loop3A_1569, %parallel_loop3A_1570, %parallel_loop3A_1571] {strides = array<i32>} : memref<5x128x128xf32, #tpu.memory_space<vmem>>, vector<16xf32>,
        %parallel_loop3A_1573 = arith.constant 1 : i32
        %parallel_loop3A_1574 = arith.index_cast %parallel_loop3A_1573 : i32 to index
        %parallel_loop3A_1575 = arith.index_cast %parallel_loop3A_1439 : i32 to index
        %parallel_loop3A_1576 = arith.constant 64 : index
        %parallel_loop3A_1577 = tpu.vector_load %arg7[%parallel_loop3A_1574, %parallel_loop3A_1575, %parallel_loop3A_1576] {strides = array<i32>} : memref<5x128x128xf32, #tpu.memory_space<vmem>>, vector<16xf32>,
        %parallel_loop3A_1578 = arith.addf %parallel_loop3A_1572, %parallel_loop3A_1577 : vector<16xf32>
        %parallel_loop3A_1579 = arith.constant 2 : i32
        %parallel_loop3A_1580 = arith.index_cast %parallel_loop3A_1579 : i32 to index
        %parallel_loop3A_1581 = arith.index_cast %parallel_loop3A_1439 : i32 to index
        %parallel_loop3A_1582 = arith.constant 64 : index
        %parallel_loop3A_1583 = tpu.vector_load %arg7[%parallel_loop3A_1580, %parallel_loop3A_1581, %parallel_loop3A_1582] {strides = array<i32>} : memref<5x128x128xf32, #tpu.memory_space<vmem>>, vector<16xf32>,
        %parallel_loop3A_1584 = arith.addf %parallel_loop3A_1578, %parallel_loop3A_1583 : vector<16xf32>
        %parallel_loop3A_1585 = arith.constant 3 : i32
        %parallel_loop3A_1586 = arith.index_cast %parallel_loop3A_1585 : i32 to index
        %parallel_loop3A_1587 = arith.index_cast %parallel_loop3A_1439 : i32 to index
        %parallel_loop3A_1588 = arith.constant 64 : index
        %parallel_loop3A_1589 = tpu.vector_load %arg7[%parallel_loop3A_1586, %parallel_loop3A_1587, %parallel_loop3A_1588] {strides = array<i32>} : memref<5x128x128xf32, #tpu.memory_space<vmem>>, vector<16xf32>,
        %parallel_loop3A_1590 = arith.addf %parallel_loop3A_1584, %parallel_loop3A_1589 : vector<16xf32>
        %parallel_loop3A_1591 = arith.constant 4 : i32
        %parallel_loop3A_1592 = arith.index_cast %parallel_loop3A_1591 : i32 to index
        %parallel_loop3A_1593 = arith.index_cast %parallel_loop3A_1439 : i32 to index
        %parallel_loop3A_1594 = arith.constant 64 : index
        %parallel_loop3A_1595 = tpu.vector_load %arg7[%parallel_loop3A_1592, %parallel_loop3A_1593, %parallel_loop3A_1594] {strides = array<i32>} : memref<5x128x128xf32, #tpu.memory_space<vmem>>, vector<16xf32>,
        %parallel_loop3A_1596 = arith.addf %parallel_loop3A_1590, %parallel_loop3A_1595 : vector<16xf32>
        %parallel_loop3A_1597 = arith.index_cast %parallel_loop3A_1439 : i32 to index
        %parallel_loop3A_1598 = arith.constant 64 : index
        %parallel_loop3A_1599 = tpu.vector_load %arg8[%parallel_loop3A_1597, %parallel_loop3A_1598] {strides = array<i32>} : memref<128x128xf32, #tpu.memory_space<vmem>>, vector<16xf32>,
        tpu.vector_store %arg8[%parallel_loop3A_1597, %parallel_loop3A_1598], %parallel_loop3A_1596 {strides = array<i32>} : memref<128x128xf32, #tpu.memory_space<vmem>>, vector<16xf32>,
        %parallel_loop3A_1600 = arith.constant 0 : i32
        %parallel_loop3A_1601 = arith.index_cast %parallel_loop3A_1600 : i32 to index
        %parallel_loop3A_1602 = arith.index_cast %parallel_loop3A_1439 : i32 to index
        %parallel_loop3A_1603 = arith.constant 80 : index
        %parallel_loop3A_1604 = tpu.vector_load %arg7[%parallel_loop3A_1601, %parallel_loop3A_1602, %parallel_loop3A_1603] {strides = array<i32>} : memref<5x128x128xf32, #tpu.memory_space<vmem>>, vector<16xf32>,
        %parallel_loop3A_1605 = arith.constant 1 : i32
        %parallel_loop3A_1606 = arith.index_cast %parallel_loop3A_1605 : i32 to index
        %parallel_loop3A_1607 = arith.index_cast %parallel_loop3A_1439 : i32 to index
        %parallel_loop3A_1608 = arith.constant 80 : index
        %parallel_loop3A_1609 = tpu.vector_load %arg7[%parallel_loop3A_1606, %parallel_loop3A_1607, %parallel_loop3A_1608] {strides = array<i32>} : memref<5x128x128xf32, #tpu.memory_space<vmem>>, vector<16xf32>,
        %parallel_loop3A_1610 = arith.addf %parallel_loop3A_1604, %parallel_loop3A_1609 : vector<16xf32>
        %parallel_loop3A_1611 = arith.constant 2 : i32
        %parallel_loop3A_1612 = arith.index_cast %parallel_loop3A_1611 : i32 to index
        %parallel_loop3A_1613 = arith.index_cast %parallel_loop3A_1439 : i32 to index
        %parallel_loop3A_1614 = arith.constant 80 : index
        %parallel_loop3A_1615 = tpu.vector_load %arg7[%parallel_loop3A_1612, %parallel_loop3A_1613, %parallel_loop3A_1614] {strides = array<i32>} : memref<5x128x128xf32, #tpu.memory_space<vmem>>, vector<16xf32>,
        %parallel_loop3A_1616 = arith.addf %parallel_loop3A_1610, %parallel_loop3A_1615 : vector<16xf32>
        %parallel_loop3A_1617 = arith.constant 3 : i32
        %parallel_loop3A_1618 = arith.index_cast %parallel_loop3A_1617 : i32 to index
        %parallel_loop3A_1619 = arith.index_cast %parallel_loop3A_1439 : i32 to index
        %parallel_loop3A_1620 = arith.constant 80 : index
        %parallel_loop3A_1621 = tpu.vector_load %arg7[%parallel_loop3A_1618, %parallel_loop3A_1619, %parallel_loop3A_1620] {strides = array<i32>} : memref<5x128x128xf32, #tpu.memory_space<vmem>>, vector<16xf32>,
        %parallel_loop3A_1622 = arith.addf %parallel_loop3A_1616, %parallel_loop3A_1621 : vector<16xf32>
        %parallel_loop3A_1623 = arith.constant 4 : i32
        %parallel_loop3A_1624 = arith.index_cast %parallel_loop3A_1623 : i32 to index
        %parallel_loop3A_1625 = arith.index_cast %parallel_loop3A_1439 : i32 to index
        %parallel_loop3A_1626 = arith.constant 80 : index
        %parallel_loop3A_1627 = tpu.vector_load %arg7[%parallel_loop3A_1624, %parallel_loop3A_1625, %parallel_loop3A_1626] {strides = array<i32>} : memref<5x128x128xf32, #tpu.memory_space<vmem>>, vector<16xf32>,
        %parallel_loop3A_1628 = arith.addf %parallel_loop3A_1622, %parallel_loop3A_1627 : vector<16xf32>
        %parallel_loop3A_1629 = arith.index_cast %parallel_loop3A_1439 : i32 to index
        %parallel_loop3A_1630 = arith.constant 80 : index
        %parallel_loop3A_1631 = tpu.vector_load %arg8[%parallel_loop3A_1629, %parallel_loop3A_1630] {strides = array<i32>} : memref<128x128xf32, #tpu.memory_space<vmem>>, vector<16xf32>,
        tpu.vector_store %arg8[%parallel_loop3A_1629, %parallel_loop3A_1630], %parallel_loop3A_1628 {strides = array<i32>} : memref<128x128xf32, #tpu.memory_space<vmem>>, vector<16xf32>,
        %parallel_loop3A_1632 = arith.constant 0 : i32
        %parallel_loop3A_1633 = arith.index_cast %parallel_loop3A_1632 : i32 to index
        %parallel_loop3A_1634 = arith.index_cast %parallel_loop3A_1439 : i32 to index
        %parallel_loop3A_1635 = arith.constant 96 : index
        %parallel_loop3A_1636 = tpu.vector_load %arg7[%parallel_loop3A_1633, %parallel_loop3A_1634, %parallel_loop3A_1635] {strides = array<i32>} : memref<5x128x128xf32, #tpu.memory_space<vmem>>, vector<16xf32>,
        %parallel_loop3A_1637 = arith.constant 1 : i32
        %parallel_loop3A_1638 = arith.index_cast %parallel_loop3A_1637 : i32 to index
        %parallel_loop3A_1639 = arith.index_cast %parallel_loop3A_1439 : i32 to index
        %parallel_loop3A_1640 = arith.constant 96 : index
        %parallel_loop3A_1641 = tpu.vector_load %arg7[%parallel_loop3A_1638, %parallel_loop3A_1639, %parallel_loop3A_1640] {strides = array<i32>} : memref<5x128x128xf32, #tpu.memory_space<vmem>>, vector<16xf32>,
        %parallel_loop3A_1642 = arith.addf %parallel_loop3A_1636, %parallel_loop3A_1641 : vector<16xf32>
        %parallel_loop3A_1643 = arith.constant 2 : i32
        %parallel_loop3A_1644 = arith.index_cast %parallel_loop3A_1643 : i32 to index
        %parallel_loop3A_1645 = arith.index_cast %parallel_loop3A_1439 : i32 to index
        %parallel_loop3A_1646 = arith.constant 96 : index
        %parallel_loop3A_1647 = tpu.vector_load %arg7[%parallel_loop3A_1644, %parallel_loop3A_1645, %parallel_loop3A_1646] {strides = array<i32>} : memref<5x128x128xf32, #tpu.memory_space<vmem>>, vector<16xf32>,
        %parallel_loop3A_1648 = arith.addf %parallel_loop3A_1642, %parallel_loop3A_1647 : vector<16xf32>
        %parallel_loop3A_1649 = arith.constant 3 : i32
        %parallel_loop3A_1650 = arith.index_cast %parallel_loop3A_1649 : i32 to index
        %parallel_loop3A_1651 = arith.index_cast %parallel_loop3A_1439 : i32 to index
        %parallel_loop3A_1652 = arith.constant 96 : index
        %parallel_loop3A_1653 = tpu.vector_load %arg7[%parallel_loop3A_1650, %parallel_loop3A_1651, %parallel_loop3A_1652] {strides = array<i32>} : memref<5x128x128xf32, #tpu.memory_space<vmem>>, vector<16xf32>,
        %parallel_loop3A_1654 = arith.addf %parallel_loop3A_1648, %parallel_loop3A_1653 : vector<16xf32>
        %parallel_loop3A_1655 = arith.constant 4 : i32
        %parallel_loop3A_1656 = arith.index_cast %parallel_loop3A_1655 : i32 to index
        %parallel_loop3A_1657 = arith.index_cast %parallel_loop3A_1439 : i32 to index
        %parallel_loop3A_1658 = arith.constant 96 : index
        %parallel_loop3A_1659 = tpu.vector_load %arg7[%parallel_loop3A_1656, %parallel_loop3A_1657, %parallel_loop3A_1658] {strides = array<i32>} : memref<5x128x128xf32, #tpu.memory_space<vmem>>, vector<16xf32>,
        %parallel_loop3A_1660 = arith.addf %parallel_loop3A_1654, %parallel_loop3A_1659 : vector<16xf32>
        %parallel_loop3A_1661 = arith.index_cast %parallel_loop3A_1439 : i32 to index
        %parallel_loop3A_1662 = arith.constant 96 : index
        %parallel_loop3A_1663 = tpu.vector_load %arg8[%parallel_loop3A_1661, %parallel_loop3A_1662] {strides = array<i32>} : memref<128x128xf32, #tpu.memory_space<vmem>>, vector<16xf32>,
        tpu.vector_store %arg8[%parallel_loop3A_1661, %parallel_loop3A_1662], %parallel_loop3A_1660 {strides = array<i32>} : memref<128x128xf32, #tpu.memory_space<vmem>>, vector<16xf32>,
        %parallel_loop3A_1664 = arith.constant 0 : i32
        %parallel_loop3A_1665 = arith.index_cast %parallel_loop3A_1664 : i32 to index
        %parallel_loop3A_1666 = arith.index_cast %parallel_loop3A_1439 : i32 to index
        %parallel_loop3A_1667 = arith.constant 112 : index
        %parallel_loop3A_1668 = tpu.vector_load %arg7[%parallel_loop3A_1665, %parallel_loop3A_1666, %parallel_loop3A_1667] {strides = array<i32>} : memref<5x128x128xf32, #tpu.memory_space<vmem>>, vector<16xf32>,
        %parallel_loop3A_1669 = arith.constant 1 : i32
        %parallel_loop3A_1670 = arith.index_cast %parallel_loop3A_1669 : i32 to index
        %parallel_loop3A_1671 = arith.index_cast %parallel_loop3A_1439 : i32 to index
        %parallel_loop3A_1672 = arith.constant 112 : index
        %parallel_loop3A_1673 = tpu.vector_load %arg7[%parallel_loop3A_1670, %parallel_loop3A_1671, %parallel_loop3A_1672] {strides = array<i32>} : memref<5x128x128xf32, #tpu.memory_space<vmem>>, vector<16xf32>,
        %parallel_loop3A_1674 = arith.addf %parallel_loop3A_1668, %parallel_loop3A_1673 : vector<16xf32>
        %parallel_loop3A_1675 = arith.constant 2 : i32
        %parallel_loop3A_1676 = arith.index_cast %parallel_loop3A_1675 : i32 to index
        %parallel_loop3A_1677 = arith.index_cast %parallel_loop3A_1439 : i32 to index
        %parallel_loop3A_1678 = arith.constant 112 : index
        %parallel_loop3A_1679 = tpu.vector_load %arg7[%parallel_loop3A_1676, %parallel_loop3A_1677, %parallel_loop3A_1678] {strides = array<i32>} : memref<5x128x128xf32, #tpu.memory_space<vmem>>, vector<16xf32>,
        %parallel_loop3A_1680 = arith.addf %parallel_loop3A_1674, %parallel_loop3A_1679 : vector<16xf32>
        %parallel_loop3A_1681 = arith.constant 3 : i32
        %parallel_loop3A_1682 = arith.index_cast %parallel_loop3A_1681 : i32 to index
        %parallel_loop3A_1683 = arith.index_cast %parallel_loop3A_1439 : i32 to index
        %parallel_loop3A_1684 = arith.constant 112 : index
        %parallel_loop3A_1685 = tpu.vector_load %arg7[%parallel_loop3A_1682, %parallel_loop3A_1683, %parallel_loop3A_1684] {strides = array<i32>} : memref<5x128x128xf32, #tpu.memory_space<vmem>>, vector<16xf32>,
        %parallel_loop3A_1686 = arith.addf %parallel_loop3A_1680, %parallel_loop3A_1685 : vector<16xf32>
        %parallel_loop3A_1687 = arith.constant 4 : i32
        %parallel_loop3A_1688 = arith.index_cast %parallel_loop3A_1687 : i32 to index
        %parallel_loop3A_1689 = arith.index_cast %parallel_loop3A_1439 : i32 to index
        %parallel_loop3A_1690 = arith.constant 112 : index
        %parallel_loop3A_1691 = tpu.vector_load %arg7[%parallel_loop3A_1688, %parallel_loop3A_1689, %parallel_loop3A_1690] {strides = array<i32>} : memref<5x128x128xf32, #tpu.memory_space<vmem>>, vector<16xf32>,
        %parallel_loop3A_1692 = arith.addf %parallel_loop3A_1686, %parallel_loop3A_1691 : vector<16xf32>
        %parallel_loop3A_1693 = arith.index_cast %parallel_loop3A_1439 : i32 to index
        %parallel_loop3A_1694 = arith.constant 112 : index
        %parallel_loop3A_1695 = tpu.vector_load %arg8[%parallel_loop3A_1693, %parallel_loop3A_1694] {strides = array<i32>} : memref<128x128xf32, #tpu.memory_space<vmem>>, vector<16xf32>,
        tpu.vector_store %arg8[%parallel_loop3A_1693, %parallel_loop3A_1694], %parallel_loop3A_1692 {strides = array<i32>} : memref<128x128xf32, #tpu.memory_space<vmem>>, vector<16xf32>,
      } {sc.loop_unroll_factor = 4 : i64, sc.parallel_access}
      "tpu.region"() ({
        %run_scoped3A = tpu.sem_alloc : memref<!tpu.dma_semaphore, #tpu.memory_space<semaphore_mem>>
        %dma_start3A_1439 = arith.constant 0 : i32
        %dma_start3A_1440 = tpu.memref_slice %arg4[%scan3A_8, %mul3A_2, %dma_start3A_1439] : memref<50x4096x128xf32, #tpu.memory_space<hbm>> -> memref<1x128x128xf32, #tpu.memory_space<hbm>>
        %dma_start3A_1441 = tpu.memref_squeeze %dma_start3A_1440 : memref<1x128x128xf32, #tpu.memory_space<hbm>> -> memref<128x128xf32, #tpu.memory_space<hbm>>
        %dma_start3A_1442 = arith.constant 0 : i32
        %dma_start3A_1443 = tpu.memref_slice %arg4[%scan3A_8, %mul3A_2, %dma_start3A_1442] : memref<50x4096x128xf32, #tpu.memory_space<hbm>> -> memref<1x128x128xf32, #tpu.memory_space<hbm>>
        %dma_start3A_1444 = tpu.memref_squeeze %dma_start3A_1443 : memref<1x128x128xf32, #tpu.memory_space<hbm>> -> memref<128x128xf32, #tpu.memory_space<hbm>>
        tpu.enqueue_dma source(%arg8 : memref<128x128xf32, #tpu.memory_space<vmem>>) target(%dma_start3A_1444 : memref<128x128xf32, #tpu.memory_space<hbm>>) target_semaphore(%run_scoped3A : memref<!tpu.dma_semaphore, #tpu.memory_space<semaphore_mem>>)
        %dma_wait3A_1445 = arith.constant 0 : i32
        %dma_wait3A_1446 = tpu.memref_slice %arg4[%scan3A_8, %mul3A_2, %dma_wait3A_1445] : memref<50x4096x128xf32, #tpu.memory_space<hbm>> -> memref<1x128x128xf32, #tpu.memory_space<hbm>>
        %dma_wait3A_1447 = tpu.memref_squeeze %dma_wait3A_1446 : memref<1x128x128xf32, #tpu.memory_space<hbm>> -> memref<128x128xf32, #tpu.memory_space<hbm>>
        %dma_wait3A_1448 = arith.constant 0 : i32
        %dma_wait3A_1449 = tpu.memref_slice %arg4[%scan3A_8, %mul3A_2, %dma_wait3A_1448] : memref<50x4096x128xf32, #tpu.memory_space<hbm>> -> memref<1x128x128xf32, #tpu.memory_space<hbm>>
        %dma_wait3A_1450 = tpu.memref_squeeze %dma_wait3A_1449 : memref<1x128x128xf32, #tpu.memory_space<hbm>> -> memref<128x128xf32, #tpu.memory_space<hbm>>
        tpu.wait_dma2 semaphore(%run_scoped3A : memref<!tpu.dma_semaphore, #tpu.memory_space<semaphore_mem>>) src(%arg8 : memref<128x128xf32, #tpu.memory_space<vmem>>) dst(%dma_wait3A_1450 : memref<128x128xf32, #tpu.memory_space<hbm>>)
        tpu.yield
      }) : () -> ()
    }
    %scan3A_7 = arith.constant 50 : i32
    return
  }
}

</mosaic_0001>

<sc_bundles>
// kernel: kernel.3.cloned.1.call-start
scs
__scs_entry_jumppad:
0x0: {  	(pc) =	sbr.rel $0x88, $3  }
0x1: {  	(tag) =	ssettag $0x0;
	lr =	simm.s32 $0x1  }
0x2: {  	[smem:$0x3F9B] =	sst lr;
	_ =	strace $0xD0000000  }
0x3: {  	_ = 	snop  }
0x4: {  	_ = 	snop  }
0x5: {  	_ = 	snop  }
0x6: {  	_ = 	snop  }
0x7: {  	_ = 	snop  }
__scs_overlays_trampoline_lowered:
0x8: {  	[smem:$0x3FAA] =	sst s0  }
0x9: {  	[smem:$0x3FAB] =	sst s1  }
0xa: {  	[smem:$0x3FAC] =	sst s2  }
0xb: {  	[smem:$0x3FAD] =	sst s3  }
0xc: {  	[smem:$0x3FAE] =	sst s4  }
0xd: {  	[smem:$0x3FAF] =	sst s5  }
0xe: {  	[smem:$0x3FB0] =	sst s6  }
0xf: {  	[smem:$0x3FB1] =	sst s7  }
0x10: {  	[smem:$0x3FB2] =	sst s8  }
0x11: {  	[smem:$0x3FB3] =	sst s9;
	s0 =	simm.s32 @!p0 $0x0  }
0x12: {  	s1 =	sld [smem:$0x3F99];
	s0 =	simm.s32 @p0 $0x1  }
0x13: {  	[smem:$0x3FB4] =	sst s0;
	s0 =	simm.s32 @!p1 $0x0  }
0x14: {  	s2 =	sld [smem:$0x3F98];
	s0 =	simm.s32 @p1 $0x1  }
0x15: {  	[smem:$0x3FB5] =	sst s0;
	s0 =	simm.s32 @!p2 $0x0  }
0x16: {  	s3 =	sld [smem:$0x3FDB];
	s0 =	simm.s32 @p2 $0x1  }
0x17: {  	s4 =	simm.s32 $0x1BF5;
	[smem:$0x3FB7] =	sst s0  }
0x18: {  	s0 =	sld [smem:$0x3F9A];
	_ =	swait.ge [sflag:s4], $0x0  }
0x19: {  	s7 =	sld [smem:$0x3F9B]  }
0x1a: {  	s8 =	sadd.s32 $0xFFFFE003, lr  }
0x1b: {  	s9 =	sadd.s32 $0xFFFFFEF7, lr;
	s5 =	simm.s32 $0xFFFFFFFF;
	p2 =	slt.u32 s8, $0xFFFFF086  }
0x1c: {  	p1 =	slt.u32 s9, $0xF7A;
	s5 =	simm.s32 @!p2 $0x0  }
0x1d: {  	s5 =	simm.s32 @p1 $0x1;
	p0 =	seq.s32 s7, s2  }
0x1e: {  	s7 =	smul.u32 @!p0 $0xF7A, s2;
	p2 =	seq.s32 @!p0 s5, $0x0  }
0x1f: {  	s9 =	smul.u32 $0xF7A, s1;
	s8 =	simm.s32 @!p0 $0x1BF5;
	p2 =	por !p2, p0  }
0x20: {  	[sflag:s8] =	ssyncset.s32 @!p0 $0xFFFFF086;
	s6 =	sadd.s32 @!p0 s3, s7;
	s7 =	simm.s32 @!p0 $0x108  }
0x21: {  	s3 =	sadd.s32 s3, s9;
	s6 =	sadd.s32 @!p0 $0x88, s6;
	s7 =	simm.s32 @p2 $0x1082  }
0x22: {  	[simem:s7], [sflag:s8] =	dma.local @!p0 [hbm:s6], $0xF7A  }
0x23: {  	s9 =	sor.u32 $0xD0000000, s2;
	s6 =	simm.s32 $0x108;
	_ =	swait.ge @!p0 [sflag:s8], $0x0  }
0x24: {  	s3 =	sadd.s32 $0x88, s3;
	s6 =	simm.s32 @!p1 $0x1082;
	[sflag:s4] =	ssyncset.s32 $0xFFFFF086  }
0x25: {  	[simem:s6], [sflag:s4] =	dma.local [hbm:s3], $0xF7A  }
0x26: {  	[smem:$0x3F9B] =	sst s1;
	(tag) =	ssettag s2;
	_ =	strace s9  }
0x27: {  	s1 =	sld [smem:$0x3FAB]  }
0x28: {  	s2 =	sld [smem:$0x3FAC]  }
0x29: {  	s4 =	sld [smem:$0x3FAE]  }
0x2a: {  	p0 =	seq.s32 s5, $0x0;
	s5 =	sld [smem:$0x3FAF]  }
0x2b: {  	s6 =	sld [smem:$0x3FB0]  }
0x2c: {  	s7 =	sld [smem:$0x3FB1]  }
0x2d: {  	s3 =	simm.s32 $0x108;
	s8 =	sld [smem:$0x3FB2]  }
0x2e: {  	s3 =	simm.s32 @!p0 $0x1082;
	s9 =	sld [smem:$0x3FB3]  }
0x2f: {  	lr =	sadd.s32 s0, s3;
	s0 =	sld [smem:$0x3FAA]  }
0x30: {  	s3 =	sld [smem:$0x3FAD]  }
0x31: {  	[smem:$0x3FB6] =	sst s10  }
0x32: {  	s10 =	sld [smem:$0x3FB4];
	_ =	sdelay $0x3  }
0x33: {  	p0 =	seq.s32 s10, $0x1;
	s10 =	sld [smem:$0x3FB6];
	_ =	sdelay $0x3  }
0x34: {  	[smem:$0x3FB6] =	sst s10  }
0x35: {  	s10 =	sld [smem:$0x3FB5];
	_ =	sdelay $0x3  }
0x36: {  	p1 =	seq.s32 s10, $0x1;
	s10 =	sld [smem:$0x3FB6];
	_ =	sdelay $0x3  }
0x37: {  	[smem:$0x3FB6] =	sst s10  }
0x38: {  	s10 =	sld [smem:$0x3FB7]  }
0x39: {  	_ = 	snop;
	(pc) =	sbr.ind lr, $3  }
0x3a: {  	_ = 	snop  }
0x3b: {  	_ = 	snop  }
0x3c: {  	p2 =	seq.s32 s10, $0x1;
	s10 =	sld [smem:$0x3FB6]  }
0x3d: {  	_ =	shalt  }
0x3e: {  	_ =	shalt  }
0x3f: {  	_ =	shalt  }
0x40: {  	_ =	shalt  }
0x41: {  	_ =	shalt  }
0x42: {  	_ =	shalt  }
0x43: {  	_ =	shalt  }
0x44: {  	_ =	shalt  }
0x45: {  	_ =	shalt  }
0x46: {  	_ =	shalt  }
0x47: {  	_ =	shalt  }
0x48: {  	_ =	shalt  }
0x49: {  	_ =	shalt  }
0x4a: {  	_ =	shalt  }
0x4b: {  	_ =	shalt  }
0x4c: {  	_ =	shalt  }
0x4d: {  	_ =	shalt  }
0x4e: {  	_ =	shalt  }
0x4f: {  	_ =	shalt  }
0x50: {  	_ =	shalt  }
0x51: {  	_ =	shalt  }
0x52: {  	_ =	shalt  }
0x53: {  	_ =	shalt  }
0x54: {  	_ =	shalt  }
0x55: {  	_ =	shalt  }
0x56: {  	_ =	shalt  }
0x57: {  	_ =	shalt  }
0x58: {  	_ =	shalt  }
0x59: {  	_ =	shalt  }
0x5a: {  	_ =	shalt  }
0x5b: {  	_ =	shalt  }
0x5c: {  	_ =	shalt  }
0x5d: {  	_ =	shalt  }
0x5e: {  	_ =	shalt  }
0x5f: {  	_ =	shalt  }
0x60: {  	_ =	shalt  }
0x61: {  	_ =	shalt  }
0x62: {  	_ =	shalt  }
0x63: {  	_ =	shalt  }
0x64: {  	_ =	shalt  }
0x65: {  	_ =	shalt  }
0x66: {  	_ =	shalt  }
0x67: {  	_ =	shalt  }
0x68: {  	_ =	shalt  }
0x69: {  	_ =	shalt  }
0x6a: {  	_ =	shalt  }
0x6b: {  	_ =	shalt  }
0x6c: {  	_ =	shalt  }
0x6d: {  	_ =	shalt  }
0x6e: {  	_ =	shalt  }
0x6f: {  	_ =	shalt  }
0x70: {  	_ =	shalt  }
0x71: {  	_ =	shalt  }
0x72: {  	_ =	shalt  }
0x73: {  	_ =	shalt  }
0x74: {  	_ =	shalt  }
0x75: {  	_ =	shalt  }
0x76: {  	_ =	shalt  }
0x77: {  	_ =	shalt  }
0x78: {  	_ =	shalt  }
0x79: {  	_ =	shalt  }
0x7a: {  	_ =	shalt  }
0x7b: {  	_ =	shalt  }
0x7c: {  	_ =	shalt  }
0x7d: {  	_ =	shalt  }
0x7e: {  	_ =	shalt  }
0x7f: {  	_ =	shalt  }
0x80: {  	_ =	shalt  }
0x81: {  	_ =	shalt  }
0x82: {  	_ =	shalt  }
0x83: {  	_ =	shalt  }
0x84: {  	_ =	shalt  }
0x85: {  	_ =	shalt  }
0x86: {  	_ =	shalt  }
0x87: {  	_ =	shalt  }
.Lfunc_end0:
.L_simem_size_0:
called_computation_lowered:
.L_overlay_start_0:
0x88: {  	s2 =	sld [smem:$0x3FD9]  }
0x89: {  	s3 =	sld [smem:$0x3FFE];
	_ =	sdelay $0x1  }
0x8a: {  	s1 =	srdreg.scid  }
0x8b: {  	s0 =	sand.u32 $0x1, s1  }
0x8c: {  	s17 =	sshll.u32 s0, $0xA;
	s2 =	sadd.s32 s3, s2  }
0x8d: {  	s2 =	sadd.s32 s2, s17  }
0x8e: {  	[smem:$0x3FC2] =	sst s2  }
0x8f: {  	_ = 	snop  }
0x90: {  	s2 =	sld [smem:$0x3FD0];
	(tm) =	ssettm $0x1  }
0x91: {  	s18 =	sld [smem:$0x3FFB];
	_ =	sdelay $0x3  }
0x92: {  	_ =	strace s18  }
0x93: {  	s3 =	sld [smem:$0x3FFC];
	_ =	sdelay $0x3  }
0x94: {  	_ =	strace s3  }
0x95: {  	s3 =	sld [smem:$0x3FFD];
	_ =	sdelay $0x3  }
0x96: {  	_ =	strace s3  }
0x97: {  	_ =	strace $0x8FFFFFFF  }
0x98: {  	s19 =	sld [smem:$0x3FDB];
	_ =	sdelay $0x1  }
0x99: {  	s4 =	simm.s32 $_scs_section_size  }
0x9a: {  	s5 =	simm.s32 $_size__tile_overlayer_lowered;
	s6 =	simm.s32 $_tile_overlayer_lowered  }
0x9b: {  	s22 =	simm.s32 $0x1BFF;
	s21 =	sshll.u32 s6, $0x1;
	s3 =	sadd.s32 s4, s19  }
0x9c: {  	s7 =	simm.s32 $0x0;
	s20 =	sshll.u32 s5, $0x1;
	s5 =	sadd.s32 s21, s3  }
0x9d: {  	[timem:s7], [sflag:s22] =	dma.local [hbm:s5], s20  }
0x9e: {  	_ =	swait.ge [sflag:s22], s20  }
0x9f: {  	s4 =	ssub.s32 $0x0, s20;
	[sflag:s22] =	ssyncset.done $0x0  }
0xa0: {  	[sflag:s22] =	ssyncadd.s32 s4;
	_ =	sdelay $0x1  }
0xa1: {  	s23 =	simm.s32 $0x1B8B  }
0xa2: {  	_ =	swait.ge [sflag:s23], $0x1  }
0xa3: {  	[sflag:s23] =	ssyncset.done $0x0  }
0xa4: {  	s25 =	simm.s32 $0x1B8E;
	s24 =	sld [smem:$0x3FFE];
	[sflag:s23] =	ssyncadd.s32 $0xFFFFFFFF  }
0xa5: {  	s26 =	simm.s32 $execute0_lowered;
	[smem:$0x3FD2] =	sst s25  }
0xa6: {  	s5 =	sshll.u32 s26, $0x1;
	_ =	strace $0x80000046;
	[dreg:$0x1] =	wrdreg $0xFFFFFFFF  }
0xa7: {  	s28 =	simm.s32 $_size_execute0_lowered;
	s3 =	sadd.s32 s3, s5;
	[dreg:$0x0] =	wrdreg $0x0  }
0xa8: {  	s5 =	sshll.u32 s28, $0x1;
	[dreg:$0x2] =	wrdreg s3  }
0xa9: {  	[dreg:$0x3] =	wrdreg s5  }
0xaa: {  	[dreg:$0x4] =	wrdreg $0xC0  }
0xab: {  	_ =	task [dreg:s7], $0x5FFFF  }
0xac: {  	[dreg:$0x1] =	wrdreg $0xFFFFFFFF  }
0xad: {  	[dreg:$0x0] =	wrdreg $0x60  }
0xae: {  	[dreg:$0x2] =	wrdreg s24  }
0xaf: {  	[dreg:$0x3] =	wrdreg s2  }
0xb0: {  	[dreg:$0x4] =	wrdreg $0x9  }
0xb1: {  	_ =	task.clear_ibuf [dreg:s7], $0x5FFFF;
	_ =	strace $0x90000046  }
0xb2: {  	s29 =	simm.s32 $0x9;
	_ =	strace $0x80000048  }
0xb3: {  	_ =	swait.ge [sflag:s29], $0x1  }
0xb4: {  	[sflag:s29] =	ssyncadd.s32 $0xFFFFFFFF  }
0xb5: {  	_ =	strace $0x90000048  }
0xb6: {  	_ =	sfence  }
0xb7: {  	s30 =	sld [smem:$0x0];
	_ =	sdelay $0x2  }
0xb8: {  	s31 =	sshll.u32 s1, $0xD;
	s1 =	sshrl.u32 s1, $0x2  }
0xb9: {  	s3 =	sand.u32 $0x4000, s31;
	s1 =	sadd.s32 s1, s30  }
0xba: {  	s0 =	sor.u32 s3, s0;
	s1 =	sshll.u32 s1, $0x11  }
0xbb: {  	s0 =	sor.u32 s1, s0  }
0xbc: {  	s0 =	sadd.s32 $0x8F2B, s0  }
0xbd: {  	[sflag:s0] =	ssyncadd.remote.s32 $0x1  }
0xbe: {  	_ =	sfence.sel $0xFFFF  }
0xbf: {  	[dreg:$0x0] =	wrdreg $0xFFFFFFFF;
	(pc) =	sbr.abs _section_cstart, $3  }
0xc0: {  	[dreg:$0x1] =	wrdreg $0xFFFFFFFF  }
0xc1: {  	_ =	task.clear_ibuf [dreg:s7], $0x2FFFF;
	_ =	strace $0x9FFFFFFF  }
0xc2: {  	(tm) =	ssettm $0x7FFFFFFF  }
0xc3: {  	_ =	shalt  }
tec
execute0_lowered:
.L_overlay_start_1:
0x0: {  	(tag) =	ssettag $0x1  }
0x1: {  	s4 =	rddreg [dreg:$0x0]  }
0x2: {  	s5 =	rddreg [dreg:$0x1]  }
0x3: {  	s0 =	rddreg [dreg:$0x2]  }
0x4: {  	s2 =	simm.s32 $0x0;
	s3 =	srdreg.scid;
	s1 =	stileid.u32  }
0x5: {  	s9 =	simm.s32 $0x800;
	s10 =	simm.s32 $0x2;
	s11 =	simm.s32 $0x80  }
0x6: {  	s12 =	simm.s32 $0xC00;
	s13 =	simm.s32 $0x1000;
	s14 =	simm.s32 $0xC80  }
0x7: {  	s15 =	simm.s32 $0x5000;
	s16 =	simm.s32 $0xD00;
	s17 =	simm.s32 $0x9000  }
0x8: {  	s18 =	simm.s32 $0xD80;
	s19 =	simm.s32 $0xD000;
	s20 =	simm.s32 $0xE00  }
0x9: {  	s21 =	simm.s32 $0x11000;
	s22 =	simm.s32 $0x1;
	s23 =	simm.s32 $0x15000  }
0xa: {  	s24 =	simm.s32 $0x0;
	[smem:$0x7FF] =	sst s2;
	s3 =	sand.u32 $0x1, s3  }
0xb: {  	s6 =	sshll.u32 s1, $0x8;
	s7 =	sshll.u32 s3, $0x7;
	s8 =	ssub.s32 $0x2, s3  }
0xc: {  	_ =	strace $0x80000047;
	s6 =	sor.u32 s7, s6;
	s31 =	sshrl.u32 s8, $0x1  }
0xd: {  	s3 =	sadd.s32 $0x2800, s4;
	s4 =	sadd.s32 s6, s4;
	s7 =	ssub.s32 s8, s31  }
0xe: {  	s6 =	sshll.u32 s6, $0x4;
	s8 =	simm.s32 $0x8000;
	s4 =	sadd.s32 $0x2AC00, s4  }
0xf: {  	s5 =	sadd.s32 s5, s6;
	s6 =	smax.u32 s7, $0x1;
	s7 =	simm.s32 $0x400  }
.LBB2_1:
0x10: {  	s25 =	simm.s32 $0x0  }
.LBB2_2:
0x11: {  	s26 =	smul.u32 $0x3000, s25;
	_ =	sdelay $0x1  }
0x12: {  	s28 =	simm.s32 $0x0;
	s26 =	sadd.s32 s26, s4  }
0x13: {  	[tilespmem:s28], [sflag:$0x2] =	stream.strided.gather [hbm4b:s26+s7], $0x800, s8, s7, $0x38;
	[tilespmem:$0x19000] =	vst v63  }
0x14: {  	s26 =	sadd.s32 $0x2000, s26  }
0x15: {  	[tilespmem:s9], [sflag:$0x2] =	stream.linear.gather [hbm4b:s26+s28], $0x180, $0x38;
	[tilespmem:$0x19000] =	vst v63  }
0x16: {  	_ =	swait.ge [sflag:s10], $0x980  }
0x17: {  	[sflag:s10] =	ssyncset.done $0x0  }
0x18: {  	[sflag:s10] =	ssyncadd.s32 $0xFFFFF680  }
0x19: {  	v0 =	vld [tilespmem:$0x0]  }
0x1a: {  	v3 =	vld [tilespmem:$0x80]  }
0x1b: {  	v6 =	vld [tilespmem:$0x100]  }
0x1c: {  	v5 =	vld [tilespmem:$0x180]  }
0x1d: {  	v8 =	vld [tilespmem:$0x200]  }
0x1e: {  	v11 =	vld [tilespmem:$0x280]  }
0x1f: {  	v16 =	vld [tilespmem:$0x300]  }
0x20: {  	v10 =	vld [tilespmem:$0x380]  }
0x21: {  	v12 =	vld [tilespmem:$0x400]  }
0x22: {  	v13 =	vld [tilespmem:$0x480]  }
0x23: {  	v19 =	vld [tilespmem:$0x500]  }
0x24: {  	v15 =	vld [tilespmem:$0x580]  }
0x25: {  	v25 =	vld [tilespmem:$0x600]  }
0x26: {  	v26 =	vld [tilespmem:$0x680]  }
0x27: {  	v27 =	vld [tilespmem:$0x700]  }
0x28: {  	v20 =	vld [tilespmem:$0x780]  }
0x29: {  	v31 =	vld [tilespmem:$0x800]  }
0x2a: {  	v33 =	vld [tilespmem:$0x880]  }
0x2b: {  	v38 =	vld [tilespmem:$0x900]  }
0x2c: {  	v39 =	vld [tilespmem:$0x10]  }
0x2d: {  	v41 =	vld [tilespmem:$0x90]  }
0x2e: {  	v42 =	vld [tilespmem:$0x110]  }
0x2f: {  	v37 =	vld [tilespmem:$0x190]  }
0x30: {  	v44 =	vld [tilespmem:$0x210]  }
0x31: {  	v46 =	vld [tilespmem:$0x290]  }
0x32: {  	v47 =	vld [tilespmem:$0x310]  }
0x33: {  	v48 =	vld [tilespmem:$0x390]  }
0x34: {  	v49 =	vld [tilespmem:$0x410]  }
0x35: {  	v50 =	vld [tilespmem:$0x490]  }
0x36: {  	v51 =	vld [tilespmem:$0x510]  }
0x37: {  	v52 =	vld [tilespmem:$0x590]  }
0x38: {  	v53 =	vld [tilespmem:$0x610]  }
0x39: {  	v54 =	vld [tilespmem:$0x690]  }
0x3a: {  	v55 =	vld [tilespmem:$0x710]  }
0x3b: {  	v56 =	vld [tilespmem:$0x790]  }
0x3c: {  	v57 =	vld [tilespmem:$0x810]  }
0x3d: {  	v58 =	vld [tilespmem:$0x890]  }
0x3e: {  	v59 =	vld [tilespmem:$0x910]  }
0x3f: {  	v60 =	vld [tilespmem:$0x20]  }
0x40: {  	v61 =	vld [tilespmem:$0xA0]  }
0x41: {  	v1 =	vld [tilespmem:$0x120]  }
0x42: {  	v62 =	vld [tilespmem:$0x1A0]  }
0x43: {  	v63 =	vld [tilespmem:$0x220]  }
0x44: {  	v17 =	vld [tilespmem:$0x2A0]  }
0x45: {  	v32 =	vld [tilespmem:$0x320]  }
0x46: {  	v9 =	vld [tilespmem:$0x420]  }
0x47: {  	v43 =	vld [tilespmem:$0x4A0]  }
0x48: {  	v21 =	vld [tilespmem:$0x520]  }
0x49: {  	v2 =	vld [tilespmem:$0x5A0]  }
0x4a: {  	v7 =	vld [tilespmem:$0x620]  }
0x4b: {  	v18 =	vld [tilespmem:$0x6A0]  }
0x4c: {  	v28 =	vld [tilespmem:$0x720]  }
0x4d: {  	v4 =	vld [tilespmem:$0x7A0]  }
0x4e: {  	v14 =	vld [tilespmem:$0x820]  }
0x4f: {  	v40 =	vld [tilespmem:$0x8A0]  }
0x50: {  	v22 =	vld [tilespmem:$0x920]  }
0x51: {  	v29 =	vld [tilespmem:$0x30]  }
0x52: {  	v23 =	vld [tilespmem:$0xB0]  }
0x53: {  	v30 =	vld [tilespmem:$0x130]  }
0x54: {  	v34 =	vld [tilespmem:$0x230]  }
0x55: {  	v35 =	vld [tilespmem:$0x2B0]  }
0x56: {  	v36 =	vld [tilespmem:$0x330]  }
0x57: {  	v24 =	vld [tilespmem:$0x4B0]  }
0x58: {  	v45 =	vld [tilespmem:$0x530]  }
0x59: {  	[tilespmem:$0x1FCA0] =	vst v1;
	v1 =	vld [tilespmem:$0x3A0]  }
0x5a: {  	[tilespmem:$0x1FCF0] =	vst v30;
	v30 =	vld [tilespmem:$0x1B0]  }
0x5b: {  	[tilespmem:$0x1FCC0] =	vst v34;
	v34 =	vld [tilespmem:$0x3B0]  }
0x5c: {  	[tilespmem:$0x1FCB0] =	vst v23;
	v23 =	vld [tilespmem:$0x430]  }
0x5d: {  	[tilespmem:$0x1FCD0] =	vst v35;
	v35 =	vld [tilespmem:$0x5B0]  }
0x5e: {  	[tilespmem:$0x1FCE0] =	vst v24;
	v24 =	vld [tilespmem:$0x630]  }
0x5f: {  	[tilespmem:$0x1FD00] =	vst v36;
	v5 =	vmul.u32 $0x7, v5;
	v36 =	vmul.u32 $0x7, v10;
	v10 =	vld [tilespmem:$0x6B0]  }
0x60: {  	[tilespmem:$0x1FD10] =	vst v45;
	v45 =	vld [tilespmem:$0x7B0]  }
0x61: {  	v0 =	vmul.u32 $0xA, v0;
	v2 =	vmul.u32 $0x7, v2;
	v8 =	vadd.s32 v8, v5;
	v5 =	vld [tilespmem:$0x730]  }
0x62: {  	v15 =	vmul.u32 $0x7, v15;
	v12 =	vadd.s32 v12, v36;
	v36 =	vld [tilespmem:$0x830];
	v8 =	vmul.u32 $0x7, v8  }
0x63: {  	v4 =	vmul.u32 $0x7, v4;
	v2 =	vadd.s32 v7, v2;
	v7 =	vld [tilespmem:$0x50];
	v12 =	vmul.u32 $0x7, v12  }
0x64: {  	v0 =	vadd.s32 v3, v0;
	v3 =	vadd.s32 v11, v8;
	v8 =	vmul.u32 $0x7, v20;
	v20 =	vld [tilespmem:$0x8B0]  }
0x65: {  	v4 =	vadd.s32 v14, v4;
	v2 =	vmul.u32 $0x7, v2;
	v11 =	vadd.s32 v13, v12;
	v12 =	vld [tilespmem:$0x930]  }
0x66: {  	v4 =	vmul.u32 $0x7, v4;
	v13 =	vadd.s32 v25, v15;
	v15 =	vld [tilespmem:$0x40]  }
0x67: {  	v2 =	vadd.s32 v18, v2;
	v18 =	vld [tilespmem:$0x1D0]  }
0x68: {  	v4 =	vadd.s32 v40, v4;
	v40 =	vld [tilespmem:$0x2D0]  }
0x69: {  	v0 =	vmul.u32 $0x7, v0;
	v1 =	vmul.u32 $0x7, v1;
	v25 =	vmul.u32 $0x7, v13;
	v13 =	vld [tilespmem:$0xC0]  }
0x6a: {  	v3 =	vmul.u32 $0x7, v3;
	v8 =	vadd.s32 v31, v8;
	v31 =	vmul.u32 $0x7, v37;
	v37 =	vld [tilespmem:$0x1C0]  }
0x6b: {  	v0 =	vadd.s32 v6, v0;
	v6 =	vmul.u32 $0x7, v11;
	v1 =	vadd.s32 v9, v1;
	v9 =	vld [tilespmem:$0x940]  }
0x6c: {  	v2 =	vmul.u32 $0x7, v2;
	v11 =	vadd.s32 v3, v16;
	v3 =	vld [tilespmem:$0x140]  }
0x6d: {  	v8 =	vmul.u32 $0x7, v8;
	v16 =	vadd.s32 v26, v25;
	v26 =	vadd.s32 v6, v19;
	v19 =	vld [tilespmem:$0x2C0]  }
0x6e: {  	v1 =	vmul.u32 $0x7, v1;
	v2 =	vadd.s32 v2, v28;
	v28 =	vld [tilespmem:$0x350];
	v31 =	vadd.s32 v44, v31  }
0x6f: {  	v44 =	vmul.u32 $0xA, v39;
	v39 =	vmul.u32 $0x7, v48;
	v6 =	vadd.s32 v33, v8;
	v33 =	vld [tilespmem:$0x240]  }
0x70: {  	v8 =	vmul.u32 $0x7, v16;
	v1 =	vadd.s32 v43, v1;
	v43 =	vld [tilespmem:$0x250]  }
0x71: {  	v16 =	vmul.u32 $0x7, v31;
	v6 =	vmul.u32 $0x7, v6;
	v31 =	vadd.s32 v49, v39;
	v49 =	vld [tilespmem:$0x3C0]  }
0x72: {  	v4 =	vmul.u32 $0x7, v4;
	v1 =	vmul.u32 $0x7, v1;
	v27 =	vadd.s32 v8, v27;
	v8 =	vld [tilespmem:$0x340]  }
0x73: {  	v48 =	vadd.s32 v6, v38;
	v6 =	vadd.s32 v41, v44;
	v41 =	vmul.u32 $0x7, v52;
	v52 =	vld [tilespmem:$0x440]  }
0x74: {  	v4 =	vadd.s32 v4, v22;
	v16 =	vadd.s32 v46, v16;
	v31 =	vmul.u32 $0x7, v31;
	v38 =	vld [tilespmem:$0x4C0]  }
0x75: {  	v44 =	vmul.u32 $0x7, v56;
	v1 =	vadd.s32 v1, v21;
	v21 =	vadd.s32 $0x1EB0, v4;
	v4 =	vld [tilespmem:$0x1FCB0]  }
0x76: {  	v31 =	vadd.s32 v50, v31;
	v50 =	vld [tilespmem:$0x5C0];
	v25 =	vadd.s32 v53, v41;
	v53 =	vmul.u32 $0x7, v16  }
0x77: {  	v6 =	vmul.u32 $0x7, v6;
	v16 =	vld [tilespmem:$0x540];
	v31 =	vmul.u32 $0x7, v31  }
0x78: {  	v46 =	vadd.s32 v57, v44;
	v47 =	vadd.s32 v53, v47;
	v53 =	vld [tilespmem:$0x640]  }
0x79: {  	v6 =	vadd.s32 v42, v6;
	v42 =	vadd.s32 $0x1530, v27;
	v57 =	vadd.s32 v31, v51;
	v51 =	vld [tilespmem:$0x6C0]  }
0x7a: {  	v39 =	vmul.u32 $0x7, v46;
	v46 =	vadd.s32 $0x230, v11;
	[tilespmem:$0xD80] =	vst v42;
	v42 =	vld [tilespmem:$0x4E0]  }
0x7b: {  	v25 =	vmul.u32 $0x7, v25;
	[tilespmem:$0xC80] =	vst v46;
	v46 =	vld [tilespmem:$0x5E0]  }
0x7c: {  	v56 =	vadd.s32 v58, v39;
	v39 =	vld [tilespmem:$0x740]  }
0x7d: {  	v49 =	vmul.u32 $0x7, v49;
	v25 =	vadd.s32 v54, v25;
	v54 =	vld [tilespmem:$0x7C0]  }
0x7e: {  	v27 =	vadd.s32 $0xBB0, v57;
	v57 =	vmul.u32 $0x7, v45;
	v45 =	vld [tilespmem:$0x550]  }
0x7f: {  	v58 =	vmul.u32 $0xA, v60;
	v60 =	vmul.u32 $0x7, v62;
	v49 =	vadd.s32 v52, v49;
	v52 =	vld [tilespmem:$0x160]  }
0x80: {  	v11 =	vmul.u32 $0x7, v25;
	v25 =	vmul.u32 $0x7, v56;
	v56 =	vld [tilespmem:$0x8C0]  }
0x81: {  	v41 =	vadd.s32 $0x1EB0, v48;
	v48 =	vadd.s32 v63, v60;
	v60 =	vld [tilespmem:$0x1FCA0]  }
0x82: {  	v15 =	vmul.u32 $0xA, v15;
	v63 =	vld [tilespmem:$0x1FCC0]  }
0x83: {  	v62 =	vadd.s32 v61, v58;
	v61 =	vmul.u32 $0x7, v30;
	v30 =	vadd.s32 v36, v57;
	v36 =	vld [tilespmem:$0x650]  }
0x84: {  	v58 =	vld [tilespmem:$0x1FCD0]  }
0x85: {  	v7 =	vmul.u32 $0xA, v7;
	v13 =	vadd.s32 v13, v15;
	v57 =	vld [tilespmem:$0x850]  }
0x86: {  	v13 =	vmul.u32 $0x7, v13;
	v31 =	vadd.s32 $0x230, v47;
	v11 =	vadd.s32 v11, v55;
	v55 =	vld [tilespmem:$0x840]  }
0x87: {  	v47 =	vmul.u32 $0x7, v62;
	v62 =	vmul.u32 $0x7, v34;
	v34 =	vld [tilespmem:$0x450];
	v30 =	vmul.u32 $0x7, v30  }
0x88: {  	v44 =	vadd.s32 $0xBB0, v26;
	v26 =	vadd.s32 $0x1530, v11;
	v11 =	vmul.u32 $0x7, v48;
	v48 =	vld [tilespmem:$0x6D0]  }
0x89: {  	v18 =	vmul.u32 $0x7, v18;
	v1 =	vadd.s32 $0xBB0, v1;
	v20 =	vadd.s32 v20, v30;
	v30 =	vld [tilespmem:$0x7D0]  }
0x8a: {  	v3 =	vadd.s32 v3, v13;
	v25 =	vadd.s32 v25, v59;
	v23 =	vadd.s32 v23, v62;
	v62 =	vld [tilespmem:$0x1FD10]  }
0x8b: {  	v49 =	vmul.u32 $0x7, v49;
	v25 =	vadd.s32 $0x1EB0, v25;
	v11 =	vadd.s32 v17, v11;
	v17 =	vld [tilespmem:$0xD0]  }
0x8c: {  	v23 =	vmul.u32 $0x7, v23;
	v20 =	vmul.u32 $0x7, v20;
	v59 =	vmul.u32 $0x7, v11;
	v11 =	vld [tilespmem:$0x150]  }
0x8d: {  	v47 =	vadd.s32 v60, v47;
	v22 =	vadd.s32 v63, v61;
	v60 =	vld [tilespmem:$0x1FCF0];
	v63 =	vmul.u32 $0x7, v37  }
0x8e: {  	v61 =	vld [tilespmem:$0x1FD00];
	v22 =	vmul.u32 $0x7, v22;
	v12 =	vadd.s32 v20, v12;
	v14 =	vadd.s32 v59, v32  }
0x8f: {  	v37 =	vld [tilespmem:$0x950];
	v15 =	vadd.s32 v33, v63;
	v32 =	vadd.s32 $0x230, v14;
	v14 =	vadd.s32 $0x1530, v2  }
0x90: {  	v59 =	vld [tilespmem:$0x1FCE0];
	v2 =	vmul.u32 $0xA, v29;
	v22 =	vadd.s32 v58, v22;
	v15 =	vmul.u32 $0x7, v15  }
0x91: {  	v12 =	vadd.s32 $0x1EB0, v12;
	v33 =	vld [tilespmem:$0xE0];
	v22 =	vmul.u32 $0x7, v22;
	v7 =	vadd.s32 v17, v7  }
0x92: {  	v63 =	vld [tilespmem:$0x3E0];
	v2 =	vadd.s32 v4, v2;
	v4 =	vmul.u32 $0x7, v35;
	v15 =	vadd.s32 v19, v15  }
0x93: {  	v29 =	vld [tilespmem:$0x3D0];
	v7 =	vmul.u32 $0x7, v7;
	v2 =	vmul.u32 $0x7, v2;
	v22 =	vadd.s32 v22, v61  }
0x94: {  	[tilespmem:$0xC00] =	vst v0;
	v58 =	vld [tilespmem:$0x60];
	v0 =	vmul.u32 $0x7, v15;
	v15 =	vadd.s32 v38, v49;
	v4 =	vadd.s32 v24, v4  }
0x95: {  	v35 =	vld [tilespmem:$0x4D0];
	v23 =	vadd.s32 v59, v23;
	v22 =	vadd.s32 $0x230, v22;
	v59 =	vmul.u32 $0x7, v50  }
0x96: {  	v19 =	vld [tilespmem:$0x360];
	v13 =	vmul.u32 $0x7, v15;
	v7 =	vadd.s32 v11, v7;
	v4 =	vmul.u32 $0x7, v4  }
0x97: {  	v24 =	vld [tilespmem:$0x5D0];
	v23 =	vmul.u32 $0x7, v23;
	v2 =	vadd.s32 v60, v2;
	v60 =	vmul.u32 $0x7, v54  }
0x98: {  	[tilespmem:$0xD00] =	vst v44;
	v38 =	vld [tilespmem:$0x2E0];
	v0 =	vadd.s32 v0, v8;
	v44 =	vmul.u32 $0x7, v29;
	v20 =	vadd.s32 v53, v59  }
0x99: {  	v49 =	vld [tilespmem:$0x660];
	v0 =	vadd.s32 $0x230, v0;
	v13 =	vadd.s32 v13, v16;
	v4 =	vadd.s32 v10, v4  }
0x9a: {  	v50 =	vld [tilespmem:$0x260];
	v23 =	vadd.s32 v23, v62;
	v61 =	vmul.u32 $0x7, v20;
	v62 =	vadd.s32 v55, v60  }
0x9b: {  	v11 =	vld [tilespmem:$0x960];
	v13 =	vadd.s32 $0xBB0, v13;
	v4 =	vmul.u32 $0x7, v4;
	v20 =	vmul.u32 $0x7, v62  }
0x9c: {  	[tilespmem:$0xE20] =	vst v21;
	v53 =	vld [tilespmem:$0x1E0];
	v23 =	vadd.s32 $0xBB0, v23;
	v15 =	vadd.s32 v51, v61;
	v24 =	vmul.u32 $0x7, v24  }
0x9d: {  	[tilespmem:$0xD20] =	vst v1;
	v54 =	vld [tilespmem:$0x6E0];
	v51 =	vmul.u32 $0x7, v30;
	v8 =	vmul.u32 $0x7, v15;
	v15 =	vadd.s32 v56, v20  }
0x9e: {  	[tilespmem:$0xE00] =	vst v41;
	v16 =	vld [tilespmem:$0x460];
	v4 =	vadd.s32 v4, v5;
	v20 =	vmul.u32 $0x7, v63;
	v15 =	vmul.u32 $0x7, v15  }
0x9f: {  	[tilespmem:$0xC10] =	vst v6;
	v29 =	vld [tilespmem:$0x1F0];
	v4 =	vadd.s32 $0x1530, v4;
	v24 =	vadd.s32 v36, v24;
	v8 =	vadd.s32 v8, v39  }
0xa0: {  	[tilespmem:$0xC50] =	vst v7;
	v7 =	vld [tilespmem:$0x670];
	v6 =	vadd.s32 $0x1530, v8;
	v8 =	vadd.s32 v15, v9;
	v15 =	vadd.s32 v43, v18  }
0xa1: {  	[tilespmem:$0xD90] =	vst v26;
	v5 =	vld [tilespmem:$0x8D0];
	v26 =	vadd.s32 v57, v51;
	v62 =	vmul.u32 $0x7, v53;
	v15 =	vmul.u32 $0x7, v15  }
0xa2: {  	[tilespmem:$0xC40] =	vst v3;
	v56 =	vld [tilespmem:$0x7E0];
	v24 =	vmul.u32 $0x7, v24;
	v26 =	vmul.u32 $0x7, v26;
	v18 =	vadd.s32 v34, v44  }
0xa3: {  	[tilespmem:$0xE30] =	vst v12;
	v10 =	vld [tilespmem:$0x750];
	v16 =	vadd.s32 v16, v20;
	v18 =	vmul.u32 $0x7, v18;
	v15 =	vadd.s32 v40, v15  }
0xa4: {  	v55 =	vld [tilespmem:$0x760];
	[tilespmem:$0xDB0] =	vst v4;
	v4 =	vadd.s32 v50, v62;
	v12 =	vmul.u32 $0x7, v16;
	v15 =	vmul.u32 $0x7, v15  }
0xa5: {  	[tilespmem:$0xC90] =	vst v31;
	v57 =	vld [tilespmem:$0x860];
	v24 =	vadd.s32 v48, v24;
	v4 =	vmul.u32 $0x7, v4;
	v18 =	vadd.s32 v35, v18  }
0xa6: {  	[tilespmem:$0xCA0] =	vst v32;
	v60 =	vld [tilespmem:$0x8E0];
	v5 =	vadd.s32 v5, v26;
	v1 =	vadd.s32 v15, v28;
	v15 =	vmul.u32 $0x7, v18  }
0xa7: {  	[tilespmem:$0xDA0] =	vst v14;
	v9 =	vld [tilespmem:$0x560];
	v59 =	vmul.u32 $0x7, v24;
	v32 =	vmul.u32 $0x7, v56;
	v5 =	vmul.u32 $0x7, v5  }
0xa8: {  	[tilespmem:$0xCC0] =	vst v0;
	v61 =	vld [tilespmem:$0xF0];
	v0 =	vadd.s32 v38, v4;
	v4 =	vadd.s32 v42, v12;
	v14 =	vadd.s32 v15, v45  }
0xa9: {  	[tilespmem:$0xC30] =	vst v2;
	v63 =	vld [tilespmem:$0x170];
	v28 =	vmul.u32 $0x7, v46;
	v2 =	vadd.s32 $0xBB0, v14;
	v14 =	vmul.u32 $0xA, v58  }
0xaa: {  	[tilespmem:$0xD10] =	vst v27;
	v39 =	vld [tilespmem:$0x3F0];
	v10 =	vadd.s32 v59, v10;
	v36 =	vadd.s32 v57, v32;
	v4 =	vmul.u32 $0x7, v4  }
0xab: {  	[tilespmem:$0xE10] =	vst v25;
	v35 =	vld [tilespmem:$0x2F0];
	v12 =	vmul.u32 $0x7, v36;
	v34 =	vadd.s32 v49, v28;
	v14 =	vadd.s32 v33, v14  }
0xac: {  	[tilespmem:$0xC20] =	vst v47;
	v4 =	vadd.s32 v4, v9;
	v9 =	vld [tilespmem:$0x7F0];
	v3 =	vmul.u32 $0x7, v14;
	v14 =	vmul.u32 $0x7, v34  }
0xad: {  	[tilespmem:$0xD40] =	vst v13;
	v8 =	vadd.s32 $0x1EB0, v8;
	v0 =	vmul.u32 $0x7, v0;
	v10 =	vadd.s32 $0x1530, v10;
	v15 =	vld [tilespmem:$0x70]  }
0xae: {  	[tilespmem:$0xDC0] =	vst v6;
	v5 =	vadd.s32 v5, v37;
	v12 =	vadd.s32 v60, v12;
	v33 =	vld [tilespmem:$0x270];
	v13 =	vadd.s32 v54, v14  }
0xaf: {  	[tilespmem:$0xE40] =	vst v8;
	v0 =	vadd.s32 v0, v19;
	v8 =	vmul.u32 $0x7, v12;
	v6 =	vmul.u32 $0x7, v13;
	v13 =	vld [tilespmem:$0x5F0]  }
0xb0: {  	[tilespmem:$0xCB0] =	vst v22;
	v5 =	vadd.s32 $0x1EB0, v5;
	v1 =	vadd.s32 $0x230, v1;
	v0 =	vadd.s32 $0x230, v0;
	v14 =	vld [tilespmem:$0x470]  }
0xb1: {  	v37 =	vld [tilespmem:$0x370];
	v4 =	vadd.s32 $0xBB0, v4;
	[tilespmem:$0xCD0] =	vst v1;
	v1 =	vadd.s32 v8, v11;
	v11 =	vmul.u32 $0x7, v29  }
0xb2: {  	[tilespmem:$0xD30] =	vst v23;
	v12 =	vld [tilespmem:$0x870];
	v1 =	vadd.s32 $0x1EB0, v1;
	v9 =	vmul.u32 $0x7, v9;
	v6 =	vadd.s32 v6, v55  }
0xb3: {  	[tilespmem:$0xD50] =	vst v2;
	v8 =	vmul.u32 $0xA, v15;
	v15 =	vmul.u32 $0x7, v39;
	v2 =	vadd.s32 $0x1530, v6;
	v6 =	vld [tilespmem:$0x4F0]  }
0xb4: {  	[tilespmem:$0xDD0] =	vst v10;
	v3 =	vadd.s32 v52, v3;
	v10 =	vadd.s32 v33, v11;
	v11 =	vld [tilespmem:$0x6F0];
	v13 =	vmul.u32 $0x7, v13  }
0xb5: {  	[tilespmem:$0xE50] =	vst v5;
	v8 =	vadd.s32 v61, v8;
	v5 =	vmul.u32 $0x7, v10;
	v10 =	vadd.s32 v14, v15;
	v14 =	vld [tilespmem:$0x8F0]  }
0xb6: {  	[tilespmem:$0xC60] =	vst v3;
	v3 =	vmul.u32 $0x7, v8;
	v8 =	vld [tilespmem:$0x570];
	v10 =	vmul.u32 $0x7, v10;
	v7 =	vadd.s32 v7, v13  }
0xb7: {  	[tilespmem:$0xCE0] =	vst v0;
	v9 =	vadd.s32 v12, v9;
	v0 =	vadd.s32 v35, v5;
	v5 =	vld [tilespmem:$0x770];
	v7 =	vmul.u32 $0x7, v7  }
0xb8: {  	[tilespmem:$0xD60] =	vst v4;
	v9 =	vmul.u32 $0x7, v9;
	v0 =	vmul.u32 $0x7, v0;
	v4 =	vadd.s32 v6, v10;
	v6 =	vld [tilespmem:$0x970]  }
0xb9: {  	[tilespmem:$0xDE0] =	vst v2;
	v2 =	vadd.s32 v63, v3;
	v3 =	vmul.u32 $0x7, v4;
	v4 =	vadd.s32 v11, v7  }
0xba: {  	[tilespmem:$0xE60] =	vst v1;
	v0 =	vadd.s32 v0, v37;
	v1 =	vmul.u32 $0x7, v4;
	v4 =	vadd.s32 v14, v9  }
0xbb: {  	[tilespmem:$0xC70] =	vst v2;
	v0 =	vadd.s32 $0x230, v0;
	v2 =	vadd.s32 v3, v8;
	v3 =	vmul.u32 $0x7, v4  }
0xbc: {  	[tilespmem:$0xCF0] =	vst v0;
	v0 =	vadd.s32 $0xBB0, v2;
	v1 =	vadd.s32 v1, v5  }
0xbd: {  	[tilespmem:$0xD70] =	vst v0;
	v0 =	vadd.s32 $0x1530, v1;
	v1 =	vadd.s32 v3, v6  }
0xbe: {  	[tilespmem:$0xDF0] =	vst v0;
	v0 =	vadd.s32 $0x1EB0, v1  }
0xbf: {  	[tilespmem:$0xE70] =	vst v0  }
0xc0: {  	[tilespmem:s13], [sflag:$0x1] =	stream.indirect.gather [hbm4b:s3+s11], $0x80, s12, s11, $0xb8;
	[tilespmem:$0x19000] =	vst v63  }
0xc1: {  	_ = 	snop  }
0xc2: {  	[tilespmem:s15], [sflag:$0x1] =	stream.indirect.gather [hbm4b:s3+s11], $0x80, s14, s11, $0xb8;
	[tilespmem:$0x19000] =	vst v63  }
0xc3: {  	_ = 	snop  }
0xc4: {  	[tilespmem:s17], [sflag:$0x1] =	stream.indirect.gather [hbm4b:s3+s11], $0x80, s16, s11, $0xb8;
	[tilespmem:$0x19000] =	vst v63  }
0xc5: {  	_ = 	snop  }
0xc6: {  	[tilespmem:s19], [sflag:$0x1] =	stream.indirect.gather [hbm4b:s3+s11], $0x80, s18, s11, $0xb8;
	[tilespmem:$0x19000] =	vst v63  }
0xc7: {  	_ = 	snop  }
0xc8: {  	[tilespmem:s21], [sflag:$0x1] =	stream.indirect.gather [hbm4b:s3+s11], $0x80, s20, s11, $0xb8;
	[tilespmem:$0x19000] =	vst v63  }
0xc9: {  	_ =	swait.ge [sflag:s22], $0x4000  }
0xca: {  	[sflag:s22] =	ssyncset.done $0x0  }
0xcb: {  	[sflag:s22] =	ssyncadd.s32 $0xFFFFC000  }
0xcc: {  	_ =	swait.ge [sflag:s22], $0x4000  }
0xcd: {  	[sflag:s22] =	ssyncset.done $0x0  }
0xce: {  	[sflag:s22] =	ssyncadd.s32 $0xFFFFC000  }
0xcf: {  	_ =	swait.ge [sflag:s22], $0x4000  }
0xd0: {  	[sflag:s22] =	ssyncset.done $0x0  }
0xd1: {  	[sflag:s22] =	ssyncadd.s32 $0xFFFFC000  }
0xd2: {  	_ =	swait.ge [sflag:s22], $0x4000  }
0xd3: {  	[sflag:s22] =	ssyncset.done $0x0  }
0xd4: {  	[sflag:s22] =	ssyncadd.s32 $0xFFFFC000  }
0xd5: {  	_ =	swait.ge [sflag:s22], $0x4000  }
0xd6: {  	[sflag:s22] =	ssyncset.done $0x0  }
0xd7: {  	s26 =	simm.s32 $0x0;
	[sflag:s22] =	ssyncadd.s32 $0xFFFFC000  }
0xd8: {  	v0 =	vld [tilespmem:s26+$0x11F0]  }
0xd9: {  	v1 =	vld [tilespmem:s26+$0x51F0]  }
0xda: {  	v2 =	vld [tilespmem:s26+$0x1000]  }
0xdb: {  	v3 =	vld [tilespmem:s26+$0x91F0]  }
0xdc: {  	v4 =	vld [tilespmem:s26+$0x5000]  }
0xdd: {  	v5 =	vld [tilespmem:s26+$0xD1F0]  }
0xde: {  	v6 =	vld [tilespmem:s26+$0x1010]  }
0xdf: {  	v7 =	vld [tilespmem:s26+$0x111F0]  }
0xe0: {  	v9 =	vld [tilespmem:s26+$0x5010]  }
0xe1: {  	v8 =	vld [tilespmem:s26+$0x1020]  }
0xe2: {  	v10 =	vld [tilespmem:s26+$0x5020]  }
0xe3: {  	v11 =	vld [tilespmem:s26+$0x1030]  }
0xe4: {  	v12 =	vld [tilespmem:s26+$0x5030]  }
0xe5: {  	v13 =	vld [tilespmem:s26+$0x1040]  }
0xe6: {  	v40 =	vld [tilespmem:s26+$0x1070]  }
0xe7: {  	v14 =	vld [tilespmem:s26+$0x5040]  }
0xe8: {  	v15 =	vld [tilespmem:s26+$0x1050]  }
0xe9: {  	v18 =	vld [tilespmem:s26+$0x5050]  }
0xea: {  	v17 =	vld [tilespmem:s26+$0x1060]  }
0xeb: {  	v42 =	vld [tilespmem:s26+$0x5060];
	[tilespmem:$0x1FD20] =	vst v40  }
0xec: {  	v16 =	vld [tilespmem:s26+$0x5070];
	_ =	sdelay $0x4  }
0xed: {  	[tilespmem:$0x1FD30] =	vst v16  }
0xee: {  	v16 =	vld [tilespmem:s26+$0x1080];
	_ =	sdelay $0x4  }
0xef: {  	[tilespmem:$0x1FD40] =	vst v16  }
0xf0: {  	v16 =	vld [tilespmem:s26+$0x5080];
	_ =	sdelay $0x4  }
0xf1: {  	[tilespmem:$0x1FD50] =	vst v16  }
0xf2: {  	v16 =	vld [tilespmem:s26+$0x1090];
	_ =	sdelay $0x4  }
0xf3: {  	[tilespmem:$0x1FD60] =	vst v16  }
0xf4: {  	v16 =	vld [tilespmem:s26+$0x5090];
	_ =	sdelay $0x4  }
0xf5: {  	[tilespmem:$0x1FD70] =	vst v16  }
0xf6: {  	v16 =	vld [tilespmem:s26+$0x10A0];
	_ =	sdelay $0x4  }
0xf7: {  	[tilespmem:$0x1FD80] =	vst v16  }
0xf8: {  	v16 =	vld [tilespmem:s26+$0x50A0];
	_ =	sdelay $0x4  }
0xf9: {  	[tilespmem:$0x1FD90] =	vst v16  }
0xfa: {  	v16 =	vld [tilespmem:s26+$0x10B0];
	_ =	sdelay $0x4  }
0xfb: {  	[tilespmem:$0x1FDA0] =	vst v16  }
0xfc: {  	v16 =	vld [tilespmem:s26+$0x50B0];
	_ =	sdelay $0x4  }
0xfd: {  	[tilespmem:$0x1FDB0] =	vst v16  }
0xfe: {  	v16 =	vld [tilespmem:s26+$0x10C0];
	_ =	sdelay $0x4  }
0xff: {  	[tilespmem:$0x1FDC0] =	vst v16  }
0x100: {  	v16 =	vld [tilespmem:s26+$0x50C0];
	_ =	sdelay $0x4  }
0x101: {  	[tilespmem:$0x1FDD0] =	vst v16  }
0x102: {  	v16 =	vld [tilespmem:s26+$0x10D0];
	_ =	sdelay $0x4  }
0x103: {  	[tilespmem:$0x1FDE0] =	vst v16  }
0x104: {  	v16 =	vld [tilespmem:s26+$0x50D0];
	_ =	sdelay $0x4  }
0x105: {  	[tilespmem:$0x1FDF0] =	vst v16  }
0x106: {  	v16 =	vld [tilespmem:s26+$0x10E0];
	_ =	sdelay $0x4  }
0x107: {  	[tilespmem:$0x1FE00] =	vst v16  }
0x108: {  	v16 =	vld [tilespmem:s26+$0x50E0];
	_ =	sdelay $0x4  }
0x109: {  	[tilespmem:$0x1FE10] =	vst v16  }
0x10a: {  	v16 =	vld [tilespmem:s26+$0x10F0];
	_ =	sdelay $0x4  }
0x10b: {  	[tilespmem:$0x1FE20] =	vst v16  }
0x10c: {  	v16 =	vld [tilespmem:s26+$0x50F0];
	_ =	sdelay $0x4  }
0x10d: {  	[tilespmem:$0x1FE30] =	vst v16  }
0x10e: {  	v16 =	vld [tilespmem:s26+$0x1100];
	_ =	sdelay $0x4  }
0x10f: {  	[tilespmem:$0x1FE40] =	vst v16  }
0x110: {  	v16 =	vld [tilespmem:s26+$0x5100];
	_ =	sdelay $0x4  }
0x111: {  	[tilespmem:$0x1FE50] =	vst v16  }
0x112: {  	v16 =	vld [tilespmem:s26+$0x1110];
	_ =	sdelay $0x4  }
0x113: {  	[tilespmem:$0x1FE60] =	vst v16  }
0x114: {  	v16 =	vld [tilespmem:s26+$0x1120];
	_ =	sdelay $0x4  }
0x115: {  	v41 =	vld [tilespmem:s26+$0x5110];
	[tilespmem:$0x1FE70] =	vst v16  }
0x116: {  	v16 =	vld [tilespmem:s26+$0x5120];
	_ =	sdelay $0x4  }
0x117: {  	[tilespmem:$0x1FE80] =	vst v16  }
0x118: {  	v16 =	vld [tilespmem:s26+$0x1130];
	_ =	sdelay $0x4  }
0x119: {  	[tilespmem:$0x1FE90] =	vst v16  }
0x11a: {  	v40 =	vld [tilespmem:s26+$0x5130]  }
0x11b: {  	v44 =	vld [tilespmem:s26+$0x1140]  }
0x11c: {  	v37 =	vld [tilespmem:s26+$0x5140]  }
0x11d: {  	v45 =	vld [tilespmem:s26+$0x1150]  }
0x11e: {  	v32 =	vld [tilespmem:s26+$0x5150]  }
0x11f: {  	v46 =	vld [tilespmem:s26+$0x1160]  }
0x120: {  	v29 =	vld [tilespmem:s26+$0x5160]  }
0x121: {  	v47 =	vld [tilespmem:s26+$0x1170]  }
0x122: {  	v24 =	vld [tilespmem:s26+$0x5170]  }
0x123: {  	v48 =	vld [tilespmem:s26+$0x1180]  }
0x124: {  	v49 =	vld [tilespmem:s26+$0x5180]  }
0x125: {  	v50 =	vld [tilespmem:s26+$0x1190]  }
0x126: {  	v51 =	vld [tilespmem:s26+$0x5190]  }
0x127: {  	v52 =	vld [tilespmem:s26+$0x11A0]  }
0x128: {  	v53 =	vld [tilespmem:s26+$0x51A0]  }
0x129: {  	v54 =	vld [tilespmem:s26+$0x11B0]  }
0x12a: {  	v55 =	vld [tilespmem:s26+$0x51B0]  }
0x12b: {  	v56 =	vld [tilespmem:s26+$0x11C0]  }
0x12c: {  	v57 =	vld [tilespmem:s26+$0x51C0]  }
0x12d: {  	v58 =	vld [tilespmem:s26+$0x11D0]  }
0x12e: {  	v59 =	vld [tilespmem:s26+$0x51D0]  }
0x12f: {  	v60 =	vld [tilespmem:s26+$0x11E0]  }
0x130: {  	v61 =	vld [tilespmem:s26+$0x51E0]  }
0x131: {  	v62 =	vld [tilespmem:s26+$0x9000]  }
0x132: {  	v63 =	vld [tilespmem:s26+$0x9010]  }
0x133: {  	v19 =	vld [tilespmem:s26+$0x9020]  }
0x134: {  	v21 =	vld [tilespmem:s26+$0x9030]  }
0x135: {  	v20 =	vld [tilespmem:s26+$0x9040]  }
0x136: {  	v22 =	vld [tilespmem:s26+$0x9050]  }
0x137: {  	v0 =	vadd.f32 v1, v0;
	v23 =	vld [tilespmem:s26+$0x9060]  }
0x138: {  	v26 =	vld [tilespmem:s26+$0x9070]  }
0x139: {  	v0 =	vadd.f32 v3, v0;
	v25 =	vld [tilespmem:s26+$0x9080]  }
0x13a: {  	v27 =	vld [tilespmem:s26+$0x9090]  }
0x13b: {  	v0 =	vadd.f32 v5, v0;
	v28 =	vld [tilespmem:s26+$0x90A0]  }
0x13c: {  	v30 =	vld [tilespmem:s26+$0x90B0]  }
0x13d: {  	v0 =	vadd.f32 v7, v0;
	v31 =	vld [tilespmem:s26+$0x90C0]  }
0x13e: {  	v34 =	vld [tilespmem:s26+$0x90D0]  }
0x13f: {  	[tilespmem:s26+$0x151F0] =	vst v0;
	v0 =	vld [tilespmem:s26+$0x9130]  }
0x140: {  	v33 =	vld [tilespmem:s26+$0x90E0]  }
0x141: {  	v35 =	vld [tilespmem:s26+$0x90F0]  }
0x142: {  	v36 =	vld [tilespmem:s26+$0x9100]  }
0x143: {  	v38 =	vld [tilespmem:s26+$0x9110]  }
0x144: {  	v39 =	vld [tilespmem:s26+$0x9120];
	[tilespmem:$0x1FEA0] =	vst v0  }
0x145: {  	v0 =	vld [tilespmem:s26+$0x9150];
	_ =	sdelay $0x4  }
0x146: {  	v43 =	vld [tilespmem:s26+$0x9140];
	[tilespmem:$0x1FEB0] =	vst v0  }
0x147: {  	v0 =	vld [tilespmem:s26+$0x9160];
	_ =	sdelay $0x4  }
0x148: {  	[tilespmem:$0x1FEC0] =	vst v0  }
0x149: {  	v0 =	vld [tilespmem:s26+$0x9170];
	_ =	sdelay $0x4  }
0x14a: {  	[tilespmem:$0x1FED0] =	vst v0  }
0x14b: {  	v0 =	vld [tilespmem:s26+$0x9180];
	_ =	sdelay $0x4  }
0x14c: {  	[tilespmem:$0x1FEE0] =	vst v0  }
0x14d: {  	v0 =	vld [tilespmem:s26+$0x9190];
	_ =	sdelay $0x4  }
0x14e: {  	[tilespmem:$0x1FEF0] =	vst v0  }
0x14f: {  	v0 =	vld [tilespmem:s26+$0x91A0];
	_ =	sdelay $0x4  }
0x150: {  	[tilespmem:$0x1FF00] =	vst v0  }
0x151: {  	v0 =	vld [tilespmem:s26+$0x91B0];
	_ =	sdelay $0x4  }
0x152: {  	[tilespmem:$0x1FF10] =	vst v0  }
0x153: {  	v0 =	vld [tilespmem:s26+$0x91C0];
	_ =	sdelay $0x4  }
0x154: {  	[tilespmem:$0x1FF30] =	vst v0  }
0x155: {  	v0 =	vld [tilespmem:s26+$0x91D0];
	_ =	sdelay $0x4  }
0x156: {  	[tilespmem:$0x1FF40] =	vst v0  }
0x157: {  	v0 =	vld [tilespmem:s26+$0x91E0];
	_ =	sdelay $0x4  }
0x158: {  	[tilespmem:$0x1FF50] =	vst v0  }
0x159: {  	v0 =	vld [tilespmem:s26+$0xD000];
	_ =	sdelay $0x4  }
0x15a: {  	[tilespmem:$0x1FF20] =	vst v0  }
0x15b: {  	v0 =	vld [tilespmem:s26+$0xD010];
	_ =	sdelay $0x4  }
0x15c: {  	[tilespmem:$0x1FF60] =	vst v0  }
0x15d: {  	v1 =	vld [tilespmem:s26+$0xD020];
	_ =	sdelay $0x4  }
0x15e: {  	[tilespmem:$0x1FF70] =	vst v1  }
0x15f: {  	v0 =	vadd.f32 v4, v2;
	v2 =	vld [tilespmem:s26+$0xD030];
	_ =	sdelay $0x4  }
0x160: {  	v5 =	vld [tilespmem:$0x1FD30];
	[tilespmem:$0x1FF80] =	vst v2  }
0x161: {  	v3 =	vld [tilespmem:s26+$0xD040]  }
0x162: {  	v4 =	vld [tilespmem:$0x1FD20];
	_ =	sdelay $0x3  }
0x163: {  	[tilespmem:$0x1FF90] =	vst v3  }
0x164: {  	v2 =	vadd.f32 v14, v13;
	v14 =	vadd.f32 v5, v4;
	v4 =	vld [tilespmem:s26+$0xD050];
	_ =	sdelay $0x3  }
0x165: {  	v5 =	vld [tilespmem:$0x1FD50]  }
0x166: {  	[tilespmem:$0x1FFA0] =	vst v4;
	v4 =	vld [tilespmem:$0x1FD40];
	_ =	sdelay $0x3  }
0x167: {  	v16 =	vadd.f32 v9, v6;
	v6 =	vld [tilespmem:$0x1FD70]  }
0x168: {  	v4 =	vadd.f32 v5, v4;
	v5 =	vld [tilespmem:$0x1FD60];
	_ =	sdelay $0x3  }
0x169: {  	v1 =	vadd.f32 v10, v8  }
0x16a: {  	v10 =	vadd.f32 v18, v15;
	v18 =	vadd.f32 v6, v5;
	v5 =	vld [tilespmem:s26+$0xD060];
	_ =	sdelay $0x3  }
0x16b: {  	v6 =	vld [tilespmem:$0x1FD90]  }
0x16c: {  	[tilespmem:$0x1FFB0] =	vst v5;
	v5 =	vld [tilespmem:$0x1FD80];
	_ =	sdelay $0x3  }
0x16d: {  	v7 =	vld [tilespmem:$0x1FDB0]  }
0x16e: {  	v5 =	vadd.f32 v6, v5;
	v6 =	vld [tilespmem:$0x1FDA0];
	_ =	sdelay $0x4  }
0x16f: {  	v12 =	vadd.f32 v12, v11;
	v11 =	vadd.f32 v7, v6;
	v6 =	vld [tilespmem:s26+$0xD070];
	_ =	sdelay $0x3  }
0x170: {  	v7 =	vld [tilespmem:$0x1FDD0]  }
0x171: {  	[tilespmem:$0x1FFC0] =	vst v6;
	v6 =	vld [tilespmem:$0x1FDC0];
	_ =	sdelay $0x3  }
0x172: {  	v8 =	vld [tilespmem:$0x1FDF0]  }
0x173: {  	v6 =	vadd.f32 v7, v6;
	v7 =	vld [tilespmem:$0x1FDE0];
	_ =	sdelay $0x4  }
0x174: {  	v13 =	vadd.f32 v8, v7;
	v7 =	vld [tilespmem:s26+$0xD080];
	_ =	sdelay $0x3  }
0x175: {  	v8 =	vld [tilespmem:$0x1FE10]  }
0x176: {  	[tilespmem:$0x1FFD0] =	vst v7;
	v7 =	vld [tilespmem:$0x1FE00];
	_ =	sdelay $0x3  }
0x177: {  	v9 =	vld [tilespmem:$0x1FE30]  }
0x178: {  	v7 =	vadd.f32 v8, v7;
	v8 =	vld [tilespmem:$0x1FE20];
	_ =	sdelay $0x4  }
0x179: {  	v15 =	vadd.f32 v9, v8;
	v8 =	vld [tilespmem:$0x1FE40]  }
0x17a: {  	v9 =	vld [tilespmem:$0x1FE50];
	_ =	sdelay $0x4  }
0x17b: {  	v8 =	vadd.f32 v9, v8;
	v9 =	vld [tilespmem:$0x1FE60];
	_ =	sdelay $0x4  }
0x17c: {  	v3 =	vadd.f32 v42, v17;
	v17 =	vadd.f32 v41, v9;
	v9 =	vld [tilespmem:s26+$0xD0A0];
	_ =	sdelay $0x2  }
0x17d: {  	v42 =	vld [tilespmem:s26+$0xD090]  }
0x17e: {  	v41 =	vld [tilespmem:$0x1FE80]  }
0x17f: {  	[tilespmem:$0x1FFE0] =	vst v9;
	v9 =	vld [tilespmem:$0x1FE70];
	_ =	sdelay $0x4  }
0x180: {  	v9 =	vadd.f32 v41, v9;
	v41 =	vld [tilespmem:$0x1FE90]  }
0x181: {  	v37 =	vadd.f32 v37, v44;
	_ =	sdelay $0x1  }
0x182: {  	v6 =	vadd.f32 v31, v6;
	v31 =	vadd.f32 v43, v37;
	v43 =	vld [tilespmem:$0x1FEF0]  }
0x183: {  	v24 =	vadd.f32 v24, v47;
	v0 =	vadd.f32 v62, v0;
	v62 =	vld [tilespmem:$0x1FEE0]  }
0x184: {  	v47 =	vadd.f32 v51, v50;
	v40 =	vadd.f32 v40, v41;
	v41 =	vld [tilespmem:s26+$0xD0B0]  }
0x185: {  	v50 =	vadd.f32 v55, v54;
	v55 =	vadd.f32 v61, v60;
	v61 =	vld [tilespmem:$0x1FED0]  }
0x186: {  	v29 =	vadd.f32 v29, v46;
	v46 =	vadd.f32 v49, v48;
	v49 =	vld [tilespmem:$0x1FF20]  }
0x187: {  	v37 =	vadd.f32 v43, v47;
	v47 =	vld [tilespmem:$0x1FF10]  }
0x188: {  	v15 =	vadd.f32 v35, v15;
	v35 =	vadd.f32 v62, v46;
	v46 =	vld [tilespmem:$0x1FF00]  }
0x189: {  	[tilespmem:$0x1FFF0] =	vst v41;
	v41 =	vadd.f32 v53, v52;
	v52 =	vadd.f32 v57, v56;
	v57 =	vld [tilespmem:$0x1FEA0]  }
0x18a: {  	v53 =	vadd.f32 v59, v58;
	v58 =	vld [tilespmem:$0x1FEB0]  }
0x18b: {  	v59 =	vld [tilespmem:$0x1FEC0]  }
0x18c: {  	v44 =	vld [tilespmem:s26+$0xD0C0]  }
0x18d: {  	v32 =	vadd.f32 v32, v45;
	v45 =	vld [tilespmem:s26+$0xD0D0]  }
0x18e: {  	v48 =	vld [tilespmem:s26+$0xD0E0]  }
0x18f: {  	v51 =	vld [tilespmem:s26+$0xD0F0]  }
0x190: {  	v54 =	vld [tilespmem:s26+$0xD100]  }
0x191: {  	v56 =	vld [tilespmem:s26+$0xD110]  }
0x192: {  	v1 =	vadd.f32 v19, v1;
	v19 =	vld [tilespmem:s26+$0xD120]  }
0x193: {  	v2 =	vadd.f32 v20, v2;
	v20 =	vld [tilespmem:s26+$0xD130]  }
0x194: {  	v12 =	vadd.f32 v21, v12;
	v21 =	vld [tilespmem:s26+$0xD140]  }
0x195: {  	v10 =	vadd.f32 v22, v10;
	v22 =	vld [tilespmem:s26+$0xD150]  }
0x196: {  	v3 =	vadd.f32 v23, v3;
	v23 =	vld [tilespmem:s26+$0xD160]  }
0x197: {  	v4 =	vadd.f32 v25, v4;
	v25 =	vld [tilespmem:s26+$0xD170]  }
0x198: {  	v14 =	vadd.f32 v26, v14;
	v26 =	vld [tilespmem:s26+$0xD180]  }
0x199: {  	v18 =	vadd.f32 v27, v18;
	v27 =	vld [tilespmem:s26+$0xD190]  }
0x19a: {  	v5 =	vadd.f32 v28, v5;
	v28 =	vld [tilespmem:s26+$0xD1A0]  }
0x19b: {  	v7 =	vadd.f32 v33, v7;
	v33 =	vld [tilespmem:s26+$0xD1B0]  }
0x19c: {  	v60 =	vld [tilespmem:s26+$0x11000]  }
0x19d: {  	v16 =	vadd.f32 v63, v16;
	v63 =	vld [tilespmem:s26+$0x11010]  }
0x19e: {  	v9 =	vadd.f32 v39, v9;
	v39 =	vld [tilespmem:s26+$0x11020]  }
0x19f: {  	v11 =	vadd.f32 v30, v11;
	v13 =	vadd.f32 v34, v13;
	v34 =	vld [tilespmem:s26+$0x11050]  }
0x1a0: {  	v30 =	vadd.f32 v57, v40;
	v40 =	vadd.f32 v47, v50;
	v50 =	vld [tilespmem:$0x1FF30]  }
0x1a1: {  	v62 =	vld [tilespmem:s26+$0x11080]  }
0x1a2: {  	v17 =	vadd.f32 v38, v17;
	v38 =	vadd.f32 v46, v41;
	v41 =	vld [tilespmem:s26+$0x11030]  }
0x1a3: {  	v47 =	vld [tilespmem:s26+$0x11040]  }
0x1a4: {  	v57 =	vld [tilespmem:$0x1FF60]  }
0x1a5: {  	v43 =	vadd.f32 v50, v52;
	v52 =	vld [tilespmem:$0x1FF40]  }
0x1a6: {  	v0 =	vadd.f32 v49, v0;
	v32 =	vadd.f32 v58, v32;
	v58 =	vld [tilespmem:$0x1FF70]  }
0x1a7: {  	v29 =	vadd.f32 v59, v29;
	v59 =	vld [tilespmem:$0x1FF80]  }
0x1a8: {  	v0 =	vadd.f32 v60, v0;
	v60 =	vld [tilespmem:$0x1FF90]  }
0x1a9: {  	v50 =	vld [tilespmem:s26+$0x11060]  }
0x1aa: {  	v46 =	vadd.f32 v52, v53;
	v53 =	vld [tilespmem:$0x1FF50];
	[tilespmem:s26+$0x15000] =	vst v0  }
0x1ab: {  	v0 =	vld [tilespmem:$0x1FFA0]  }
0x1ac: {  	v16 =	vadd.f32 v57, v16;
	v52 =	vld [tilespmem:s26+$0xD1C0]  }
0x1ad: {  	v24 =	vadd.f32 v61, v24;
	v61 =	vld [tilespmem:$0x1FFC0]  }
0x1ae: {  	v16 =	vadd.f32 v63, v16;
	v63 =	vld [tilespmem:$0x1FFD0]  }
0x1af: {  	v1 =	vadd.f32 v58, v1;
	v49 =	vadd.f32 v53, v55;
	v53 =	vld [tilespmem:s26+$0x11090]  }
0x1b0: {  	v18 =	vadd.f32 v42, v18;
	v0 =	vadd.f32 v0, v10;
	v10 =	vld [tilespmem:$0x1FFB0]  }
0x1b1: {  	v8 =	vadd.f32 v36, v8;
	v1 =	vadd.f32 v39, v1;
	v55 =	vld [tilespmem:s26+$0x110A0];
	[tilespmem:s26+$0x15010] =	vst v16  }
0x1b2: {  	v6 =	vadd.f32 v44, v6;
	v12 =	vadd.f32 v59, v12;
	v57 =	vld [tilespmem:$0x1FFE0]  }
0x1b3: {  	v2 =	vadd.f32 v60, v2;
	v14 =	vadd.f32 v61, v14;
	v61 =	vld [tilespmem:s26+$0xD1E0];
	[tilespmem:s26+$0x15020] =	vst v1  }
0x1b4: {  	v12 =	vadd.f32 v41, v12;
	v4 =	vadd.f32 v63, v4;
	v58 =	vld [tilespmem:$0x1FFF0]  }
0x1b5: {  	v1 =	vadd.f32 v47, v2;
	v3 =	vadd.f32 v10, v3;
	v10 =	vld [tilespmem:s26+$0x11070]  }
0x1b6: {  	v13 =	vadd.f32 v45, v13;
	[tilespmem:s26+$0x15030] =	vst v12;
	v0 =	vadd.f32 v34, v0;
	v12 =	vld [tilespmem:s26+$0x110C0]  }
0x1b7: {  	v2 =	vld [tilespmem:s26+$0x110B0];
	[tilespmem:s26+$0x15040] =	vst v1;
	v1 =	vadd.f32 v62, v4;
	v5 =	vadd.f32 v57, v5  }
0x1b8: {  	v7 =	vadd.f32 v48, v7;
	v4 =	vld [tilespmem:s26+$0x110D0];
	[tilespmem:s26+$0x15050] =	vst v0;
	v3 =	vadd.f32 v50, v3  }
0x1b9: {  	[tilespmem:s26+$0x15080] =	vst v1;
	v1 =	vadd.f32 v51, v15;
	v15 =	vld [tilespmem:s26+$0x110F0];
	v5 =	vadd.f32 v55, v5  }
0x1ba: {  	v0 =	vld [tilespmem:s26+$0x110E0];
	v11 =	vadd.f32 v58, v11;
	[tilespmem:s26+$0x15060] =	vst v3;
	v10 =	vadd.f32 v10, v14  }
0x1bb: {  	v3 =	vadd.f32 v53, v18;
	[tilespmem:s26+$0x150A0] =	vst v5;
	v5 =	vadd.f32 v12, v6;
	v6 =	vld [tilespmem:s26+$0x11120]  }
0x1bc: {  	v8 =	vadd.f32 v54, v8;
	v2 =	vadd.f32 v2, v11;
	[tilespmem:s26+$0x15070] =	vst v10;
	v10 =	vld [tilespmem:s26+$0x11100]  }
0x1bd: {  	v9 =	vadd.f32 v19, v9;
	v59 =	vadd.f32 v56, v17;
	[tilespmem:s26+$0x15090] =	vst v3;
	v3 =	vld [tilespmem:s26+$0x11110]  }
0x1be: {  	v1 =	vadd.f32 v15, v1;
	[tilespmem:s26+$0x150B0] =	vst v2;
	v2 =	vadd.f32 v4, v13;
	v4 =	vld [tilespmem:s26+$0x11130]  }
0x1bf: {  	v60 =	vadd.f32 v25, v24;
	v62 =	vadd.f32 v26, v35;
	[tilespmem:s26+$0x150C0] =	vst v5;
	v5 =	vld [tilespmem:s26+$0x11140]  }
0x1c0: {  	v63 =	vld [tilespmem:s26+$0x11170];
	v11 =	vadd.f32 v20, v30;
	v0 =	vadd.f32 v0, v7;
	[tilespmem:s26+$0x150F0] =	vst v1  }
0x1c1: {  	[tilespmem:s26+$0x150D0] =	vst v2;
	v1 =	vadd.f32 v6, v9;
	v2 =	vadd.f32 v10, v8;
	v8 =	vld [tilespmem:s26+$0x11150]  }
0x1c2: {  	v12 =	vadd.f32 v21, v31;
	v15 =	vld [tilespmem:s26+$0x11160];
	v13 =	vadd.f32 v22, v32;
	[tilespmem:s26+$0x150E0] =	vst v0  }
0x1c3: {  	v14 =	vld [tilespmem:s26+$0xD1D0];
	v0 =	vadd.f32 v3, v59;
	v3 =	vadd.f32 v27, v37;
	[tilespmem:s26+$0x15120] =	vst v1  }
0x1c4: {  	v5 =	vadd.f32 v5, v12;
	[tilespmem:s26+$0x15100] =	vst v2;
	v2 =	vadd.f32 v4, v11;
	v11 =	vld [tilespmem:s26+$0x11180]  }
0x1c5: {  	v7 =	vld [tilespmem:s26+$0x11190];
	v10 =	vadd.f32 v23, v29;
	v1 =	vadd.f32 v33, v40;
	[tilespmem:s26+$0x15110] =	vst v0  }
0x1c6: {  	v6 =	vld [tilespmem:s26+$0x111A0];
	v12 =	vadd.f32 v63, v60;
	[tilespmem:s26+$0x15140] =	vst v5;
	v9 =	vadd.f32 v8, v13  }
0x1c7: {  	v0 =	vadd.f32 v28, v38;
	v10 =	vadd.f32 v15, v10;
	[tilespmem:s26+$0x15130] =	vst v2;
	v8 =	vld [tilespmem:s26+$0x111B0]  }
0x1c8: {  	v4 =	vadd.f32 v52, v43;
	v5 =	vadd.f32 v14, v46;
	[tilespmem:s26+$0x15150] =	vst v9;
	v9 =	vld [tilespmem:s26+$0x111C0]  }
0x1c9: {  	s29 =	simm.s32 $0x800;
	s28 =	simm.s32 $0x0;
	v2 =	vadd.f32 v61, v49;
	[tilespmem:s26+$0x15160] =	vst v10;
	v10 =	vld [tilespmem:s26+$0x111D0];
	v11 =	vadd.f32 v11, v62  }
.LBB2_3:
0x1ca: {  	s30 =	sshra.s32 s29, $0x2;
	[tilespmem:s26+$0x15170] =	vst v12;
	v3 =	vadd.f32 v7, v3;
	v7 =	vld [tilespmem:s26+$0x111E0]  }
0x1cb: {  	s28 =	sadd.s32 $0x4, s28;
	v12 =	vld [tilespmem:s30+$0x11F0];
	[tilespmem:s26+$0x15180] =	vst v11;
	v0 =	vadd.f32 v6, v0  }
0x1cc: {  	p0 =	slt.u32 s28, $0x7C;
	v6 =	vld [tilespmem:s30+$0x51F0];
	[tilespmem:s26+$0x15190] =	vst v3;
	v1 =	vadd.f32 v8, v1  }
0x1cd: {  	v3 =	vld [tilespmem:s30+$0x1000];
	[tilespmem:s26+$0x151A0] =	vst v0;
	v0 =	vadd.f32 v9, v4  }
0x1ce: {  	v4 =	vld [tilespmem:s30+$0x91F0];
	[tilespmem:s26+$0x151B0] =	vst v1;
	v1 =	vadd.f32 v10, v5  }
0x1cf: {  	v5 =	vld [tilespmem:s30+$0x5000];
	[tilespmem:s26+$0x151C0] =	vst v0;
	v0 =	vadd.f32 v7, v2  }
0x1d0: {  	v2 =	vld [tilespmem:s30+$0xD1F0];
	[tilespmem:s26+$0x151D0] =	vst v1  }
0x1d1: {  	v1 =	vld [tilespmem:s30+$0x1010];
	v6 =	vadd.f32 v6, v12;
	[tilespmem:s26+$0x151E0] =	vst v0;
	s26 =	smov.u32 s30  }
0x1d2: {  	v7 =	vld [tilespmem:s26+$0x111F0]  }
0x1d3: {  	v8 =	vld [tilespmem:s26+$0x5010];
	v4 =	vadd.f32 v4, v6  }
0x1d4: {  	v0 =	vadd.f32 v5, v3;
	v3 =	vld [tilespmem:s26+$0x1020]  }
0x1d5: {  	v5 =	vld [tilespmem:s26+$0x5020];
	v2 =	vadd.f32 v2, v4  }
0x1d6: {  	v4 =	vld [tilespmem:s26+$0x1030]  }
0x1d7: {  	v6 =	vld [tilespmem:s26+$0x5030];
	v2 =	vadd.f32 v7, v2  }
0x1d8: {  	v1 =	vadd.f32 v8, v1;
	v7 =	vld [tilespmem:s26+$0x1040]  }
0x1d9: {  	v8 =	vld [tilespmem:s26+$0x5040];
	[tilespmem:s26+$0x151F0] =	vst v2  }
0x1da: {  	v2 =	vadd.f32 v5, v3;
	v5 =	vld [tilespmem:s26+$0x1050]  }
0x1db: {  	v9 =	vld [tilespmem:s26+$0x5050]  }
0x1dc: {  	v3 =	vadd.f32 v6, v4;
	v6 =	vld [tilespmem:s26+$0x1060]  }
0x1dd: {  	v10 =	vld [tilespmem:s26+$0x5060]  }
0x1de: {  	v4 =	vadd.f32 v8, v7;
	v7 =	vld [tilespmem:s26+$0x1070]  }
0x1df: {  	v8 =	vld [tilespmem:s26+$0x5070]  }
0x1e0: {  	v5 =	vadd.f32 v9, v5;
	v9 =	vld [tilespmem:s26+$0x1080]  }
0x1e1: {  	v11 =	vld [tilespmem:s26+$0x5080]  }
0x1e2: {  	v6 =	vadd.f32 v10, v6;
	v10 =	vld [tilespmem:s26+$0x1090]  }
0x1e3: {  	v12 =	vld [tilespmem:s26+$0x5090]  }
0x1e4: {  	v7 =	vadd.f32 v8, v7;
	v13 =	vld [tilespmem:s26+$0x10A0]  }
0x1e5: {  	v14 =	vld [tilespmem:s26+$0x50A0]  }
0x1e6: {  	v8 =	vadd.f32 v11, v9;
	v11 =	vld [tilespmem:s26+$0x10B0]  }
0x1e7: {  	v15 =	vld [tilespmem:s26+$0x50B0]  }
0x1e8: {  	v9 =	vadd.f32 v12, v10;
	v12 =	vld [tilespmem:s26+$0x10C0]  }
0x1e9: {  	v16 =	vld [tilespmem:s26+$0x50C0]  }
0x1ea: {  	v10 =	vadd.f32 v14, v13;
	v13 =	vld [tilespmem:s26+$0x10D0]  }
0x1eb: {  	v14 =	vld [tilespmem:s26+$0x50D0]  }
0x1ec: {  	v11 =	vadd.f32 v15, v11;
	v15 =	vld [tilespmem:s26+$0x10E0]  }
0x1ed: {  	v17 =	vld [tilespmem:s26+$0x50E0]  }
0x1ee: {  	v12 =	vadd.f32 v16, v12;
	v16 =	vld [tilespmem:s26+$0x10F0]  }
0x1ef: {  	v18 =	vld [tilespmem:s26+$0x50F0]  }
0x1f0: {  	v13 =	vadd.f32 v14, v13;
	v14 =	vld [tilespmem:s26+$0x1100]  }
0x1f1: {  	v19 =	vld [tilespmem:s26+$0x5100]  }
0x1f2: {  	v15 =	vadd.f32 v17, v15;
	v17 =	vld [tilespmem:s26+$0x1110]  }
0x1f3: {  	v20 =	vld [tilespmem:s26+$0x5110]  }
0x1f4: {  	v16 =	vadd.f32 v18, v16;
	v18 =	vld [tilespmem:s26+$0x1120]  }
0x1f5: {  	v21 =	vld [tilespmem:s26+$0x5120]  }
0x1f6: {  	v14 =	vadd.f32 v19, v14;
	v19 =	vld [tilespmem:s26+$0x1130]  }
0x1f7: {  	v22 =	vld [tilespmem:s26+$0x5130]  }
0x1f8: {  	v17 =	vadd.f32 v20, v17;
	v20 =	vld [tilespmem:s26+$0x1140]  }
0x1f9: {  	v23 =	vld [tilespmem:s26+$0x5140]  }
0x1fa: {  	v18 =	vadd.f32 v21, v18;
	v21 =	vld [tilespmem:s26+$0x1150]  }
0x1fb: {  	v24 =	vld [tilespmem:s26+$0x5150]  }
0x1fc: {  	v19 =	vadd.f32 v22, v19;
	v22 =	vld [tilespmem:s26+$0x1160]  }
0x1fd: {  	v25 =	vld [tilespmem:s26+$0x5160]  }
0x1fe: {  	v20 =	vadd.f32 v23, v20;
	v23 =	vld [tilespmem:s26+$0x1170]  }
0x1ff: {  	v26 =	vld [tilespmem:s26+$0x5170]  }
0x200: {  	v21 =	vadd.f32 v24, v21;
	v24 =	vld [tilespmem:s26+$0x1180]  }
0x201: {  	v27 =	vld [tilespmem:s26+$0x5180]  }
0x202: {  	v22 =	vadd.f32 v25, v22;
	v25 =	vld [tilespmem:s26+$0x1190]  }
0x203: {  	v28 =	vld [tilespmem:s26+$0x5190]  }
0x204: {  	v23 =	vadd.f32 v26, v23;
	v26 =	vld [tilespmem:s26+$0x11A0]  }
0x205: {  	v29 =	vld [tilespmem:s26+$0x51A0]  }
0x206: {  	v24 =	vadd.f32 v27, v24;
	v27 =	vld [tilespmem:s26+$0x11B0]  }
0x207: {  	v30 =	vld [tilespmem:s26+$0x51B0]  }
0x208: {  	v25 =	vadd.f32 v28, v25;
	v28 =	vld [tilespmem:s26+$0x11C0]  }
0x209: {  	v31 =	vld [tilespmem:s26+$0x51C0]  }
0x20a: {  	v26 =	vadd.f32 v29, v26;
	v29 =	vld [tilespmem:s26+$0x11D0]  }
0x20b: {  	v32 =	vld [tilespmem:s26+$0x51D0]  }
0x20c: {  	v27 =	vadd.f32 v30, v27;
	v30 =	vld [tilespmem:s26+$0x11E0]  }
0x20d: {  	v33 =	vld [tilespmem:s26+$0x51E0]  }
0x20e: {  	v34 =	vld [tilespmem:s26+$0x9000];
	v28 =	vadd.f32 v31, v28  }
0x20f: {  	v31 =	vld [tilespmem:s26+$0x9010]  }
0x210: {  	v35 =	vld [tilespmem:s26+$0x9020];
	v29 =	vadd.f32 v32, v29  }
0x211: {  	v32 =	vld [tilespmem:s26+$0x9030]  }
0x212: {  	v36 =	vld [tilespmem:s26+$0x9040];
	v30 =	vadd.f32 v33, v30  }
0x213: {  	v0 =	vadd.f32 v34, v0;
	v33 =	vld [tilespmem:s26+$0x9050]  }
0x214: {  	v1 =	vadd.f32 v31, v1;
	v31 =	vld [tilespmem:s26+$0x9060]  }
0x215: {  	v2 =	vadd.f32 v35, v2;
	v34 =	vld [tilespmem:s26+$0x9070]  }
0x216: {  	v3 =	vadd.f32 v32, v3;
	v32 =	vld [tilespmem:s26+$0x9080]  }
0x217: {  	v4 =	vadd.f32 v36, v4;
	v35 =	vld [tilespmem:s26+$0x9090]  }
0x218: {  	v5 =	vadd.f32 v33, v5;
	v33 =	vld [tilespmem:s26+$0x90A0]  }
0x219: {  	v6 =	vadd.f32 v31, v6;
	v31 =	vld [tilespmem:s26+$0x90B0]  }
0x21a: {  	v7 =	vadd.f32 v34, v7;
	v34 =	vld [tilespmem:s26+$0x90C0]  }
0x21b: {  	v8 =	vadd.f32 v32, v8;
	v32 =	vld [tilespmem:s26+$0x90D0]  }
0x21c: {  	v9 =	vadd.f32 v35, v9;
	v35 =	vld [tilespmem:s26+$0x90E0]  }
0x21d: {  	v10 =	vadd.f32 v33, v10;
	v33 =	vld [tilespmem:s26+$0x90F0]  }
0x21e: {  	v11 =	vadd.f32 v31, v11;
	v31 =	vld [tilespmem:s26+$0x9100]  }
0x21f: {  	v12 =	vadd.f32 v34, v12;
	v34 =	vld [tilespmem:s26+$0x9110]  }
0x220: {  	v13 =	vadd.f32 v32, v13;
	v32 =	vld [tilespmem:s26+$0x9120]  }
0x221: {  	v15 =	vadd.f32 v35, v15;
	v35 =	vld [tilespmem:s26+$0x9130]  }
0x222: {  	v16 =	vadd.f32 v33, v16;
	v33 =	vld [tilespmem:s26+$0x9140]  }
0x223: {  	v14 =	vadd.f32 v31, v14;
	v31 =	vld [tilespmem:s26+$0x9150]  }
0x224: {  	v17 =	vadd.f32 v34, v17;
	v34 =	vld [tilespmem:s26+$0x9160]  }
0x225: {  	v18 =	vadd.f32 v32, v18;
	v32 =	vld [tilespmem:s26+$0x9170]  }
0x226: {  	v19 =	vadd.f32 v35, v19;
	v35 =	vld [tilespmem:s26+$0x9180]  }
0x227: {  	v20 =	vadd.f32 v33, v20;
	v33 =	vld [tilespmem:s26+$0x9190]  }
0x228: {  	v21 =	vadd.f32 v31, v21;
	v31 =	vld [tilespmem:s26+$0x91A0]  }
0x229: {  	v22 =	vadd.f32 v34, v22;
	v34 =	vld [tilespmem:s26+$0x91B0]  }
0x22a: {  	v23 =	vadd.f32 v32, v23;
	v32 =	vld [tilespmem:s26+$0x91C0]  }
0x22b: {  	v24 =	vadd.f32 v35, v24;
	v35 =	vld [tilespmem:s26+$0x91D0]  }
0x22c: {  	v25 =	vadd.f32 v33, v25;
	v33 =	vld [tilespmem:s26+$0x91E0]  }
0x22d: {  	v36 =	vld [tilespmem:s26+$0xD000];
	v26 =	vadd.f32 v31, v26  }
0x22e: {  	v31 =	vld [tilespmem:s26+$0xD010];
	v27 =	vadd.f32 v34, v27  }
0x22f: {  	v34 =	vld [tilespmem:s26+$0xD020];
	v28 =	vadd.f32 v32, v28  }
0x230: {  	v32 =	vld [tilespmem:s26+$0xD030];
	v29 =	vadd.f32 v35, v29  }
0x231: {  	v35 =	vld [tilespmem:s26+$0xD040];
	v30 =	vadd.f32 v33, v30  }
0x232: {  	v33 =	vadd.f32 v36, v0;
	v0 =	vld [tilespmem:s26+$0xD050]  }
0x233: {  	v31 =	vadd.f32 v31, v1;
	v1 =	vld [tilespmem:s26+$0xD060]  }
0x234: {  	v34 =	vadd.f32 v34, v2;
	v2 =	vld [tilespmem:s26+$0xD070]  }
0x235: {  	v32 =	vadd.f32 v32, v3;
	v3 =	vld [tilespmem:s26+$0xD080]  }
0x236: {  	v35 =	vadd.f32 v35, v4;
	v4 =	vld [tilespmem:s26+$0xD090]  }
0x237: {  	v36 =	vadd.f32 v0, v5;
	v0 =	vld [tilespmem:s26+$0xD0A0]  }
0x238: {  	v6 =	vadd.f32 v1, v6;
	v1 =	vld [tilespmem:s26+$0xD0B0]  }
0x239: {  	v7 =	vadd.f32 v2, v7;
	v2 =	vld [tilespmem:s26+$0xD0C0]  }
0x23a: {  	v8 =	vadd.f32 v3, v8;
	v3 =	vld [tilespmem:s26+$0xD0D0]  }
0x23b: {  	v9 =	vadd.f32 v4, v9;
	v4 =	vld [tilespmem:s26+$0xD0E0]  }
0x23c: {  	v10 =	vadd.f32 v0, v10;
	v0 =	vld [tilespmem:s26+$0xD0F0]  }
0x23d: {  	v11 =	vadd.f32 v1, v11;
	v1 =	vld [tilespmem:s26+$0xD100]  }
0x23e: {  	v12 =	vadd.f32 v2, v12;
	v2 =	vld [tilespmem:s26+$0xD110]  }
0x23f: {  	v13 =	vadd.f32 v3, v13;
	v3 =	vld [tilespmem:s26+$0xD120]  }
0x240: {  	v15 =	vadd.f32 v4, v15;
	v4 =	vld [tilespmem:s26+$0xD130]  }
0x241: {  	v16 =	vadd.f32 v0, v16;
	v0 =	vld [tilespmem:s26+$0xD140]  }
0x242: {  	v14 =	vadd.f32 v1, v14;
	v1 =	vld [tilespmem:s26+$0xD150]  }
0x243: {  	v17 =	vadd.f32 v2, v17;
	v2 =	vld [tilespmem:s26+$0xD160]  }
0x244: {  	v18 =	vadd.f32 v3, v18;
	v3 =	vld [tilespmem:s26+$0xD170]  }
0x245: {  	v19 =	vadd.f32 v4, v19;
	v4 =	vld [tilespmem:s26+$0xD180]  }
0x246: {  	v20 =	vadd.f32 v0, v20;
	v0 =	vld [tilespmem:s26+$0xD190]  }
0x247: {  	v21 =	vadd.f32 v1, v21;
	v1 =	vld [tilespmem:s26+$0xD1A0]  }
0x248: {  	v22 =	vadd.f32 v2, v22;
	v2 =	vld [tilespmem:s26+$0xD1B0]  }
0x249: {  	v23 =	vadd.f32 v3, v23;
	v5 =	vld [tilespmem:s26+$0xD1C0]  }
0x24a: {  	v24 =	vadd.f32 v4, v24;
	v37 =	vld [tilespmem:s26+$0xD1D0]  }
0x24b: {  	v3 =	vadd.f32 v0, v25;
	v25 =	vld [tilespmem:s26+$0xD1E0]  }
0x24c: {  	v38 =	vld [tilespmem:s26+$0x11000];
	v0 =	vadd.f32 v1, v26  }
0x24d: {  	v26 =	vld [tilespmem:s26+$0x11010];
	v1 =	vadd.f32 v2, v27  }
0x24e: {  	v27 =	vld [tilespmem:s26+$0x11020];
	v4 =	vadd.f32 v5, v28  }
0x24f: {  	v28 =	vld [tilespmem:s26+$0x11030];
	v5 =	vadd.f32 v37, v29  }
0x250: {  	v29 =	vld [tilespmem:s26+$0x11040];
	v2 =	vadd.f32 v25, v30  }
0x251: {  	v25 =	vadd.f32 v38, v33;
	v30 =	vld [tilespmem:s26+$0x11050]  }
0x252: {  	v26 =	vadd.f32 v26, v31;
	v31 =	vld [tilespmem:s26+$0x11060]  }
0x253: {  	[tilespmem:s26+$0x15000] =	vst v25;
	v25 =	vadd.f32 v27, v34;
	v27 =	vld [tilespmem:s26+$0x11070]  }
0x254: {  	[tilespmem:s26+$0x15010] =	vst v26;
	v26 =	vadd.f32 v28, v32;
	v28 =	vld [tilespmem:s26+$0x11080]  }
0x255: {  	[tilespmem:s26+$0x15020] =	vst v25;
	v25 =	vadd.f32 v29, v35;
	v29 =	vld [tilespmem:s26+$0x11090]  }
0x256: {  	[tilespmem:s26+$0x15030] =	vst v26;
	v26 =	vadd.f32 v30, v36;
	v30 =	vld [tilespmem:s26+$0x110A0]  }
0x257: {  	[tilespmem:s26+$0x15040] =	vst v25;
	v6 =	vadd.f32 v31, v6;
	v25 =	vld [tilespmem:s26+$0x110B0]  }
0x258: {  	[tilespmem:s26+$0x15050] =	vst v26;
	v7 =	vadd.f32 v27, v7;
	v26 =	vld [tilespmem:s26+$0x110C0]  }
0x259: {  	[tilespmem:s26+$0x15060] =	vst v6;
	v6 =	vadd.f32 v28, v8;
	v8 =	vld [tilespmem:s26+$0x110D0]  }
0x25a: {  	[tilespmem:s26+$0x15070] =	vst v7;
	v7 =	vadd.f32 v29, v9;
	v9 =	vld [tilespmem:s26+$0x110E0]  }
0x25b: {  	[tilespmem:s26+$0x15080] =	vst v6;
	v6 =	vadd.f32 v30, v10;
	v10 =	vld [tilespmem:s26+$0x110F0]  }
0x25c: {  	[tilespmem:s26+$0x15090] =	vst v7;
	v7 =	vadd.f32 v25, v11;
	v11 =	vld [tilespmem:s26+$0x11100]  }
0x25d: {  	[tilespmem:s26+$0x150A0] =	vst v6;
	v6 =	vadd.f32 v26, v12;
	v12 =	vld [tilespmem:s26+$0x11110]  }
0x25e: {  	[tilespmem:s26+$0x150B0] =	vst v7;
	v7 =	vadd.f32 v8, v13;
	v8 =	vld [tilespmem:s26+$0x11120]  }
0x25f: {  	[tilespmem:s26+$0x150C0] =	vst v6;
	v6 =	vadd.f32 v9, v15;
	v9 =	vld [tilespmem:s26+$0x11130]  }
0x260: {  	[tilespmem:s26+$0x150D0] =	vst v7;
	v7 =	vadd.f32 v10, v16;
	v10 =	vld [tilespmem:s26+$0x11140]  }
0x261: {  	[tilespmem:s26+$0x150E0] =	vst v6;
	v6 =	vadd.f32 v11, v14;
	v11 =	vld [tilespmem:s26+$0x11150]  }
0x262: {  	[tilespmem:s26+$0x150F0] =	vst v7;
	v7 =	vadd.f32 v12, v17;
	v12 =	vld [tilespmem:s26+$0x11160]  }
0x263: {  	[tilespmem:s26+$0x15100] =	vst v6;
	v6 =	vadd.f32 v8, v18;
	v13 =	vld [tilespmem:s26+$0x11170]  }
0x264: {  	[tilespmem:s26+$0x15110] =	vst v7;
	v8 =	vadd.f32 v9, v19;
	v14 =	vld [tilespmem:s26+$0x11180]  }
.Ltmp0:
0x265: {  	[tilespmem:s26+$0x15120] =	vst v6;
	v9 =	vadd.f32 v10, v20;
	v7 =	vld [tilespmem:s26+$0x11190];
	(pc) =	sbr.rel @p0 .LBB2_3-.Ltmp0, $4  }
0x266: {  	[tilespmem:s26+$0x15130] =	vst v8;
	v10 =	vadd.f32 v11, v21;
	v6 =	vld [tilespmem:s26+$0x111A0]  }
0x267: {  	[tilespmem:s26+$0x15140] =	vst v9;
	v11 =	vadd.f32 v12, v22;
	v8 =	vld [tilespmem:s26+$0x111B0]  }
0x268: {  	[tilespmem:s26+$0x15150] =	vst v10;
	v12 =	vadd.f32 v13, v23;
	v9 =	vld [tilespmem:s26+$0x111C0]  }
0x269: {  	s29 =	sadd.s32 $0x800, s29;
	[tilespmem:s26+$0x15160] =	vst v11;
	v11 =	vadd.f32 v14, v24;
	v10 =	vld [tilespmem:s26+$0x111D0]  }
0x26a: {  	[tilespmem:s26+$0x15170] =	vst v12;
	v3 =	vadd.f32 v7, v3;
	v60 =	vld [tilespmem:s26+$0x111E0]  }
0x26b: {  	[tilespmem:s26+$0x15180] =	vst v11;
	v0 =	vadd.f32 v6, v0  }
0x26c: {  	[tilespmem:s26+$0x15190] =	vst v3;
	v1 =	vadd.f32 v8, v1  }
0x26d: {  	[tilespmem:s26+$0x151A0] =	vst v0;
	v61 =	vadd.f32 v9, v4  }
0x26e: {  	[tilespmem:s26+$0x151B0] =	vst v1;
	v62 =	vadd.f32 v10, v5  }
0x26f: {  	s28 =	sshll.u32 s25, $0x10;
	s25 =	sadd.s32 $0x1, s25;
	[tilespmem:s26+$0x151C0] =	vst v61;
	v63 =	vadd.f32 v60, v2  }
0x270: {  	p0 =	sne.s32 s25, $0x32;
	[tilespmem:s26+$0x151D0] =	vst v62  }
.Ltmp1:
0x271: {  	s31 =	sadd.s32 s28, s5;
	[tilespmem:s26+$0x151E0] =	vst v63;
	(pc) =	sbr.rel @p0 .LBB2_2-.Ltmp1, $4  }
0x272: {  	[hbm4b:s31+s2] =	stream.linear.scatter [tilespmem:s23], [sflag:$0x2], $0x4000, $0x38;
	[tilespmem:$0x19000] =	vst v63  }
0x273: {  	_ =	swait.ge [sflag:s10], $0x4000  }
0x274: {  	[sflag:s10] =	ssyncset.done $0x0  }
0x275: {  	[sflag:s10] =	ssyncadd.s32 $0xFFFFC000  }
0x276: {  	s24 =	sadd.s32 $0x1, s24  }
0x277: {  	p0 =	sne.s32 s24, s6  }
.Ltmp2:
0x278: {  	_ = 	snop;
	(pc) =	sbr.rel @p0 .LBB2_1-.Ltmp2, $1  }
0x279: {  	_ =	sdelay $0x3  }
0x27a: {  	_ =	sfence.sel $0x180000  }
0x27b: {  	[bflag:$0x0] =	sbarrier.arrive $0xFFFF  }
0x27c: {  	p0 =	sne.s32 s1, $0x0;
	_ =	strace $0x90000047  }
0x27d: {  	s0 =	sadd.s32 @!p0 $0x100000, s0;
	[bflag:$0x2] =	sbarrier.arrive $0xFFFF  }
0x27e: {  	[sflag:s0] =	ssyncadd.tile.s32 @!p0 $0x1;
	_ =	shalt  }
.Lfunc_end2:
_tile_overlayer_lowered:
.L_overlay_start_2:
0x27f: {  	(tag) =	ssettag $0x2  }
0x280: {  	s0 =	rddreg [dreg:$0x0];
	s2 =	stileid.u32  }
0x281: {  	s1 =	rddreg [dreg:$0x1];
	p0 =	sne.s32 s2, $0x0  }
0x282: {  	s3 =	rddreg [dreg:$0x2];
	[bflag:$0x3] =	sbarrier.arrive $0xFFFF;
	s2 =	simm.s32 @!p0 $0x1C02  }
0x283: {  	[timem:s3], [sflag:s2] =	dma.local @!p0 [hbm:s0], s1  }
0x284: {  	s0 =	simm.s32 @!p0 $0x2  }
0x285: {  	_ =	swait.ge @!p0 [sflag:s0], s1  }
0x286: {  	s1 =	ssub.s32 @!p0 $0x0, s1;
	[sflag:s0] =	ssyncset.done @!p0 $0x0  }
0x287: {  	[sflag:s0] =	ssyncadd.s32 @!p0 s1  }
0x288: {  	[bflag:$0x3] =	sbarrier.arrive $0xFFFF  }
0x289: {  	_ =	shalt  }

</sc_bundles>
